<compile_context>
chip_gen: v7x
topology: tpu7x:2x2x1
jax: 0.10.2.dev20260603
libtpu: 0.0.44.dev20260713+nightly
codegen_flags: <defaults>
</compile_context>

<pallas_src>
import functools

import jax
import jax.numpy as jnp
from jax import lax
from jax.experimental import pallas as pl
from jax.experimental.pallas import tpu as pltpu
from jax.experimental.pallas import tpu_sc as plsc

B = 16384
F = 26
D = 32
V = 100000

NW = 32
BPW = B // NW
CB = 8
NCHUNK = BPW // CB
ROWS = CB * F
XPW = BPW * F

_mesh = plsc.VectorSubcoreMesh(core_axis_name="c", subcore_axis_name="s")


@functools.partial(
    pl.kernel,
    out_type=jax.ShapeDtypeStruct((B, F * D), jnp.float32),
    mesh=_mesh,
    scratch_types=[
        pltpu.VMEM((XPW,), jnp.int32),
        pltpu.VMEM((2, 8, 32), jnp.int32),
        pltpu.VMEM((2, ROWS, 128), jnp.float32),
        pltpu.VMEM((CB, F * D), jnp.float32),
        pltpu.SemaphoreType.DMA,
    ],
    compiler_params=pltpu.CompilerParams(
        use_tc_tiling_on_sc=True, needs_layout_passes=False),
)
def _sc_gather(x_hbm, w_hbm, w2_hbm, out_hbm, xv, widx, gbuf, outbuf, sem):
    wid = lax.axis_index("s") * 2 + lax.axis_index("c")
    pltpu.sync_copy(x_hbm.at[pl.ds(wid * XPW, XPW)], xv)

    iota = lax.iota(jnp.int32, 16)
    pat4 = (iota // 4) * F + (iota % 4)
    pat2 = (iota // 2) * F + (iota % 2)

    def build_and_fire(c, p):
        p0 = c * ROWS
        for w in range(6):
            for t in range(2):
                src = pat4 + (p0 + 104 * t + 4 * w)
                widx[p, w, pl.ds(16 * t, 16)] = plsc.load_gather(xv, [src])
        widx[p, 6, pl.ds(0, 16)] = plsc.load_gather(xv, [pat2 + (p0 + 24)])
        for w in range(6):
            pltpu.async_copy(
                w_hbm.at[widx.at[p, w], pl.ds(128 * w, 128)],
                gbuf.at[p, pl.ds(32 * w, 32)], sem)
        pltpu.async_copy(
            w2_hbm.at[widx.at[p, 6, pl.ds(0, 16)]],
            gbuf.at[p, pl.ds(192, 16)], sem)

    build_and_fire(0, 0)

    def chunk_body(c, carry):
        p = lax.rem(c, 2)

        @pl.when(c + 1 < NCHUNK)
        def _():
            build_and_fire(c + 1, lax.rem(c + 1, 2))

        pltpu.make_async_copy(
            w_hbm.at[pl.ds(0, ROWS), pl.ds(0, 128)], gbuf.at[p], sem).wait()

        def ext_body(b, _):
            for f in range(24):
                src = 32 * (f // 4) + b * 4 + (f % 4)
                off = 32 * (f % 4)
                outbuf[b, pl.ds(32 * f, 16)] = gbuf[p, src, pl.ds(off, 16)]
                outbuf[b, pl.ds(32 * f + 16, 16)] = gbuf[p, src, pl.ds(off + 16, 16)]
            for f in range(24, F):
                src = 192 + b * 2 + (f - 24)
                off = 64 + 32 * (f - 24)
                outbuf[b, pl.ds(32 * f, 16)] = gbuf[p, src, pl.ds(off, 16)]
                outbuf[b, pl.ds(32 * f + 16, 16)] = gbuf[p, src, pl.ds(off + 16, 16)]
            return _

        lax.fori_loop(0, CB, ext_body, None)
        pltpu.sync_copy(outbuf, out_hbm.at[pl.ds(wid * BPW + c * CB, CB)])
        return carry

    lax.fori_loop(0, NCHUNK, chunk_body, None)


def kernel(x, weight):
    x32 = x.astype(jnp.int32).reshape(B * F)
    w2 = lax.slice(weight, (0, 704), (V, 832))
    return _sc_gather(x32, weight, w2)

# --- scband reference (transcript-rebuilt; emitter-appended) ---
"""Pipeline reference for scband-fast-multi-embedding-26087631356371 (READ-ONLY COPY).

The authoritative reference and input builder live on the scoring server;
editing this copy changes nothing except your own understanding.
"""

import jax, jax.numpy as jnp
import numpy as np

EMBEDDING_SIZES = [100000] * 26
EMBEDDING_DIMS = [32] * 26
MAX_SIZE = max(EMBEDDING_SIZES)
SUM_DIMS = sum(EMBEDDING_DIMS)
BATCH = 16384

# membership_index[j] = which field each fused-weight column j belongs to
MEMBERSHIP_INDEX = jnp.asarray(
    np.array([i for i, v in enumerate(EMBEDDING_DIMS) for _ in range(v)], dtype=np.int64)
)


def setup_inputs(seed: int = 0) -> dict:
    key = jax.random.key(seed)
    k_x, k_w = jax.random.split(key)
    x = jax.random.randint(k_x, (BATCH, len(EMBEDDING_SIZES)), 0, MAX_SIZE, dtype=jnp.int64)
    weight = jax.random.normal(k_w, (MAX_SIZE, SUM_DIMS), dtype=jnp.float32)
    return {"x": x, "weight": weight}


def reference(x, weight):
    # index = x.index_select(1, membership_index) -> [B, sum_dims]
    index = jnp.take(x, MEMBERSHIP_INDEX, axis=1)
    # torch.gather(weight, 0, index): out[b, j] = weight[index[b, j], j]
    out = jnp.take_along_axis(weight, index, axis=0)
    return out

if __name__ == "__main__":
    import jax
    _d = setup_inputs()
    print(jax.jit(kernel)(*tuple(_d.values())))

</pallas_src>

<mosaic_0001>
#map = affine_map<(d0, d1) -> (0)>
#map1 = affine_map<(d0, d1) -> (0, 0)>
module attributes {stable_mosaic.version = 14 : i64} {
  func.func @_sc_gather(%arg0: i32, %arg1: i32, %arg2: memref<425984xi32, #tpu.memory_space<hbm>>, %arg3: memref<100000x832xf32, #tpu.memory_space<hbm>>, %arg4: memref<100000x128xf32, #tpu.memory_space<hbm>>, %arg5: memref<16384x832xf32, #tpu.memory_space<hbm>>, %arg6: memref<13312xi32, #tpu.memory_space<vmem>>, %arg7: memref<2x8x32xi32, #tpu.memory_space<vmem>>, %arg8: memref<2x208x128xf32, #tpu.memory_space<vmem>>, %arg9: memref<8x832xf32, #tpu.memory_space<vmem>>, %arg10: memref<!tpu.dma_semaphore, #tpu.memory_space<semaphore_mem>>) attributes {dimension_semantics = [#tpu.dimension_semantics<core_parallel>, #tpu.dimension_semantics<subcore_parallel>], iteration_bounds = array<i64: 2, 16>, scalar_prefetch = 0 : i64, scratch_operands = 5 : i64, tpu.core_type = #tpu.core_type<sc_vector_subcore>, window_params = [{transform_indices = #map}, {transform_indices = #map1}, {transform_indices = #map1}, {transform_indices = #map1}]} {
    %mul3A = arith.constant 2 : i32
    %mul3A_0 = arith.muli %arg1, %mul3A : i32
    %add3A = arith.addi %mul3A_0, %arg0 : i32
    %mul3A_1 = arith.constant 13312 : i32
    %mul3A_2 = arith.muli %add3A, %mul3A_1 : i32
    "tpu.region"() ({
      %run_scoped3A = tpu.sem_alloc : memref<!tpu.dma_semaphore, #tpu.memory_space<semaphore_mem>>
      %dma_start3A_329 = tpu.memref_slice %arg2[%mul3A_2] : memref<425984xi32, #tpu.memory_space<hbm>> -> memref<13312xi32, #tpu.memory_space<hbm>>
      %dma_start3A_330 = tpu.memref_slice %arg2[%mul3A_2] : memref<425984xi32, #tpu.memory_space<hbm>> -> memref<13312xi32, #tpu.memory_space<hbm>>
      tpu.enqueue_dma source(%dma_start3A_330 : memref<13312xi32, #tpu.memory_space<hbm>>) target(%arg6 : memref<13312xi32, #tpu.memory_space<vmem>>) target_semaphore(%run_scoped3A : memref<!tpu.dma_semaphore, #tpu.memory_space<semaphore_mem>>)
      %dma_wait3A = tpu.memref_slice %arg2[%mul3A_2] : memref<425984xi32, #tpu.memory_space<hbm>> -> memref<13312xi32, #tpu.memory_space<hbm>>
      %dma_wait3A_331 = tpu.memref_slice %arg2[%mul3A_2] : memref<425984xi32, #tpu.memory_space<hbm>> -> memref<13312xi32, #tpu.memory_space<hbm>>
      tpu.wait_dma2 semaphore(%run_scoped3A : memref<!tpu.dma_semaphore, #tpu.memory_space<semaphore_mem>>) src(%dma_wait3A_331 : memref<13312xi32, #tpu.memory_space<hbm>>) dst(%arg6 : memref<13312xi32, #tpu.memory_space<vmem>>)
      tpu.yield
    }) : () -> ()
    %iota3A = tpu.iota {dimensions = array<i32: 0>} : vector<16xi32>
    %jit3A = arith.constant 4 : i32
    %div3A = vector.broadcast %jit3A : i32 to vector<16xi32>
    %div3A_3 = arith.divsi %iota3A, %div3A : vector<16xi32>
    %sign3A = arith.constant 0 : i32
    %sign3A_4 = vector.broadcast %sign3A : i32 to vector<16xi32>
    %sign3A_5 = arith.cmpi sgt, %iota3A, %sign3A_4 : vector<16xi32>
    %sign3A_6 = arith.extui %sign3A_5 : vector<16xi1> to vector<16xi32>
    %sign3A_7 = arith.constant 0 : i32
    %sign3A_8 = vector.broadcast %sign3A_7 : i32 to vector<16xi32>
    %sign3A_9 = arith.cmpi slt, %iota3A, %sign3A_8 : vector<16xi32>
    %sign3A_10 = arith.extui %sign3A_9 : vector<16xi1> to vector<16xi32>
    %sign3A_11 = arith.subi %sign3A_6, %sign3A_10 : vector<16xi32>
    %sign3A_12 = arith.constant 0 : i32
    %sign3A_13 = arith.cmpi sgt, %jit3A, %sign3A_12 : i32
    %sign3A_14 = arith.extui %sign3A_13 : i1 to i32
    %sign3A_15 = arith.constant 0 : i32
    %sign3A_16 = arith.cmpi slt, %jit3A, %sign3A_15 : i32
    %sign3A_17 = arith.extui %sign3A_16 : i1 to i32
    %sign3A_18 = arith.subi %sign3A_14, %sign3A_17 : i32
    %ne3A = vector.broadcast %sign3A_18 : i32 to vector<16xi32>
    %ne3A_19 = arith.cmpi ne, %sign3A_11, %ne3A : vector<16xi32>
    %rem3A = vector.broadcast %jit3A : i32 to vector<16xi32>
    %rem3A_20 = arith.remsi %iota3A, %rem3A : vector<16xi32>
    %ne3A_21 = arith.constant 0 : i32
    %ne3A_22 = vector.broadcast %ne3A_21 : i32 to vector<16xi32>
    %ne3A_23 = arith.cmpi ne, %rem3A_20, %ne3A_22 : vector<16xi32>
    %and3A = arith.andi %ne3A_19, %ne3A_23 : vector<16xi1>
    %sub3A = arith.constant 1 : i32
    %sub3A_24 = vector.broadcast %sub3A : i32 to vector<16xi32>
    %sub3A_25 = arith.subi %div3A_3, %sub3A_24 : vector<16xi32>
    %select_n3A = arith.select %and3A, %sub3A_25, %div3A_3 : vector<16xi1>, vector<16xi32>
    %mul3A_26 = arith.constant 26 : i32
    %mul3A_27 = vector.broadcast %mul3A_26 : i32 to vector<16xi32>
    %mul3A_28 = arith.muli %select_n3A, %mul3A_27 : vector<16xi32>
    %jit3A_29 = arith.constant 4 : i32
    %eq3A = arith.constant 0 : i32
    %eq3A_30 = arith.cmpi eq, %jit3A_29, %eq3A : i32
    %jit3A_31 = arith.constant 1 : i32
    %select_n3A_32 = arith.select %eq3A_30, %jit3A_31, %jit3A_29 : i32
    %rem3A_33 = vector.broadcast %select_n3A_32 : i32 to vector<16xi32>
    %rem3A_34 = arith.remsi %iota3A, %rem3A_33 : vector<16xi32>
    %ne3A_35 = arith.constant 0 : i32
    %ne3A_36 = vector.broadcast %ne3A_35 : i32 to vector<16xi32>
    %ne3A_37 = arith.cmpi ne, %rem3A_34, %ne3A_36 : vector<16xi32>
    %lt3A = arith.constant 0 : i32
    %lt3A_38 = vector.broadcast %lt3A : i32 to vector<16xi32>
    %lt3A_39 = arith.cmpi slt, %rem3A_34, %lt3A_38 : vector<16xi32>
    %lt3A_40 = arith.constant 0 : i32
    %lt3A_41 = arith.cmpi slt, %select_n3A_32, %lt3A_40 : i32
    %ne3A_42 = vector.broadcast %lt3A_41 : i1 to vector<16xi1>
    %ne3A_43 = vector.broadcast %ne3A_42 : vector<16xi1> to vector<16xi1>
    %ne3A_44 = arith.xori %lt3A_39, %ne3A_43 : vector<16xi1>
    %and3A_45 = arith.andi %ne3A_44, %ne3A_37 : vector<16xi1>
    %add3A_46 = vector.broadcast %select_n3A_32 : i32 to vector<16xi32>
    %add3A_47 = arith.addi %rem3A_34, %add3A_46 : vector<16xi32>
    %select_n3A_48 = arith.select %and3A_45, %add3A_47, %rem3A_34 : vector<16xi1>, vector<16xi32>
    %add3A_49 = arith.addi %mul3A_28, %select_n3A_48 : vector<16xi32>
    %jit3A_50 = arith.constant 2 : i32
    %div3A_51 = vector.broadcast %jit3A_50 : i32 to vector<16xi32>
    %div3A_52 = arith.divsi %iota3A, %div3A_51 : vector<16xi32>
    %sign3A_53 = arith.constant 0 : i32
    %sign3A_54 = vector.broadcast %sign3A_53 : i32 to vector<16xi32>
    %sign3A_55 = arith.cmpi sgt, %iota3A, %sign3A_54 : vector<16xi32>
    %sign3A_56 = arith.extui %sign3A_55 : vector<16xi1> to vector<16xi32>
    %sign3A_57 = arith.constant 0 : i32
    %sign3A_58 = vector.broadcast %sign3A_57 : i32 to vector<16xi32>
    %sign3A_59 = arith.cmpi slt, %iota3A, %sign3A_58 : vector<16xi32>
    %sign3A_60 = arith.extui %sign3A_59 : vector<16xi1> to vector<16xi32>
    %sign3A_61 = arith.subi %sign3A_56, %sign3A_60 : vector<16xi32>
    %sign3A_62 = arith.constant 0 : i32
    %sign3A_63 = arith.cmpi sgt, %jit3A_50, %sign3A_62 : i32
    %sign3A_64 = arith.extui %sign3A_63 : i1 to i32
    %sign3A_65 = arith.constant 0 : i32
    %sign3A_66 = arith.cmpi slt, %jit3A_50, %sign3A_65 : i32
    %sign3A_67 = arith.extui %sign3A_66 : i1 to i32
    %sign3A_68 = arith.subi %sign3A_64, %sign3A_67 : i32
    %ne3A_69 = vector.broadcast %sign3A_68 : i32 to vector<16xi32>
    %ne3A_70 = arith.cmpi ne, %sign3A_61, %ne3A_69 : vector<16xi32>
    %rem3A_71 = vector.broadcast %jit3A_50 : i32 to vector<16xi32>
    %rem3A_72 = arith.remsi %iota3A, %rem3A_71 : vector<16xi32>
    %ne3A_73 = arith.constant 0 : i32
    %ne3A_74 = vector.broadcast %ne3A_73 : i32 to vector<16xi32>
    %ne3A_75 = arith.cmpi ne, %rem3A_72, %ne3A_74 : vector<16xi32>
    %and3A_76 = arith.andi %ne3A_70, %ne3A_75 : vector<16xi1>
    %sub3A_77 = arith.constant 1 : i32
    %sub3A_78 = vector.broadcast %sub3A_77 : i32 to vector<16xi32>
    %sub3A_79 = arith.subi %div3A_52, %sub3A_78 : vector<16xi32>
    %select_n3A_80 = arith.select %and3A_76, %sub3A_79, %div3A_52 : vector<16xi1>, vector<16xi32>
    %mul3A_81 = arith.constant 26 : i32
    %mul3A_82 = vector.broadcast %mul3A_81 : i32 to vector<16xi32>
    %mul3A_83 = arith.muli %select_n3A_80, %mul3A_82 : vector<16xi32>
    %jit3A_84 = arith.constant 2 : i32
    %eq3A_85 = arith.constant 0 : i32
    %eq3A_86 = arith.cmpi eq, %jit3A_84, %eq3A_85 : i32
    %jit3A_87 = arith.constant 1 : i32
    %select_n3A_88 = arith.select %eq3A_86, %jit3A_87, %jit3A_84 : i32
    %rem3A_89 = vector.broadcast %select_n3A_88 : i32 to vector<16xi32>
    %rem3A_90 = arith.remsi %iota3A, %rem3A_89 : vector<16xi32>
    %ne3A_91 = arith.constant 0 : i32
    %ne3A_92 = vector.broadcast %ne3A_91 : i32 to vector<16xi32>
    %ne3A_93 = arith.cmpi ne, %rem3A_90, %ne3A_92 : vector<16xi32>
    %lt3A_94 = arith.constant 0 : i32
    %lt3A_95 = vector.broadcast %lt3A_94 : i32 to vector<16xi32>
    %lt3A_96 = arith.cmpi slt, %rem3A_90, %lt3A_95 : vector<16xi32>
    %lt3A_97 = arith.constant 0 : i32
    %lt3A_98 = arith.cmpi slt, %select_n3A_88, %lt3A_97 : i32
    %ne3A_99 = vector.broadcast %lt3A_98 : i1 to vector<16xi1>
    %ne3A_100 = vector.broadcast %ne3A_99 : vector<16xi1> to vector<16xi1>
    %ne3A_101 = arith.xori %lt3A_96, %ne3A_100 : vector<16xi1>
    %and3A_102 = arith.andi %ne3A_101, %ne3A_93 : vector<16xi1>
    %add3A_103 = vector.broadcast %select_n3A_88 : i32 to vector<16xi32>
    %add3A_104 = arith.addi %rem3A_90, %add3A_103 : vector<16xi32>
    %select_n3A_105 = arith.select %and3A_102, %add3A_104, %rem3A_90 : vector<16xi1>, vector<16xi32>
    %add3A_106 = arith.addi %mul3A_83, %select_n3A_105 : vector<16xi32>
    %add3A_107 = arith.constant 0 : i32
    %add3A_108 = vector.broadcast %add3A_107 : i32 to vector<16xi32>
    %add3A_109 = arith.addi %add3A_49, %add3A_108 : vector<16xi32>
    %gather3A = tpu.vector_load_idx %arg6[%add3A_109] : memref<13312xi32, #tpu.memory_space<vmem>>[vector<16xi32>], vector<16xi32>,
    %swap3A = arith.constant 0 : i32
    %swap3A_110 = arith.constant 0 : i32
    %swap3A_111 = arith.index_cast %swap3A : i32 to index
    %swap3A_112 = arith.index_cast %swap3A_110 : i32 to index
    %swap3A_113 = arith.constant 0 : index
    %swap3A_114 = tpu.vector_load %arg7[%swap3A_111, %swap3A_112, %swap3A_113] {strides = array<i32>} : memref<2x8x32xi32, #tpu.memory_space<vmem>>, vector<16xi32>,
    tpu.vector_store %arg7[%swap3A_111, %swap3A_112, %swap3A_113], %gather3A {strides = array<i32>} : memref<2x8x32xi32, #tpu.memory_space<vmem>>, vector<16xi32>,
    %add3A_115 = arith.constant 104 : i32
    %add3A_116 = vector.broadcast %add3A_115 : i32 to vector<16xi32>
    %add3A_117 = arith.addi %add3A_49, %add3A_116 : vector<16xi32>
    %gather3A_118 = tpu.vector_load_idx %arg6[%add3A_117] : memref<13312xi32, #tpu.memory_space<vmem>>[vector<16xi32>], vector<16xi32>,
    %swap3A_119 = arith.constant 0 : i32
    %swap3A_120 = arith.constant 0 : i32
    %swap3A_121 = arith.index_cast %swap3A_119 : i32 to index
    %swap3A_122 = arith.index_cast %swap3A_120 : i32 to index
    %swap3A_123 = arith.constant 16 : index
    %swap3A_124 = tpu.vector_load %arg7[%swap3A_121, %swap3A_122, %swap3A_123] {strides = array<i32>} : memref<2x8x32xi32, #tpu.memory_space<vmem>>, vector<16xi32>,
    tpu.vector_store %arg7[%swap3A_121, %swap3A_122, %swap3A_123], %gather3A_118 {strides = array<i32>} : memref<2x8x32xi32, #tpu.memory_space<vmem>>, vector<16xi32>,
    %add3A_125 = arith.constant 4 : i32
    %add3A_126 = vector.broadcast %add3A_125 : i32 to vector<16xi32>
    %add3A_127 = arith.addi %add3A_49, %add3A_126 : vector<16xi32>
    %gather3A_128 = tpu.vector_load_idx %arg6[%add3A_127] : memref<13312xi32, #tpu.memory_space<vmem>>[vector<16xi32>], vector<16xi32>,
    %swap3A_129 = arith.constant 0 : i32
    %swap3A_130 = arith.constant 1 : i32
    %swap3A_131 = arith.index_cast %swap3A_129 : i32 to index
    %swap3A_132 = arith.index_cast %swap3A_130 : i32 to index
    %swap3A_133 = arith.constant 0 : index
    %swap3A_134 = tpu.vector_load %arg7[%swap3A_131, %swap3A_132, %swap3A_133] {strides = array<i32>} : memref<2x8x32xi32, #tpu.memory_space<vmem>>, vector<16xi32>,
    tpu.vector_store %arg7[%swap3A_131, %swap3A_132, %swap3A_133], %gather3A_128 {strides = array<i32>} : memref<2x8x32xi32, #tpu.memory_space<vmem>>, vector<16xi32>,
    %add3A_135 = arith.constant 108 : i32
    %add3A_136 = vector.broadcast %add3A_135 : i32 to vector<16xi32>
    %add3A_137 = arith.addi %add3A_49, %add3A_136 : vector<16xi32>
    %gather3A_138 = tpu.vector_load_idx %arg6[%add3A_137] : memref<13312xi32, #tpu.memory_space<vmem>>[vector<16xi32>], vector<16xi32>,
    %swap3A_139 = arith.constant 0 : i32
    %swap3A_140 = arith.constant 1 : i32
    %swap3A_141 = arith.index_cast %swap3A_139 : i32 to index
    %swap3A_142 = arith.index_cast %swap3A_140 : i32 to index
    %swap3A_143 = arith.constant 16 : index
    %swap3A_144 = tpu.vector_load %arg7[%swap3A_141, %swap3A_142, %swap3A_143] {strides = array<i32>} : memref<2x8x32xi32, #tpu.memory_space<vmem>>, vector<16xi32>,
    tpu.vector_store %arg7[%swap3A_141, %swap3A_142, %swap3A_143], %gather3A_138 {strides = array<i32>} : memref<2x8x32xi32, #tpu.memory_space<vmem>>, vector<16xi32>,
    %add3A_145 = arith.constant 8 : i32
    %add3A_146 = vector.broadcast %add3A_145 : i32 to vector<16xi32>
    %add3A_147 = arith.addi %add3A_49, %add3A_146 : vector<16xi32>
    %gather3A_148 = tpu.vector_load_idx %arg6[%add3A_147] : memref<13312xi32, #tpu.memory_space<vmem>>[vector<16xi32>], vector<16xi32>,
    %swap3A_149 = arith.constant 0 : i32
    %swap3A_150 = arith.constant 2 : i32
    %swap3A_151 = arith.index_cast %swap3A_149 : i32 to index
    %swap3A_152 = arith.index_cast %swap3A_150 : i32 to index
    %swap3A_153 = arith.constant 0 : index
    %swap3A_154 = tpu.vector_load %arg7[%swap3A_151, %swap3A_152, %swap3A_153] {strides = array<i32>} : memref<2x8x32xi32, #tpu.memory_space<vmem>>, vector<16xi32>,
    tpu.vector_store %arg7[%swap3A_151, %swap3A_152, %swap3A_153], %gather3A_148 {strides = array<i32>} : memref<2x8x32xi32, #tpu.memory_space<vmem>>, vector<16xi32>,
    %add3A_155 = arith.constant 112 : i32
    %add3A_156 = vector.broadcast %add3A_155 : i32 to vector<16xi32>
    %add3A_157 = arith.addi %add3A_49, %add3A_156 : vector<16xi32>
    %gather3A_158 = tpu.vector_load_idx %arg6[%add3A_157] : memref<13312xi32, #tpu.memory_space<vmem>>[vector<16xi32>], vector<16xi32>,
    %swap3A_159 = arith.constant 0 : i32
    %swap3A_160 = arith.constant 2 : i32
    %swap3A_161 = arith.index_cast %swap3A_159 : i32 to index
    %swap3A_162 = arith.index_cast %swap3A_160 : i32 to index
    %swap3A_163 = arith.constant 16 : index
    %swap3A_164 = tpu.vector_load %arg7[%swap3A_161, %swap3A_162, %swap3A_163] {strides = array<i32>} : memref<2x8x32xi32, #tpu.memory_space<vmem>>, vector<16xi32>,
    tpu.vector_store %arg7[%swap3A_161, %swap3A_162, %swap3A_163], %gather3A_158 {strides = array<i32>} : memref<2x8x32xi32, #tpu.memory_space<vmem>>, vector<16xi32>,
    %add3A_165 = arith.constant 12 : i32
    %add3A_166 = vector.broadcast %add3A_165 : i32 to vector<16xi32>
    %add3A_167 = arith.addi %add3A_49, %add3A_166 : vector<16xi32>
    %gather3A_168 = tpu.vector_load_idx %arg6[%add3A_167] : memref<13312xi32, #tpu.memory_space<vmem>>[vector<16xi32>], vector<16xi32>,
    %swap3A_169 = arith.constant 0 : i32
    %swap3A_170 = arith.constant 3 : i32
    %swap3A_171 = arith.index_cast %swap3A_169 : i32 to index
    %swap3A_172 = arith.index_cast %swap3A_170 : i32 to index
    %swap3A_173 = arith.constant 0 : index
    %swap3A_174 = tpu.vector_load %arg7[%swap3A_171, %swap3A_172, %swap3A_173] {strides = array<i32>} : memref<2x8x32xi32, #tpu.memory_space<vmem>>, vector<16xi32>,
    tpu.vector_store %arg7[%swap3A_171, %swap3A_172, %swap3A_173], %gather3A_168 {strides = array<i32>} : memref<2x8x32xi32, #tpu.memory_space<vmem>>, vector<16xi32>,
    %add3A_175 = arith.constant 116 : i32
    %add3A_176 = vector.broadcast %add3A_175 : i32 to vector<16xi32>
    %add3A_177 = arith.addi %add3A_49, %add3A_176 : vector<16xi32>
    %gather3A_178 = tpu.vector_load_idx %arg6[%add3A_177] : memref<13312xi32, #tpu.memory_space<vmem>>[vector<16xi32>], vector<16xi32>,
    %swap3A_179 = arith.constant 0 : i32
    %swap3A_180 = arith.constant 3 : i32
    %swap3A_181 = arith.index_cast %swap3A_179 : i32 to index
    %swap3A_182 = arith.index_cast %swap3A_180 : i32 to index
    %swap3A_183 = arith.constant 16 : index
    %swap3A_184 = tpu.vector_load %arg7[%swap3A_181, %swap3A_182, %swap3A_183] {strides = array<i32>} : memref<2x8x32xi32, #tpu.memory_space<vmem>>, vector<16xi32>,
    tpu.vector_store %arg7[%swap3A_181, %swap3A_182, %swap3A_183], %gather3A_178 {strides = array<i32>} : memref<2x8x32xi32, #tpu.memory_space<vmem>>, vector<16xi32>,
    %add3A_185 = arith.constant 16 : i32
    %add3A_186 = vector.broadcast %add3A_185 : i32 to vector<16xi32>
    %add3A_187 = arith.addi %add3A_49, %add3A_186 : vector<16xi32>
    %gather3A_188 = tpu.vector_load_idx %arg6[%add3A_187] : memref<13312xi32, #tpu.memory_space<vmem>>[vector<16xi32>], vector<16xi32>,
    %swap3A_189 = arith.constant 0 : i32
    %swap3A_190 = arith.constant 4 : i32
    %swap3A_191 = arith.index_cast %swap3A_189 : i32 to index
    %swap3A_192 = arith.index_cast %swap3A_190 : i32 to index
    %swap3A_193 = arith.constant 0 : index
    %swap3A_194 = tpu.vector_load %arg7[%swap3A_191, %swap3A_192, %swap3A_193] {strides = array<i32>} : memref<2x8x32xi32, #tpu.memory_space<vmem>>, vector<16xi32>,
    tpu.vector_store %arg7[%swap3A_191, %swap3A_192, %swap3A_193], %gather3A_188 {strides = array<i32>} : memref<2x8x32xi32, #tpu.memory_space<vmem>>, vector<16xi32>,
    %add3A_195 = arith.constant 120 : i32
    %add3A_196 = vector.broadcast %add3A_195 : i32 to vector<16xi32>
    %add3A_197 = arith.addi %add3A_49, %add3A_196 : vector<16xi32>
    %gather3A_198 = tpu.vector_load_idx %arg6[%add3A_197] : memref<13312xi32, #tpu.memory_space<vmem>>[vector<16xi32>], vector<16xi32>,
    %swap3A_199 = arith.constant 0 : i32
    %swap3A_200 = arith.constant 4 : i32
    %swap3A_201 = arith.index_cast %swap3A_199 : i32 to index
    %swap3A_202 = arith.index_cast %swap3A_200 : i32 to index
    %swap3A_203 = arith.constant 16 : index
    %swap3A_204 = tpu.vector_load %arg7[%swap3A_201, %swap3A_202, %swap3A_203] {strides = array<i32>} : memref<2x8x32xi32, #tpu.memory_space<vmem>>, vector<16xi32>,
    tpu.vector_store %arg7[%swap3A_201, %swap3A_202, %swap3A_203], %gather3A_198 {strides = array<i32>} : memref<2x8x32xi32, #tpu.memory_space<vmem>>, vector<16xi32>,
    %add3A_205 = arith.constant 20 : i32
    %add3A_206 = vector.broadcast %add3A_205 : i32 to vector<16xi32>
    %add3A_207 = arith.addi %add3A_49, %add3A_206 : vector<16xi32>
    %gather3A_208 = tpu.vector_load_idx %arg6[%add3A_207] : memref<13312xi32, #tpu.memory_space<vmem>>[vector<16xi32>], vector<16xi32>,
    %swap3A_209 = arith.constant 0 : i32
    %swap3A_210 = arith.constant 5 : i32
    %swap3A_211 = arith.index_cast %swap3A_209 : i32 to index
    %swap3A_212 = arith.index_cast %swap3A_210 : i32 to index
    %swap3A_213 = arith.constant 0 : index
    %swap3A_214 = tpu.vector_load %arg7[%swap3A_211, %swap3A_212, %swap3A_213] {strides = array<i32>} : memref<2x8x32xi32, #tpu.memory_space<vmem>>, vector<16xi32>,
    tpu.vector_store %arg7[%swap3A_211, %swap3A_212, %swap3A_213], %gather3A_208 {strides = array<i32>} : memref<2x8x32xi32, #tpu.memory_space<vmem>>, vector<16xi32>,
    %add3A_215 = arith.constant 124 : i32
    %add3A_216 = vector.broadcast %add3A_215 : i32 to vector<16xi32>
    %add3A_217 = arith.addi %add3A_49, %add3A_216 : vector<16xi32>
    %gather3A_218 = tpu.vector_load_idx %arg6[%add3A_217] : memref<13312xi32, #tpu.memory_space<vmem>>[vector<16xi32>], vector<16xi32>,
    %swap3A_219 = arith.constant 0 : i32
    %swap3A_220 = arith.constant 5 : i32
    %swap3A_221 = arith.index_cast %swap3A_219 : i32 to index
    %swap3A_222 = arith.index_cast %swap3A_220 : i32 to index
    %swap3A_223 = arith.constant 16 : index
    %swap3A_224 = tpu.vector_load %arg7[%swap3A_221, %swap3A_222, %swap3A_223] {strides = array<i32>} : memref<2x8x32xi32, #tpu.memory_space<vmem>>, vector<16xi32>,
    tpu.vector_store %arg7[%swap3A_221, %swap3A_222, %swap3A_223], %gather3A_218 {strides = array<i32>} : memref<2x8x32xi32, #tpu.memory_space<vmem>>, vector<16xi32>,
    %add3A_225 = arith.constant 24 : i32
    %add3A_226 = vector.broadcast %add3A_225 : i32 to vector<16xi32>
    %add3A_227 = arith.addi %add3A_106, %add3A_226 : vector<16xi32>
    %gather3A_228 = tpu.vector_load_idx %arg6[%add3A_227] : memref<13312xi32, #tpu.memory_space<vmem>>[vector<16xi32>], vector<16xi32>,
    %swap3A_229 = arith.constant 0 : i32
    %swap3A_230 = arith.constant 6 : i32
    %swap3A_231 = arith.index_cast %swap3A_229 : i32 to index
    %swap3A_232 = arith.index_cast %swap3A_230 : i32 to index
    %swap3A_233 = arith.constant 0 : index
    %swap3A_234 = tpu.vector_load %arg7[%swap3A_231, %swap3A_232, %swap3A_233] {strides = array<i32>} : memref<2x8x32xi32, #tpu.memory_space<vmem>>, vector<16xi32>,
    tpu.vector_store %arg7[%swap3A_231, %swap3A_232, %swap3A_233], %gather3A_228 {strides = array<i32>} : memref<2x8x32xi32, #tpu.memory_space<vmem>>, vector<16xi32>,
    %dma_start3A = arith.constant 0 : i32
    %dma_start3A_235 = arith.constant 0 : i32
    %dma_start3A_236 = arith.constant 0 : i32
    %dma_start3A_237 = arith.constant 0 : i32
    %dma_start3A_238 = arith.constant 0 : i32
    %dma_start3A_239 = tpu.memref_slice %arg8[%dma_start3A_236, %dma_start3A_237, %dma_start3A_238] : memref<2x208x128xf32, #tpu.memory_space<vmem>> -> memref<1x32x128xf32, #tpu.memory_space<vmem>>
    %dma_start3A_240 = tpu.memref_squeeze %dma_start3A_239 : memref<1x32x128xf32, #tpu.memory_space<vmem>> -> memref<32x128xf32, #tpu.memory_space<vmem>>
    %dma_start3A_241 = arith.constant 0 : i32
    %dma_start3A_242 = tpu.memref_slice %arg7[%dma_start3A, %dma_start3A_235, %dma_start3A_241] : memref<2x8x32xi32, #tpu.memory_space<vmem>> -> memref<1x1x32xi32, #tpu.memory_space<vmem>>
    %dma_start3A_243 = tpu.memref_squeeze %dma_start3A_242 : memref<1x1x32xi32, #tpu.memory_space<vmem>> -> memref<32xi32, #tpu.memory_space<vmem>>
    %dma_start3A_244 = arith.constant 0 : i32
    %dma_start3A_245 = arith.constant 0 : i32
    %dma_start3A_246 = tpu.memref_slice %arg3[%dma_start3A_244, %dma_start3A_245] : memref<100000x832xf32, #tpu.memory_space<hbm>> -> memref<100000x128xf32, #tpu.memory_space<hbm>>
    tpu.enqueue_indirect_dma source(%dma_start3A_246 : memref<100000x128xf32, #tpu.memory_space<hbm>>) target(%dma_start3A_240 : memref<32x128xf32, #tpu.memory_space<vmem>>) offsets(%dma_start3A_243 : memref<32xi32, #tpu.memory_space<vmem>>) semaphore(%arg10 : memref<!tpu.dma_semaphore, #tpu.memory_space<semaphore_mem>>)
    %dma_start3A_247 = arith.constant 0 : i32
    %dma_start3A_248 = arith.constant 1 : i32
    %dma_start3A_249 = arith.constant 0 : i32
    %dma_start3A_250 = arith.constant 32 : i32
    %dma_start3A_251 = arith.constant 0 : i32
    %dma_start3A_252 = tpu.memref_slice %arg8[%dma_start3A_249, %dma_start3A_250, %dma_start3A_251] : memref<2x208x128xf32, #tpu.memory_space<vmem>> -> memref<1x32x128xf32, #tpu.memory_space<vmem>>
    %dma_start3A_253 = tpu.memref_squeeze %dma_start3A_252 : memref<1x32x128xf32, #tpu.memory_space<vmem>> -> memref<32x128xf32, #tpu.memory_space<vmem>>
    %dma_start3A_254 = arith.constant 0 : i32
    %dma_start3A_255 = tpu.memref_slice %arg7[%dma_start3A_247, %dma_start3A_248, %dma_start3A_254] : memref<2x8x32xi32, #tpu.memory_space<vmem>> -> memref<1x1x32xi32, #tpu.memory_space<vmem>>
    %dma_start3A_256 = tpu.memref_squeeze %dma_start3A_255 : memref<1x1x32xi32, #tpu.memory_space<vmem>> -> memref<32xi32, #tpu.memory_space<vmem>>
    %dma_start3A_257 = arith.constant 0 : i32
    %dma_start3A_258 = arith.constant 128 : i32
    %dma_start3A_259 = tpu.memref_slice %arg3[%dma_start3A_257, %dma_start3A_258] : memref<100000x832xf32, #tpu.memory_space<hbm>> -> memref<100000x128xf32, #tpu.memory_space<hbm>>
    tpu.enqueue_indirect_dma source(%dma_start3A_259 : memref<100000x128xf32, #tpu.memory_space<hbm>>) target(%dma_start3A_253 : memref<32x128xf32, #tpu.memory_space<vmem>>) offsets(%dma_start3A_256 : memref<32xi32, #tpu.memory_space<vmem>>) semaphore(%arg10 : memref<!tpu.dma_semaphore, #tpu.memory_space<semaphore_mem>>)
    %dma_start3A_260 = arith.constant 0 : i32
    %dma_start3A_261 = arith.constant 2 : i32
    %dma_start3A_262 = arith.constant 0 : i32
    %dma_start3A_263 = arith.constant 64 : i32
    %dma_start3A_264 = arith.constant 0 : i32
    %dma_start3A_265 = tpu.memref_slice %arg8[%dma_start3A_262, %dma_start3A_263, %dma_start3A_264] : memref<2x208x128xf32, #tpu.memory_space<vmem>> -> memref<1x32x128xf32, #tpu.memory_space<vmem>>
    %dma_start3A_266 = tpu.memref_squeeze %dma_start3A_265 : memref<1x32x128xf32, #tpu.memory_space<vmem>> -> memref<32x128xf32, #tpu.memory_space<vmem>>
    %dma_start3A_267 = arith.constant 0 : i32
    %dma_start3A_268 = tpu.memref_slice %arg7[%dma_start3A_260, %dma_start3A_261, %dma_start3A_267] : memref<2x8x32xi32, #tpu.memory_space<vmem>> -> memref<1x1x32xi32, #tpu.memory_space<vmem>>
    %dma_start3A_269 = tpu.memref_squeeze %dma_start3A_268 : memref<1x1x32xi32, #tpu.memory_space<vmem>> -> memref<32xi32, #tpu.memory_space<vmem>>
    %dma_start3A_270 = arith.constant 0 : i32
    %dma_start3A_271 = arith.constant 256 : i32
    %dma_start3A_272 = tpu.memref_slice %arg3[%dma_start3A_270, %dma_start3A_271] : memref<100000x832xf32, #tpu.memory_space<hbm>> -> memref<100000x128xf32, #tpu.memory_space<hbm>>
    tpu.enqueue_indirect_dma source(%dma_start3A_272 : memref<100000x128xf32, #tpu.memory_space<hbm>>) target(%dma_start3A_266 : memref<32x128xf32, #tpu.memory_space<vmem>>) offsets(%dma_start3A_269 : memref<32xi32, #tpu.memory_space<vmem>>) semaphore(%arg10 : memref<!tpu.dma_semaphore, #tpu.memory_space<semaphore_mem>>)
    %dma_start3A_273 = arith.constant 0 : i32
    %dma_start3A_274 = arith.constant 3 : i32
    %dma_start3A_275 = arith.constant 0 : i32
    %dma_start3A_276 = arith.constant 96 : i32
    %dma_start3A_277 = arith.constant 0 : i32
    %dma_start3A_278 = tpu.memref_slice %arg8[%dma_start3A_275, %dma_start3A_276, %dma_start3A_277] : memref<2x208x128xf32, #tpu.memory_space<vmem>> -> memref<1x32x128xf32, #tpu.memory_space<vmem>>
    %dma_start3A_279 = tpu.memref_squeeze %dma_start3A_278 : memref<1x32x128xf32, #tpu.memory_space<vmem>> -> memref<32x128xf32, #tpu.memory_space<vmem>>
    %dma_start3A_280 = arith.constant 0 : i32
    %dma_start3A_281 = tpu.memref_slice %arg7[%dma_start3A_273, %dma_start3A_274, %dma_start3A_280] : memref<2x8x32xi32, #tpu.memory_space<vmem>> -> memref<1x1x32xi32, #tpu.memory_space<vmem>>
    %dma_start3A_282 = tpu.memref_squeeze %dma_start3A_281 : memref<1x1x32xi32, #tpu.memory_space<vmem>> -> memref<32xi32, #tpu.memory_space<vmem>>
    %dma_start3A_283 = arith.constant 0 : i32
    %dma_start3A_284 = arith.constant 384 : i32
    %dma_start3A_285 = tpu.memref_slice %arg3[%dma_start3A_283, %dma_start3A_284] : memref<100000x832xf32, #tpu.memory_space<hbm>> -> memref<100000x128xf32, #tpu.memory_space<hbm>>
    tpu.enqueue_indirect_dma source(%dma_start3A_285 : memref<100000x128xf32, #tpu.memory_space<hbm>>) target(%dma_start3A_279 : memref<32x128xf32, #tpu.memory_space<vmem>>) offsets(%dma_start3A_282 : memref<32xi32, #tpu.memory_space<vmem>>) semaphore(%arg10 : memref<!tpu.dma_semaphore, #tpu.memory_space<semaphore_mem>>)
    %dma_start3A_286 = arith.constant 0 : i32
    %dma_start3A_287 = arith.constant 4 : i32
    %dma_start3A_288 = arith.constant 0 : i32
    %dma_start3A_289 = arith.constant 128 : i32
    %dma_start3A_290 = arith.constant 0 : i32
    %dma_start3A_291 = tpu.memref_slice %arg8[%dma_start3A_288, %dma_start3A_289, %dma_start3A_290] : memref<2x208x128xf32, #tpu.memory_space<vmem>> -> memref<1x32x128xf32, #tpu.memory_space<vmem>>
    %dma_start3A_292 = tpu.memref_squeeze %dma_start3A_291 : memref<1x32x128xf32, #tpu.memory_space<vmem>> -> memref<32x128xf32, #tpu.memory_space<vmem>>
    %dma_start3A_293 = arith.constant 0 : i32
    %dma_start3A_294 = tpu.memref_slice %arg7[%dma_start3A_286, %dma_start3A_287, %dma_start3A_293] : memref<2x8x32xi32, #tpu.memory_space<vmem>> -> memref<1x1x32xi32, #tpu.memory_space<vmem>>
    %dma_start3A_295 = tpu.memref_squeeze %dma_start3A_294 : memref<1x1x32xi32, #tpu.memory_space<vmem>> -> memref<32xi32, #tpu.memory_space<vmem>>
    %dma_start3A_296 = arith.constant 0 : i32
    %dma_start3A_297 = arith.constant 512 : i32
    %dma_start3A_298 = tpu.memref_slice %arg3[%dma_start3A_296, %dma_start3A_297] : memref<100000x832xf32, #tpu.memory_space<hbm>> -> memref<100000x128xf32, #tpu.memory_space<hbm>>
    tpu.enqueue_indirect_dma source(%dma_start3A_298 : memref<100000x128xf32, #tpu.memory_space<hbm>>) target(%dma_start3A_292 : memref<32x128xf32, #tpu.memory_space<vmem>>) offsets(%dma_start3A_295 : memref<32xi32, #tpu.memory_space<vmem>>) semaphore(%arg10 : memref<!tpu.dma_semaphore, #tpu.memory_space<semaphore_mem>>)
    %dma_start3A_299 = arith.constant 0 : i32
    %dma_start3A_300 = arith.constant 5 : i32
    %dma_start3A_301 = arith.constant 0 : i32
    %dma_start3A_302 = arith.constant 160 : i32
    %dma_start3A_303 = arith.constant 0 : i32
    %dma_start3A_304 = tpu.memref_slice %arg8[%dma_start3A_301, %dma_start3A_302, %dma_start3A_303] : memref<2x208x128xf32, #tpu.memory_space<vmem>> -> memref<1x32x128xf32, #tpu.memory_space<vmem>>
    %dma_start3A_305 = tpu.memref_squeeze %dma_start3A_304 : memref<1x32x128xf32, #tpu.memory_space<vmem>> -> memref<32x128xf32, #tpu.memory_space<vmem>>
    %dma_start3A_306 = arith.constant 0 : i32
    %dma_start3A_307 = tpu.memref_slice %arg7[%dma_start3A_299, %dma_start3A_300, %dma_start3A_306] : memref<2x8x32xi32, #tpu.memory_space<vmem>> -> memref<1x1x32xi32, #tpu.memory_space<vmem>>
    %dma_start3A_308 = tpu.memref_squeeze %dma_start3A_307 : memref<1x1x32xi32, #tpu.memory_space<vmem>> -> memref<32xi32, #tpu.memory_space<vmem>>
    %dma_start3A_309 = arith.constant 0 : i32
    %dma_start3A_310 = arith.constant 640 : i32
    %dma_start3A_311 = tpu.memref_slice %arg3[%dma_start3A_309, %dma_start3A_310] : memref<100000x832xf32, #tpu.memory_space<hbm>> -> memref<100000x128xf32, #tpu.memory_space<hbm>>
    tpu.enqueue_indirect_dma source(%dma_start3A_311 : memref<100000x128xf32, #tpu.memory_space<hbm>>) target(%dma_start3A_305 : memref<32x128xf32, #tpu.memory_space<vmem>>) offsets(%dma_start3A_308 : memref<32xi32, #tpu.memory_space<vmem>>) semaphore(%arg10 : memref<!tpu.dma_semaphore, #tpu.memory_space<semaphore_mem>>)
    %dma_start3A_312 = arith.constant 0 : i32
    %dma_start3A_313 = arith.constant 6 : i32
    %dma_start3A_314 = arith.constant 0 : i32
    %dma_start3A_315 = arith.constant 192 : i32
    %dma_start3A_316 = arith.constant 0 : i32
    %dma_start3A_317 = tpu.memref_slice %arg8[%dma_start3A_314, %dma_start3A_315, %dma_start3A_316] : memref<2x208x128xf32, #tpu.memory_space<vmem>> -> memref<1x16x128xf32, #tpu.memory_space<vmem>>
    %dma_start3A_318 = tpu.memref_squeeze %dma_start3A_317 : memref<1x16x128xf32, #tpu.memory_space<vmem>> -> memref<16x128xf32, #tpu.memory_space<vmem>>
    %dma_start3A_319 = arith.constant 0 : i32
    %dma_start3A_320 = tpu.memref_slice %arg7[%dma_start3A_312, %dma_start3A_313, %dma_start3A_319] : memref<2x8x32xi32, #tpu.memory_space<vmem>> -> memref<1x1x16xi32, #tpu.memory_space<vmem>>
    %dma_start3A_321 = tpu.memref_squeeze %dma_start3A_320 : memref<1x1x16xi32, #tpu.memory_space<vmem>> -> memref<16xi32, #tpu.memory_space<vmem>>
    %dma_start3A_322 = arith.constant 0 : i32
    %dma_start3A_323 = arith.constant 0 : i32
    %dma_start3A_324 = tpu.memref_slice %arg4[%dma_start3A_322, %dma_start3A_323] : memref<100000x128xf32, #tpu.memory_space<hbm>> -> memref<100000x128xf32, #tpu.memory_space<hbm>>
    tpu.enqueue_indirect_dma source(%dma_start3A_324 : memref<100000x128xf32, #tpu.memory_space<hbm>>) target(%dma_start3A_318 : memref<16x128xf32, #tpu.memory_space<vmem>>) offsets(%dma_start3A_321 : memref<16xi32, #tpu.memory_space<vmem>>) semaphore(%arg10 : memref<!tpu.dma_semaphore, #tpu.memory_space<semaphore_mem>>)
    %scan3A = arith.constant 0 : i32
    %scan3A_325 = arith.constant 64 : i32
    %scan3A_326 = arith.addi %scan3A, %scan3A_325 : i32
    %scan3A_327 = arith.constant 1 : i32
    scf.for %scan3A_329 = %scan3A to %scan3A_326 step %scan3A_327  : i32 {
      %rem3A_330 = arith.constant 2 : i32
      %rem3A_331 = arith.remsi %scan3A_329, %rem3A_330 : i32
      %add3A_332 = arith.constant 1 : i32
      %add3A_333 = arith.addi %scan3A_329, %add3A_332 : i32
      %lt3A_334 = arith.constant 64 : i32
      %lt3A_335 = arith.cmpi slt, %add3A_333, %lt3A_334 : i32
      %convert_element_type3A = arith.extui %lt3A_335 : i1 to i32
      %cond3A = arith.constant 0 : i32
      %cond3A_336 = arith.cmpi ne, %convert_element_type3A, %cond3A : i32
      scf.if %cond3A_336 {
        %add3A_360 = arith.constant 1 : i32
        %add3A_361 = arith.addi %scan3A_329, %add3A_360 : i32
        %add3A_362 = arith.constant 1 : i32
        %add3A_363 = arith.addi %scan3A_329, %add3A_362 : i32
        %rem3A_364 = arith.constant 2 : i32
        %rem3A_365 = arith.remsi %add3A_363, %rem3A_364 : i32
        %mul3A_366 = arith.constant 208 : i32
        %mul3A_367 = arith.muli %add3A_361, %mul3A_366 : i32
        %add3A_368 = arith.constant 0 : i32
        %add3A_369 = arith.addi %mul3A_367, %add3A_368 : i32
        %add3A_370 = arith.constant 0 : i32
        %add3A_371 = arith.addi %add3A_369, %add3A_370 : i32
        %add3A_372 = vector.broadcast %add3A_371 : i32 to vector<16xi32>
        %add3A_373 = arith.addi %add3A_49, %add3A_372 : vector<16xi32>
        %gather3A_374 = tpu.vector_load_idx %arg6[%add3A_373] : memref<13312xi32, #tpu.memory_space<vmem>>[vector<16xi32>], vector<16xi32>,
        %swap3A_375 = arith.constant 0 : i32
        %swap3A_376 = arith.index_cast %rem3A_365 : i32 to index
        %swap3A_377 = arith.index_cast %swap3A_375 : i32 to index
        %swap3A_378 = arith.constant 0 : index
        %swap3A_379 = tpu.vector_load %arg7[%swap3A_376, %swap3A_377, %swap3A_378] {strides = array<i32>} : memref<2x8x32xi32, #tpu.memory_space<vmem>>, vector<16xi32>,
        tpu.vector_store %arg7[%swap3A_376, %swap3A_377, %swap3A_378], %gather3A_374 {strides = array<i32>} : memref<2x8x32xi32, #tpu.memory_space<vmem>>, vector<16xi32>,
        %add3A_380 = arith.constant 104 : i32
        %add3A_381 = arith.addi %mul3A_367, %add3A_380 : i32
        %add3A_382 = arith.constant 0 : i32
        %add3A_383 = arith.addi %add3A_381, %add3A_382 : i32
        %add3A_384 = vector.broadcast %add3A_383 : i32 to vector<16xi32>
        %add3A_385 = arith.addi %add3A_49, %add3A_384 : vector<16xi32>
        %gather3A_386 = tpu.vector_load_idx %arg6[%add3A_385] : memref<13312xi32, #tpu.memory_space<vmem>>[vector<16xi32>], vector<16xi32>,
        %swap3A_387 = arith.constant 0 : i32
        %swap3A_388 = arith.index_cast %rem3A_365 : i32 to index
        %swap3A_389 = arith.index_cast %swap3A_387 : i32 to index
        %swap3A_390 = arith.constant 16 : index
        %swap3A_391 = tpu.vector_load %arg7[%swap3A_388, %swap3A_389, %swap3A_390] {strides = array<i32>} : memref<2x8x32xi32, #tpu.memory_space<vmem>>, vector<16xi32>,
        tpu.vector_store %arg7[%swap3A_388, %swap3A_389, %swap3A_390], %gather3A_386 {strides = array<i32>} : memref<2x8x32xi32, #tpu.memory_space<vmem>>, vector<16xi32>,
        %add3A_392 = arith.constant 0 : i32
        %add3A_393 = arith.addi %mul3A_367, %add3A_392 : i32
        %add3A_394 = arith.constant 4 : i32
        %add3A_395 = arith.addi %add3A_393, %add3A_394 : i32
        %add3A_396 = vector.broadcast %add3A_395 : i32 to vector<16xi32>
        %add3A_397 = arith.addi %add3A_49, %add3A_396 : vector<16xi32>
        %gather3A_398 = tpu.vector_load_idx %arg6[%add3A_397] : memref<13312xi32, #tpu.memory_space<vmem>>[vector<16xi32>], vector<16xi32>,
        %swap3A_399 = arith.constant 1 : i32
        %swap3A_400 = arith.index_cast %rem3A_365 : i32 to index
        %swap3A_401 = arith.index_cast %swap3A_399 : i32 to index
        %swap3A_402 = arith.constant 0 : index
        %swap3A_403 = tpu.vector_load %arg7[%swap3A_400, %swap3A_401, %swap3A_402] {strides = array<i32>} : memref<2x8x32xi32, #tpu.memory_space<vmem>>, vector<16xi32>,
        tpu.vector_store %arg7[%swap3A_400, %swap3A_401, %swap3A_402], %gather3A_398 {strides = array<i32>} : memref<2x8x32xi32, #tpu.memory_space<vmem>>, vector<16xi32>,
        %add3A_404 = arith.constant 104 : i32
        %add3A_405 = arith.addi %mul3A_367, %add3A_404 : i32
        %add3A_406 = arith.constant 4 : i32
        %add3A_407 = arith.addi %add3A_405, %add3A_406 : i32
        %add3A_408 = vector.broadcast %add3A_407 : i32 to vector<16xi32>
        %add3A_409 = arith.addi %add3A_49, %add3A_408 : vector<16xi32>
        %gather3A_410 = tpu.vector_load_idx %arg6[%add3A_409] : memref<13312xi32, #tpu.memory_space<vmem>>[vector<16xi32>], vector<16xi32>,
        %swap3A_411 = arith.constant 1 : i32
        %swap3A_412 = arith.index_cast %rem3A_365 : i32 to index
        %swap3A_413 = arith.index_cast %swap3A_411 : i32 to index
        %swap3A_414 = arith.constant 16 : index
        %swap3A_415 = tpu.vector_load %arg7[%swap3A_412, %swap3A_413, %swap3A_414] {strides = array<i32>} : memref<2x8x32xi32, #tpu.memory_space<vmem>>, vector<16xi32>,
        tpu.vector_store %arg7[%swap3A_412, %swap3A_413, %swap3A_414], %gather3A_410 {strides = array<i32>} : memref<2x8x32xi32, #tpu.memory_space<vmem>>, vector<16xi32>,
        %add3A_416 = arith.constant 0 : i32
        %add3A_417 = arith.addi %mul3A_367, %add3A_416 : i32
        %add3A_418 = arith.constant 8 : i32
        %add3A_419 = arith.addi %add3A_417, %add3A_418 : i32
        %add3A_420 = vector.broadcast %add3A_419 : i32 to vector<16xi32>
        %add3A_421 = arith.addi %add3A_49, %add3A_420 : vector<16xi32>
        %gather3A_422 = tpu.vector_load_idx %arg6[%add3A_421] : memref<13312xi32, #tpu.memory_space<vmem>>[vector<16xi32>], vector<16xi32>,
        %swap3A_423 = arith.constant 2 : i32
        %swap3A_424 = arith.index_cast %rem3A_365 : i32 to index
        %swap3A_425 = arith.index_cast %swap3A_423 : i32 to index
        %swap3A_426 = arith.constant 0 : index
        %swap3A_427 = tpu.vector_load %arg7[%swap3A_424, %swap3A_425, %swap3A_426] {strides = array<i32>} : memref<2x8x32xi32, #tpu.memory_space<vmem>>, vector<16xi32>,
        tpu.vector_store %arg7[%swap3A_424, %swap3A_425, %swap3A_426], %gather3A_422 {strides = array<i32>} : memref<2x8x32xi32, #tpu.memory_space<vmem>>, vector<16xi32>,
        %add3A_428 = arith.constant 104 : i32
        %add3A_429 = arith.addi %mul3A_367, %add3A_428 : i32
        %add3A_430 = arith.constant 8 : i32
        %add3A_431 = arith.addi %add3A_429, %add3A_430 : i32
        %add3A_432 = vector.broadcast %add3A_431 : i32 to vector<16xi32>
        %add3A_433 = arith.addi %add3A_49, %add3A_432 : vector<16xi32>
        %gather3A_434 = tpu.vector_load_idx %arg6[%add3A_433] : memref<13312xi32, #tpu.memory_space<vmem>>[vector<16xi32>], vector<16xi32>,
        %swap3A_435 = arith.constant 2 : i32
        %swap3A_436 = arith.index_cast %rem3A_365 : i32 to index
        %swap3A_437 = arith.index_cast %swap3A_435 : i32 to index
        %swap3A_438 = arith.constant 16 : index
        %swap3A_439 = tpu.vector_load %arg7[%swap3A_436, %swap3A_437, %swap3A_438] {strides = array<i32>} : memref<2x8x32xi32, #tpu.memory_space<vmem>>, vector<16xi32>,
        tpu.vector_store %arg7[%swap3A_436, %swap3A_437, %swap3A_438], %gather3A_434 {strides = array<i32>} : memref<2x8x32xi32, #tpu.memory_space<vmem>>, vector<16xi32>,
        %add3A_440 = arith.constant 0 : i32
        %add3A_441 = arith.addi %mul3A_367, %add3A_440 : i32
        %add3A_442 = arith.constant 12 : i32
        %add3A_443 = arith.addi %add3A_441, %add3A_442 : i32
        %add3A_444 = vector.broadcast %add3A_443 : i32 to vector<16xi32>
        %add3A_445 = arith.addi %add3A_49, %add3A_444 : vector<16xi32>
        %gather3A_446 = tpu.vector_load_idx %arg6[%add3A_445] : memref<13312xi32, #tpu.memory_space<vmem>>[vector<16xi32>], vector<16xi32>,
        %swap3A_447 = arith.constant 3 : i32
        %swap3A_448 = arith.index_cast %rem3A_365 : i32 to index
        %swap3A_449 = arith.index_cast %swap3A_447 : i32 to index
        %swap3A_450 = arith.constant 0 : index
        %swap3A_451 = tpu.vector_load %arg7[%swap3A_448, %swap3A_449, %swap3A_450] {strides = array<i32>} : memref<2x8x32xi32, #tpu.memory_space<vmem>>, vector<16xi32>,
        tpu.vector_store %arg7[%swap3A_448, %swap3A_449, %swap3A_450], %gather3A_446 {strides = array<i32>} : memref<2x8x32xi32, #tpu.memory_space<vmem>>, vector<16xi32>,
        %add3A_452 = arith.constant 104 : i32
        %add3A_453 = arith.addi %mul3A_367, %add3A_452 : i32
        %add3A_454 = arith.constant 12 : i32
        %add3A_455 = arith.addi %add3A_453, %add3A_454 : i32
        %add3A_456 = vector.broadcast %add3A_455 : i32 to vector<16xi32>
        %add3A_457 = arith.addi %add3A_49, %add3A_456 : vector<16xi32>
        %gather3A_458 = tpu.vector_load_idx %arg6[%add3A_457] : memref<13312xi32, #tpu.memory_space<vmem>>[vector<16xi32>], vector<16xi32>,
        %swap3A_459 = arith.constant 3 : i32
        %swap3A_460 = arith.index_cast %rem3A_365 : i32 to index
        %swap3A_461 = arith.index_cast %swap3A_459 : i32 to index
        %swap3A_462 = arith.constant 16 : index
        %swap3A_463 = tpu.vector_load %arg7[%swap3A_460, %swap3A_461, %swap3A_462] {strides = array<i32>} : memref<2x8x32xi32, #tpu.memory_space<vmem>>, vector<16xi32>,
        tpu.vector_store %arg7[%swap3A_460, %swap3A_461, %swap3A_462], %gather3A_458 {strides = array<i32>} : memref<2x8x32xi32, #tpu.memory_space<vmem>>, vector<16xi32>,
        %add3A_464 = arith.constant 0 : i32
        %add3A_465 = arith.addi %mul3A_367, %add3A_464 : i32
        %add3A_466 = arith.constant 16 : i32
        %add3A_467 = arith.addi %add3A_465, %add3A_466 : i32
        %add3A_468 = vector.broadcast %add3A_467 : i32 to vector<16xi32>
        %add3A_469 = arith.addi %add3A_49, %add3A_468 : vector<16xi32>
        %gather3A_470 = tpu.vector_load_idx %arg6[%add3A_469] : memref<13312xi32, #tpu.memory_space<vmem>>[vector<16xi32>], vector<16xi32>,
        %swap3A_471 = arith.constant 4 : i32
        %swap3A_472 = arith.index_cast %rem3A_365 : i32 to index
        %swap3A_473 = arith.index_cast %swap3A_471 : i32 to index
        %swap3A_474 = arith.constant 0 : index
        %swap3A_475 = tpu.vector_load %arg7[%swap3A_472, %swap3A_473, %swap3A_474] {strides = array<i32>} : memref<2x8x32xi32, #tpu.memory_space<vmem>>, vector<16xi32>,
        tpu.vector_store %arg7[%swap3A_472, %swap3A_473, %swap3A_474], %gather3A_470 {strides = array<i32>} : memref<2x8x32xi32, #tpu.memory_space<vmem>>, vector<16xi32>,
        %add3A_476 = arith.constant 104 : i32
        %add3A_477 = arith.addi %mul3A_367, %add3A_476 : i32
        %add3A_478 = arith.constant 16 : i32
        %add3A_479 = arith.addi %add3A_477, %add3A_478 : i32
        %add3A_480 = vector.broadcast %add3A_479 : i32 to vector<16xi32>
        %add3A_481 = arith.addi %add3A_49, %add3A_480 : vector<16xi32>
        %gather3A_482 = tpu.vector_load_idx %arg6[%add3A_481] : memref<13312xi32, #tpu.memory_space<vmem>>[vector<16xi32>], vector<16xi32>,
        %swap3A_483 = arith.constant 4 : i32
        %swap3A_484 = arith.index_cast %rem3A_365 : i32 to index
        %swap3A_485 = arith.index_cast %swap3A_483 : i32 to index
        %swap3A_486 = arith.constant 16 : index
        %swap3A_487 = tpu.vector_load %arg7[%swap3A_484, %swap3A_485, %swap3A_486] {strides = array<i32>} : memref<2x8x32xi32, #tpu.memory_space<vmem>>, vector<16xi32>,
        tpu.vector_store %arg7[%swap3A_484, %swap3A_485, %swap3A_486], %gather3A_482 {strides = array<i32>} : memref<2x8x32xi32, #tpu.memory_space<vmem>>, vector<16xi32>,
        %add3A_488 = arith.constant 0 : i32
        %add3A_489 = arith.addi %mul3A_367, %add3A_488 : i32
        %add3A_490 = arith.constant 20 : i32
        %add3A_491 = arith.addi %add3A_489, %add3A_490 : i32
        %add3A_492 = vector.broadcast %add3A_491 : i32 to vector<16xi32>
        %add3A_493 = arith.addi %add3A_49, %add3A_492 : vector<16xi32>
        %gather3A_494 = tpu.vector_load_idx %arg6[%add3A_493] : memref<13312xi32, #tpu.memory_space<vmem>>[vector<16xi32>], vector<16xi32>,
        %swap3A_495 = arith.constant 5 : i32
        %swap3A_496 = arith.index_cast %rem3A_365 : i32 to index
        %swap3A_497 = arith.index_cast %swap3A_495 : i32 to index
        %swap3A_498 = arith.constant 0 : index
        %swap3A_499 = tpu.vector_load %arg7[%swap3A_496, %swap3A_497, %swap3A_498] {strides = array<i32>} : memref<2x8x32xi32, #tpu.memory_space<vmem>>, vector<16xi32>,
        tpu.vector_store %arg7[%swap3A_496, %swap3A_497, %swap3A_498], %gather3A_494 {strides = array<i32>} : memref<2x8x32xi32, #tpu.memory_space<vmem>>, vector<16xi32>,
        %add3A_500 = arith.constant 104 : i32
        %add3A_501 = arith.addi %mul3A_367, %add3A_500 : i32
        %add3A_502 = arith.constant 20 : i32
        %add3A_503 = arith.addi %add3A_501, %add3A_502 : i32
        %add3A_504 = vector.broadcast %add3A_503 : i32 to vector<16xi32>
        %add3A_505 = arith.addi %add3A_49, %add3A_504 : vector<16xi32>
        %gather3A_506 = tpu.vector_load_idx %arg6[%add3A_505] : memref<13312xi32, #tpu.memory_space<vmem>>[vector<16xi32>], vector<16xi32>,
        %swap3A_507 = arith.constant 5 : i32
        %swap3A_508 = arith.index_cast %rem3A_365 : i32 to index
        %swap3A_509 = arith.index_cast %swap3A_507 : i32 to index
        %swap3A_510 = arith.constant 16 : index
        %swap3A_511 = tpu.vector_load %arg7[%swap3A_508, %swap3A_509, %swap3A_510] {strides = array<i32>} : memref<2x8x32xi32, #tpu.memory_space<vmem>>, vector<16xi32>,
        tpu.vector_store %arg7[%swap3A_508, %swap3A_509, %swap3A_510], %gather3A_506 {strides = array<i32>} : memref<2x8x32xi32, #tpu.memory_space<vmem>>, vector<16xi32>,
        %add3A_512 = arith.constant 24 : i32
        %add3A_513 = arith.addi %mul3A_367, %add3A_512 : i32
        %add3A_514 = vector.broadcast %add3A_513 : i32 to vector<16xi32>
        %add3A_515 = arith.addi %add3A_106, %add3A_514 : vector<16xi32>
        %gather3A_516 = tpu.vector_load_idx %arg6[%add3A_515] : memref<13312xi32, #tpu.memory_space<vmem>>[vector<16xi32>], vector<16xi32>,
        %swap3A_517 = arith.constant 6 : i32
        %swap3A_518 = arith.index_cast %rem3A_365 : i32 to index
        %swap3A_519 = arith.index_cast %swap3A_517 : i32 to index
        %swap3A_520 = arith.constant 0 : index
        %swap3A_521 = tpu.vector_load %arg7[%swap3A_518, %swap3A_519, %swap3A_520] {strides = array<i32>} : memref<2x8x32xi32, #tpu.memory_space<vmem>>, vector<16xi32>,
        tpu.vector_store %arg7[%swap3A_518, %swap3A_519, %swap3A_520], %gather3A_516 {strides = array<i32>} : memref<2x8x32xi32, #tpu.memory_space<vmem>>, vector<16xi32>,
        %dma_start3A_522 = arith.constant 0 : i32
        %dma_start3A_523 = arith.constant 0 : i32
        %dma_start3A_524 = arith.constant 0 : i32
        %dma_start3A_525 = tpu.memref_slice %arg8[%rem3A_365, %dma_start3A_523, %dma_start3A_524] : memref<2x208x128xf32, #tpu.memory_space<vmem>> -> memref<1x32x128xf32, #tpu.memory_space<vmem>>
        %dma_start3A_526 = tpu.memref_squeeze %dma_start3A_525 : memref<1x32x128xf32, #tpu.memory_space<vmem>> -> memref<32x128xf32, #tpu.memory_space<vmem>>
        %dma_start3A_527 = arith.constant 0 : i32
        %dma_start3A_528 = tpu.memref_slice %arg7[%rem3A_365, %dma_start3A_522, %dma_start3A_527] : memref<2x8x32xi32, #tpu.memory_space<vmem>> -> memref<1x1x32xi32, #tpu.memory_space<vmem>>
        %dma_start3A_529 = tpu.memref_squeeze %dma_start3A_528 : memref<1x1x32xi32, #tpu.memory_space<vmem>> -> memref<32xi32, #tpu.memory_space<vmem>>
        %dma_start3A_530 = arith.constant 0 : i32
        %dma_start3A_531 = arith.constant 0 : i32
        %dma_start3A_532 = tpu.memref_slice %arg3[%dma_start3A_530, %dma_start3A_531] : memref<100000x832xf32, #tpu.memory_space<hbm>> -> memref<100000x128xf32, #tpu.memory_space<hbm>>
        tpu.enqueue_indirect_dma source(%dma_start3A_532 : memref<100000x128xf32, #tpu.memory_space<hbm>>) target(%dma_start3A_526 : memref<32x128xf32, #tpu.memory_space<vmem>>) offsets(%dma_start3A_529 : memref<32xi32, #tpu.memory_space<vmem>>) semaphore(%arg10 : memref<!tpu.dma_semaphore, #tpu.memory_space<semaphore_mem>>)
        %dma_start3A_533 = arith.constant 1 : i32
        %dma_start3A_534 = arith.constant 32 : i32
        %dma_start3A_535 = arith.constant 0 : i32
        %dma_start3A_536 = tpu.memref_slice %arg8[%rem3A_365, %dma_start3A_534, %dma_start3A_535] : memref<2x208x128xf32, #tpu.memory_space<vmem>> -> memref<1x32x128xf32, #tpu.memory_space<vmem>>
        %dma_start3A_537 = tpu.memref_squeeze %dma_start3A_536 : memref<1x32x128xf32, #tpu.memory_space<vmem>> -> memref<32x128xf32, #tpu.memory_space<vmem>>
        %dma_start3A_538 = arith.constant 0 : i32
        %dma_start3A_539 = tpu.memref_slice %arg7[%rem3A_365, %dma_start3A_533, %dma_start3A_538] : memref<2x8x32xi32, #tpu.memory_space<vmem>> -> memref<1x1x32xi32, #tpu.memory_space<vmem>>
        %dma_start3A_540 = tpu.memref_squeeze %dma_start3A_539 : memref<1x1x32xi32, #tpu.memory_space<vmem>> -> memref<32xi32, #tpu.memory_space<vmem>>
        %dma_start3A_541 = arith.constant 0 : i32
        %dma_start3A_542 = arith.constant 128 : i32
        %dma_start3A_543 = tpu.memref_slice %arg3[%dma_start3A_541, %dma_start3A_542] : memref<100000x832xf32, #tpu.memory_space<hbm>> -> memref<100000x128xf32, #tpu.memory_space<hbm>>
        tpu.enqueue_indirect_dma source(%dma_start3A_543 : memref<100000x128xf32, #tpu.memory_space<hbm>>) target(%dma_start3A_537 : memref<32x128xf32, #tpu.memory_space<vmem>>) offsets(%dma_start3A_540 : memref<32xi32, #tpu.memory_space<vmem>>) semaphore(%arg10 : memref<!tpu.dma_semaphore, #tpu.memory_space<semaphore_mem>>)
        %dma_start3A_544 = arith.constant 2 : i32
        %dma_start3A_545 = arith.constant 64 : i32
        %dma_start3A_546 = arith.constant 0 : i32
        %dma_start3A_547 = tpu.memref_slice %arg8[%rem3A_365, %dma_start3A_545, %dma_start3A_546] : memref<2x208x128xf32, #tpu.memory_space<vmem>> -> memref<1x32x128xf32, #tpu.memory_space<vmem>>
        %dma_start3A_548 = tpu.memref_squeeze %dma_start3A_547 : memref<1x32x128xf32, #tpu.memory_space<vmem>> -> memref<32x128xf32, #tpu.memory_space<vmem>>
        %dma_start3A_549 = arith.constant 0 : i32
        %dma_start3A_550 = tpu.memref_slice %arg7[%rem3A_365, %dma_start3A_544, %dma_start3A_549] : memref<2x8x32xi32, #tpu.memory_space<vmem>> -> memref<1x1x32xi32, #tpu.memory_space<vmem>>
        %dma_start3A_551 = tpu.memref_squeeze %dma_start3A_550 : memref<1x1x32xi32, #tpu.memory_space<vmem>> -> memref<32xi32, #tpu.memory_space<vmem>>
        %dma_start3A_552 = arith.constant 0 : i32
        %dma_start3A_553 = arith.constant 256 : i32
        %dma_start3A_554 = tpu.memref_slice %arg3[%dma_start3A_552, %dma_start3A_553] : memref<100000x832xf32, #tpu.memory_space<hbm>> -> memref<100000x128xf32, #tpu.memory_space<hbm>>
        tpu.enqueue_indirect_dma source(%dma_start3A_554 : memref<100000x128xf32, #tpu.memory_space<hbm>>) target(%dma_start3A_548 : memref<32x128xf32, #tpu.memory_space<vmem>>) offsets(%dma_start3A_551 : memref<32xi32, #tpu.memory_space<vmem>>) semaphore(%arg10 : memref<!tpu.dma_semaphore, #tpu.memory_space<semaphore_mem>>)
        %dma_start3A_555 = arith.constant 3 : i32
        %dma_start3A_556 = arith.constant 96 : i32
        %dma_start3A_557 = arith.constant 0 : i32
        %dma_start3A_558 = tpu.memref_slice %arg8[%rem3A_365, %dma_start3A_556, %dma_start3A_557] : memref<2x208x128xf32, #tpu.memory_space<vmem>> -> memref<1x32x128xf32, #tpu.memory_space<vmem>>
        %dma_start3A_559 = tpu.memref_squeeze %dma_start3A_558 : memref<1x32x128xf32, #tpu.memory_space<vmem>> -> memref<32x128xf32, #tpu.memory_space<vmem>>
        %dma_start3A_560 = arith.constant 0 : i32
        %dma_start3A_561 = tpu.memref_slice %arg7[%rem3A_365, %dma_start3A_555, %dma_start3A_560] : memref<2x8x32xi32, #tpu.memory_space<vmem>> -> memref<1x1x32xi32, #tpu.memory_space<vmem>>
        %dma_start3A_562 = tpu.memref_squeeze %dma_start3A_561 : memref<1x1x32xi32, #tpu.memory_space<vmem>> -> memref<32xi32, #tpu.memory_space<vmem>>
        %dma_start3A_563 = arith.constant 0 : i32
        %dma_start3A_564 = arith.constant 384 : i32
        %dma_start3A_565 = tpu.memref_slice %arg3[%dma_start3A_563, %dma_start3A_564] : memref<100000x832xf32, #tpu.memory_space<hbm>> -> memref<100000x128xf32, #tpu.memory_space<hbm>>
        tpu.enqueue_indirect_dma source(%dma_start3A_565 : memref<100000x128xf32, #tpu.memory_space<hbm>>) target(%dma_start3A_559 : memref<32x128xf32, #tpu.memory_space<vmem>>) offsets(%dma_start3A_562 : memref<32xi32, #tpu.memory_space<vmem>>) semaphore(%arg10 : memref<!tpu.dma_semaphore, #tpu.memory_space<semaphore_mem>>)
        %dma_start3A_566 = arith.constant 4 : i32
        %dma_start3A_567 = arith.constant 128 : i32
        %dma_start3A_568 = arith.constant 0 : i32
        %dma_start3A_569 = tpu.memref_slice %arg8[%rem3A_365, %dma_start3A_567, %dma_start3A_568] : memref<2x208x128xf32, #tpu.memory_space<vmem>> -> memref<1x32x128xf32, #tpu.memory_space<vmem>>
        %dma_start3A_570 = tpu.memref_squeeze %dma_start3A_569 : memref<1x32x128xf32, #tpu.memory_space<vmem>> -> memref<32x128xf32, #tpu.memory_space<vmem>>
        %dma_start3A_571 = arith.constant 0 : i32
        %dma_start3A_572 = tpu.memref_slice %arg7[%rem3A_365, %dma_start3A_566, %dma_start3A_571] : memref<2x8x32xi32, #tpu.memory_space<vmem>> -> memref<1x1x32xi32, #tpu.memory_space<vmem>>
        %dma_start3A_573 = tpu.memref_squeeze %dma_start3A_572 : memref<1x1x32xi32, #tpu.memory_space<vmem>> -> memref<32xi32, #tpu.memory_space<vmem>>
        %dma_start3A_574 = arith.constant 0 : i32
        %dma_start3A_575 = arith.constant 512 : i32
        %dma_start3A_576 = tpu.memref_slice %arg3[%dma_start3A_574, %dma_start3A_575] : memref<100000x832xf32, #tpu.memory_space<hbm>> -> memref<100000x128xf32, #tpu.memory_space<hbm>>
        tpu.enqueue_indirect_dma source(%dma_start3A_576 : memref<100000x128xf32, #tpu.memory_space<hbm>>) target(%dma_start3A_570 : memref<32x128xf32, #tpu.memory_space<vmem>>) offsets(%dma_start3A_573 : memref<32xi32, #tpu.memory_space<vmem>>) semaphore(%arg10 : memref<!tpu.dma_semaphore, #tpu.memory_space<semaphore_mem>>)
        %dma_start3A_577 = arith.constant 5 : i32
        %dma_start3A_578 = arith.constant 160 : i32
        %dma_start3A_579 = arith.constant 0 : i32
        %dma_start3A_580 = tpu.memref_slice %arg8[%rem3A_365, %dma_start3A_578, %dma_start3A_579] : memref<2x208x128xf32, #tpu.memory_space<vmem>> -> memref<1x32x128xf32, #tpu.memory_space<vmem>>
        %dma_start3A_581 = tpu.memref_squeeze %dma_start3A_580 : memref<1x32x128xf32, #tpu.memory_space<vmem>> -> memref<32x128xf32, #tpu.memory_space<vmem>>
        %dma_start3A_582 = arith.constant 0 : i32
        %dma_start3A_583 = tpu.memref_slice %arg7[%rem3A_365, %dma_start3A_577, %dma_start3A_582] : memref<2x8x32xi32, #tpu.memory_space<vmem>> -> memref<1x1x32xi32, #tpu.memory_space<vmem>>
        %dma_start3A_584 = tpu.memref_squeeze %dma_start3A_583 : memref<1x1x32xi32, #tpu.memory_space<vmem>> -> memref<32xi32, #tpu.memory_space<vmem>>
        %dma_start3A_585 = arith.constant 0 : i32
        %dma_start3A_586 = arith.constant 640 : i32
        %dma_start3A_587 = tpu.memref_slice %arg3[%dma_start3A_585, %dma_start3A_586] : memref<100000x832xf32, #tpu.memory_space<hbm>> -> memref<100000x128xf32, #tpu.memory_space<hbm>>
        tpu.enqueue_indirect_dma source(%dma_start3A_587 : memref<100000x128xf32, #tpu.memory_space<hbm>>) target(%dma_start3A_581 : memref<32x128xf32, #tpu.memory_space<vmem>>) offsets(%dma_start3A_584 : memref<32xi32, #tpu.memory_space<vmem>>) semaphore(%arg10 : memref<!tpu.dma_semaphore, #tpu.memory_space<semaphore_mem>>)
        %dma_start3A_588 = arith.constant 6 : i32
        %dma_start3A_589 = arith.constant 192 : i32
        %dma_start3A_590 = arith.constant 0 : i32
        %dma_start3A_591 = tpu.memref_slice %arg8[%rem3A_365, %dma_start3A_589, %dma_start3A_590] : memref<2x208x128xf32, #tpu.memory_space<vmem>> -> memref<1x16x128xf32, #tpu.memory_space<vmem>>
        %dma_start3A_592 = tpu.memref_squeeze %dma_start3A_591 : memref<1x16x128xf32, #tpu.memory_space<vmem>> -> memref<16x128xf32, #tpu.memory_space<vmem>>
        %dma_start3A_593 = arith.constant 0 : i32
        %dma_start3A_594 = tpu.memref_slice %arg7[%rem3A_365, %dma_start3A_588, %dma_start3A_593] : memref<2x8x32xi32, #tpu.memory_space<vmem>> -> memref<1x1x16xi32, #tpu.memory_space<vmem>>
        %dma_start3A_595 = tpu.memref_squeeze %dma_start3A_594 : memref<1x1x16xi32, #tpu.memory_space<vmem>> -> memref<16xi32, #tpu.memory_space<vmem>>
        %dma_start3A_596 = arith.constant 0 : i32
        %dma_start3A_597 = arith.constant 0 : i32
        %dma_start3A_598 = tpu.memref_slice %arg4[%dma_start3A_596, %dma_start3A_597] : memref<100000x128xf32, #tpu.memory_space<hbm>> -> memref<100000x128xf32, #tpu.memory_space<hbm>>
        tpu.enqueue_indirect_dma source(%dma_start3A_598 : memref<100000x128xf32, #tpu.memory_space<hbm>>) target(%dma_start3A_592 : memref<16x128xf32, #tpu.memory_space<vmem>>) offsets(%dma_start3A_595 : memref<16xi32, #tpu.memory_space<vmem>>) semaphore(%arg10 : memref<!tpu.dma_semaphore, #tpu.memory_space<semaphore_mem>>)
      } else {
      }
      %dma_wait3A = arith.constant 0 : i32
      %dma_wait3A_337 = arith.constant 0 : i32
      %dma_wait3A_338 = tpu.memref_slice %arg8[%rem3A_331, %dma_wait3A, %dma_wait3A_337] : memref<2x208x128xf32, #tpu.memory_space<vmem>> -> memref<1x208x128xf32, #tpu.memory_space<vmem>>
      %dma_wait3A_339 = tpu.memref_squeeze %dma_wait3A_338 : memref<1x208x128xf32, #tpu.memory_space<vmem>> -> memref<208x128xf32, #tpu.memory_space<vmem>>
      %dma_wait3A_340 = arith.constant 0 : i32
      %dma_wait3A_341 = arith.constant 0 : i32
      %dma_wait3A_342 = tpu.memref_slice %arg3[%dma_wait3A_340, %dma_wait3A_341] : memref<100000x832xf32, #tpu.memory_space<hbm>> -> memref<208x128xf32, #tpu.memory_space<hbm>>
      %dma_wait3A_343 = arith.constant 0 : i32
      %dma_wait3A_344 = arith.constant 0 : i32
      %dma_wait3A_345 = tpu.memref_slice %arg8[%rem3A_331, %dma_wait3A_343, %dma_wait3A_344] : memref<2x208x128xf32, #tpu.memory_space<vmem>> -> memref<1x208x128xf32, #tpu.memory_space<vmem>>
      %dma_wait3A_346 = tpu.memref_squeeze %dma_wait3A_345 : memref<1x208x128xf32, #tpu.memory_space<vmem>> -> memref<208x128xf32, #tpu.memory_space<vmem>>
      %dma_wait3A_347 = arith.constant 0 : i32
      %dma_wait3A_348 = arith.constant 0 : i32
      %dma_wait3A_349 = tpu.memref_slice %arg3[%dma_wait3A_347, %dma_wait3A_348] : memref<100000x832xf32, #tpu.memory_space<hbm>> -> memref<208x128xf32, #tpu.memory_space<hbm>>
      tpu.wait_dma2 semaphore(%arg10 : memref<!tpu.dma_semaphore, #tpu.memory_space<semaphore_mem>>) src(%dma_wait3A_349 : memref<208x128xf32, #tpu.memory_space<hbm>>) dst(%dma_wait3A_346 : memref<208x128xf32, #tpu.memory_space<vmem>>)
      %scan3A_350 = arith.constant 0 : i32
      %scan3A_351 = arith.constant 8 : i32
      %scan3A_352 = arith.addi %scan3A_350, %scan3A_351 : i32
      %scan3A_353 = arith.constant 1 : i32
      scf.for %scan3A_360 = %scan3A_350 to %scan3A_352 step %scan3A_353  : i32 {
        %mul3A_361 = arith.constant 4 : i32
        %mul3A_362 = arith.muli %scan3A_360, %mul3A_361 : i32
        %add3A_363 = arith.constant 0 : i32
        %add3A_364 = arith.addi %add3A_363, %mul3A_362 : i32
        %add3A_365 = arith.constant 0 : i32
        %add3A_366 = arith.addi %add3A_364, %add3A_365 : i32
        %get3A = arith.index_cast %rem3A_331 : i32 to index
        %get3A_367 = arith.index_cast %add3A_366 : i32 to index
        %get3A_368 = arith.constant 0 : index
        %get3A_369 = tpu.vector_load %arg8[%get3A, %get3A_367, %get3A_368] {strides = array<i32>} : memref<2x208x128xf32, #tpu.memory_space<vmem>>, vector<16xf32>,
        %swap3A_370 = arith.index_cast %scan3A_360 : i32 to index
        %swap3A_371 = arith.constant 0 : index
        %swap3A_372 = tpu.vector_load %arg9[%swap3A_370, %swap3A_371] {strides = array<i32>} : memref<8x832xf32, #tpu.memory_space<vmem>>, vector<16xf32>,
        tpu.vector_store %arg9[%swap3A_370, %swap3A_371], %get3A_369 {strides = array<i32>} : memref<8x832xf32, #tpu.memory_space<vmem>>, vector<16xf32>,
        %get3A_373 = arith.index_cast %rem3A_331 : i32 to index
        %get3A_374 = arith.index_cast %add3A_366 : i32 to index
        %get3A_375 = arith.constant 16 : index
        %get3A_376 = tpu.vector_load %arg8[%get3A_373, %get3A_374, %get3A_375] {strides = array<i32>} : memref<2x208x128xf32, #tpu.memory_space<vmem>>, vector<16xf32>,
        %swap3A_377 = arith.index_cast %scan3A_360 : i32 to index
        %swap3A_378 = arith.constant 16 : index
        %swap3A_379 = tpu.vector_load %arg9[%swap3A_377, %swap3A_378] {strides = array<i32>} : memref<8x832xf32, #tpu.memory_space<vmem>>, vector<16xf32>,
        tpu.vector_store %arg9[%swap3A_377, %swap3A_378], %get3A_376 {strides = array<i32>} : memref<8x832xf32, #tpu.memory_space<vmem>>, vector<16xf32>,
        %mul3A_380 = arith.constant 4 : i32
        %mul3A_381 = arith.muli %scan3A_360, %mul3A_380 : i32
        %add3A_382 = arith.constant 0 : i32
        %add3A_383 = arith.addi %add3A_382, %mul3A_381 : i32
        %add3A_384 = arith.constant 1 : i32
        %add3A_385 = arith.addi %add3A_383, %add3A_384 : i32
        %get3A_386 = arith.index_cast %rem3A_331 : i32 to index
        %get3A_387 = arith.index_cast %add3A_385 : i32 to index
        %get3A_388 = arith.constant 32 : index
        %get3A_389 = tpu.vector_load %arg8[%get3A_386, %get3A_387, %get3A_388] {strides = array<i32>} : memref<2x208x128xf32, #tpu.memory_space<vmem>>, vector<16xf32>,
        %swap3A_390 = arith.index_cast %scan3A_360 : i32 to index
        %swap3A_391 = arith.constant 32 : index
        %swap3A_392 = tpu.vector_load %arg9[%swap3A_390, %swap3A_391] {strides = array<i32>} : memref<8x832xf32, #tpu.memory_space<vmem>>, vector<16xf32>,
        tpu.vector_store %arg9[%swap3A_390, %swap3A_391], %get3A_389 {strides = array<i32>} : memref<8x832xf32, #tpu.memory_space<vmem>>, vector<16xf32>,
        %get3A_393 = arith.index_cast %rem3A_331 : i32 to index
        %get3A_394 = arith.index_cast %add3A_385 : i32 to index
        %get3A_395 = arith.constant 48 : index
        %get3A_396 = tpu.vector_load %arg8[%get3A_393, %get3A_394, %get3A_395] {strides = array<i32>} : memref<2x208x128xf32, #tpu.memory_space<vmem>>, vector<16xf32>,
        %swap3A_397 = arith.index_cast %scan3A_360 : i32 to index
        %swap3A_398 = arith.constant 48 : index
        %swap3A_399 = tpu.vector_load %arg9[%swap3A_397, %swap3A_398] {strides = array<i32>} : memref<8x832xf32, #tpu.memory_space<vmem>>, vector<16xf32>,
        tpu.vector_store %arg9[%swap3A_397, %swap3A_398], %get3A_396 {strides = array<i32>} : memref<8x832xf32, #tpu.memory_space<vmem>>, vector<16xf32>,
        %mul3A_400 = arith.constant 4 : i32
        %mul3A_401 = arith.muli %scan3A_360, %mul3A_400 : i32
        %add3A_402 = arith.constant 0 : i32
        %add3A_403 = arith.addi %add3A_402, %mul3A_401 : i32
        %add3A_404 = arith.constant 2 : i32
        %add3A_405 = arith.addi %add3A_403, %add3A_404 : i32
        %get3A_406 = arith.index_cast %rem3A_331 : i32 to index
        %get3A_407 = arith.index_cast %add3A_405 : i32 to index
        %get3A_408 = arith.constant 64 : index
        %get3A_409 = tpu.vector_load %arg8[%get3A_406, %get3A_407, %get3A_408] {strides = array<i32>} : memref<2x208x128xf32, #tpu.memory_space<vmem>>, vector<16xf32>,
        %swap3A_410 = arith.index_cast %scan3A_360 : i32 to index
        %swap3A_411 = arith.constant 64 : index
        %swap3A_412 = tpu.vector_load %arg9[%swap3A_410, %swap3A_411] {strides = array<i32>} : memref<8x832xf32, #tpu.memory_space<vmem>>, vector<16xf32>,
        tpu.vector_store %arg9[%swap3A_410, %swap3A_411], %get3A_409 {strides = array<i32>} : memref<8x832xf32, #tpu.memory_space<vmem>>, vector<16xf32>,
        %get3A_413 = arith.index_cast %rem3A_331 : i32 to index
        %get3A_414 = arith.index_cast %add3A_405 : i32 to index
        %get3A_415 = arith.constant 80 : index
        %get3A_416 = tpu.vector_load %arg8[%get3A_413, %get3A_414, %get3A_415] {strides = array<i32>} : memref<2x208x128xf32, #tpu.memory_space<vmem>>, vector<16xf32>,
        %swap3A_417 = arith.index_cast %scan3A_360 : i32 to index
        %swap3A_418 = arith.constant 80 : index
        %swap3A_419 = tpu.vector_load %arg9[%swap3A_417, %swap3A_418] {strides = array<i32>} : memref<8x832xf32, #tpu.memory_space<vmem>>, vector<16xf32>,
        tpu.vector_store %arg9[%swap3A_417, %swap3A_418], %get3A_416 {strides = array<i32>} : memref<8x832xf32, #tpu.memory_space<vmem>>, vector<16xf32>,
        %mul3A_420 = arith.constant 4 : i32
        %mul3A_421 = arith.muli %scan3A_360, %mul3A_420 : i32
        %add3A_422 = arith.constant 0 : i32
        %add3A_423 = arith.addi %add3A_422, %mul3A_421 : i32
        %add3A_424 = arith.constant 3 : i32
        %add3A_425 = arith.addi %add3A_423, %add3A_424 : i32
        %get3A_426 = arith.index_cast %rem3A_331 : i32 to index
        %get3A_427 = arith.index_cast %add3A_425 : i32 to index
        %get3A_428 = arith.constant 96 : index
        %get3A_429 = tpu.vector_load %arg8[%get3A_426, %get3A_427, %get3A_428] {strides = array<i32>} : memref<2x208x128xf32, #tpu.memory_space<vmem>>, vector<16xf32>,
        %swap3A_430 = arith.index_cast %scan3A_360 : i32 to index
        %swap3A_431 = arith.constant 96 : index
        %swap3A_432 = tpu.vector_load %arg9[%swap3A_430, %swap3A_431] {strides = array<i32>} : memref<8x832xf32, #tpu.memory_space<vmem>>, vector<16xf32>,
        tpu.vector_store %arg9[%swap3A_430, %swap3A_431], %get3A_429 {strides = array<i32>} : memref<8x832xf32, #tpu.memory_space<vmem>>, vector<16xf32>,
        %get3A_433 = arith.index_cast %rem3A_331 : i32 to index
        %get3A_434 = arith.index_cast %add3A_425 : i32 to index
        %get3A_435 = arith.constant 112 : index
        %get3A_436 = tpu.vector_load %arg8[%get3A_433, %get3A_434, %get3A_435] {strides = array<i32>} : memref<2x208x128xf32, #tpu.memory_space<vmem>>, vector<16xf32>,
        %swap3A_437 = arith.index_cast %scan3A_360 : i32 to index
        %swap3A_438 = arith.constant 112 : index
        %swap3A_439 = tpu.vector_load %arg9[%swap3A_437, %swap3A_438] {strides = array<i32>} : memref<8x832xf32, #tpu.memory_space<vmem>>, vector<16xf32>,
        tpu.vector_store %arg9[%swap3A_437, %swap3A_438], %get3A_436 {strides = array<i32>} : memref<8x832xf32, #tpu.memory_space<vmem>>, vector<16xf32>,
        %mul3A_440 = arith.constant 4 : i32
        %mul3A_441 = arith.muli %scan3A_360, %mul3A_440 : i32
        %add3A_442 = arith.constant 32 : i32
        %add3A_443 = arith.addi %add3A_442, %mul3A_441 : i32
        %add3A_444 = arith.constant 0 : i32
        %add3A_445 = arith.addi %add3A_443, %add3A_444 : i32
        %get3A_446 = arith.index_cast %rem3A_331 : i32 to index
        %get3A_447 = arith.index_cast %add3A_445 : i32 to index
        %get3A_448 = arith.constant 0 : index
        %get3A_449 = tpu.vector_load %arg8[%get3A_446, %get3A_447, %get3A_448] {strides = array<i32>} : memref<2x208x128xf32, #tpu.memory_space<vmem>>, vector<16xf32>,
        %swap3A_450 = arith.index_cast %scan3A_360 : i32 to index
        %swap3A_451 = arith.constant 128 : index
        %swap3A_452 = tpu.vector_load %arg9[%swap3A_450, %swap3A_451] {strides = array<i32>} : memref<8x832xf32, #tpu.memory_space<vmem>>, vector<16xf32>,
        tpu.vector_store %arg9[%swap3A_450, %swap3A_451], %get3A_449 {strides = array<i32>} : memref<8x832xf32, #tpu.memory_space<vmem>>, vector<16xf32>,
        %get3A_453 = arith.index_cast %rem3A_331 : i32 to index
        %get3A_454 = arith.index_cast %add3A_445 : i32 to index
        %get3A_455 = arith.constant 16 : index
        %get3A_456 = tpu.vector_load %arg8[%get3A_453, %get3A_454, %get3A_455] {strides = array<i32>} : memref<2x208x128xf32, #tpu.memory_space<vmem>>, vector<16xf32>,
        %swap3A_457 = arith.index_cast %scan3A_360 : i32 to index
        %swap3A_458 = arith.constant 144 : index
        %swap3A_459 = tpu.vector_load %arg9[%swap3A_457, %swap3A_458] {strides = array<i32>} : memref<8x832xf32, #tpu.memory_space<vmem>>, vector<16xf32>,
        tpu.vector_store %arg9[%swap3A_457, %swap3A_458], %get3A_456 {strides = array<i32>} : memref<8x832xf32, #tpu.memory_space<vmem>>, vector<16xf32>,
        %mul3A_460 = arith.constant 4 : i32
        %mul3A_461 = arith.muli %scan3A_360, %mul3A_460 : i32
        %add3A_462 = arith.constant 32 : i32
        %add3A_463 = arith.addi %add3A_462, %mul3A_461 : i32
        %add3A_464 = arith.constant 1 : i32
        %add3A_465 = arith.addi %add3A_463, %add3A_464 : i32
        %get3A_466 = arith.index_cast %rem3A_331 : i32 to index
        %get3A_467 = arith.index_cast %add3A_465 : i32 to index
        %get3A_468 = arith.constant 32 : index
        %get3A_469 = tpu.vector_load %arg8[%get3A_466, %get3A_467, %get3A_468] {strides = array<i32>} : memref<2x208x128xf32, #tpu.memory_space<vmem>>, vector<16xf32>,
        %swap3A_470 = arith.index_cast %scan3A_360 : i32 to index
        %swap3A_471 = arith.constant 160 : index
        %swap3A_472 = tpu.vector_load %arg9[%swap3A_470, %swap3A_471] {strides = array<i32>} : memref<8x832xf32, #tpu.memory_space<vmem>>, vector<16xf32>,
        tpu.vector_store %arg9[%swap3A_470, %swap3A_471], %get3A_469 {strides = array<i32>} : memref<8x832xf32, #tpu.memory_space<vmem>>, vector<16xf32>,
        %get3A_473 = arith.index_cast %rem3A_331 : i32 to index
        %get3A_474 = arith.index_cast %add3A_465 : i32 to index
        %get3A_475 = arith.constant 48 : index
        %get3A_476 = tpu.vector_load %arg8[%get3A_473, %get3A_474, %get3A_475] {strides = array<i32>} : memref<2x208x128xf32, #tpu.memory_space<vmem>>, vector<16xf32>,
        %swap3A_477 = arith.index_cast %scan3A_360 : i32 to index
        %swap3A_478 = arith.constant 176 : index
        %swap3A_479 = tpu.vector_load %arg9[%swap3A_477, %swap3A_478] {strides = array<i32>} : memref<8x832xf32, #tpu.memory_space<vmem>>, vector<16xf32>,
        tpu.vector_store %arg9[%swap3A_477, %swap3A_478], %get3A_476 {strides = array<i32>} : memref<8x832xf32, #tpu.memory_space<vmem>>, vector<16xf32>,
        %mul3A_480 = arith.constant 4 : i32
        %mul3A_481 = arith.muli %scan3A_360, %mul3A_480 : i32
        %add3A_482 = arith.constant 32 : i32
        %add3A_483 = arith.addi %add3A_482, %mul3A_481 : i32
        %add3A_484 = arith.constant 2 : i32
        %add3A_485 = arith.addi %add3A_483, %add3A_484 : i32
        %get3A_486 = arith.index_cast %rem3A_331 : i32 to index
        %get3A_487 = arith.index_cast %add3A_485 : i32 to index
        %get3A_488 = arith.constant 64 : index
        %get3A_489 = tpu.vector_load %arg8[%get3A_486, %get3A_487, %get3A_488] {strides = array<i32>} : memref<2x208x128xf32, #tpu.memory_space<vmem>>, vector<16xf32>,
        %swap3A_490 = arith.index_cast %scan3A_360 : i32 to index
        %swap3A_491 = arith.constant 192 : index
        %swap3A_492 = tpu.vector_load %arg9[%swap3A_490, %swap3A_491] {strides = array<i32>} : memref<8x832xf32, #tpu.memory_space<vmem>>, vector<16xf32>,
        tpu.vector_store %arg9[%swap3A_490, %swap3A_491], %get3A_489 {strides = array<i32>} : memref<8x832xf32, #tpu.memory_space<vmem>>, vector<16xf32>,
        %get3A_493 = arith.index_cast %rem3A_331 : i32 to index
        %get3A_494 = arith.index_cast %add3A_485 : i32 to index
        %get3A_495 = arith.constant 80 : index
        %get3A_496 = tpu.vector_load %arg8[%get3A_493, %get3A_494, %get3A_495] {strides = array<i32>} : memref<2x208x128xf32, #tpu.memory_space<vmem>>, vector<16xf32>,
        %swap3A_497 = arith.index_cast %scan3A_360 : i32 to index
        %swap3A_498 = arith.constant 208 : index
        %swap3A_499 = tpu.vector_load %arg9[%swap3A_497, %swap3A_498] {strides = array<i32>} : memref<8x832xf32, #tpu.memory_space<vmem>>, vector<16xf32>,
        tpu.vector_store %arg9[%swap3A_497, %swap3A_498], %get3A_496 {strides = array<i32>} : memref<8x832xf32, #tpu.memory_space<vmem>>, vector<16xf32>,
        %mul3A_500 = arith.constant 4 : i32
        %mul3A_501 = arith.muli %scan3A_360, %mul3A_500 : i32
        %add3A_502 = arith.constant 32 : i32
        %add3A_503 = arith.addi %add3A_502, %mul3A_501 : i32
        %add3A_504 = arith.constant 3 : i32
        %add3A_505 = arith.addi %add3A_503, %add3A_504 : i32
        %get3A_506 = arith.index_cast %rem3A_331 : i32 to index
        %get3A_507 = arith.index_cast %add3A_505 : i32 to index
        %get3A_508 = arith.constant 96 : index
        %get3A_509 = tpu.vector_load %arg8[%get3A_506, %get3A_507, %get3A_508] {strides = array<i32>} : memref<2x208x128xf32, #tpu.memory_space<vmem>>, vector<16xf32>,
        %swap3A_510 = arith.index_cast %scan3A_360 : i32 to index
        %swap3A_511 = arith.constant 224 : index
        %swap3A_512 = tpu.vector_load %arg9[%swap3A_510, %swap3A_511] {strides = array<i32>} : memref<8x832xf32, #tpu.memory_space<vmem>>, vector<16xf32>,
        tpu.vector_store %arg9[%swap3A_510, %swap3A_511], %get3A_509 {strides = array<i32>} : memref<8x832xf32, #tpu.memory_space<vmem>>, vector<16xf32>,
        %get3A_513 = arith.index_cast %rem3A_331 : i32 to index
        %get3A_514 = arith.index_cast %add3A_505 : i32 to index
        %get3A_515 = arith.constant 112 : index
        %get3A_516 = tpu.vector_load %arg8[%get3A_513, %get3A_514, %get3A_515] {strides = array<i32>} : memref<2x208x128xf32, #tpu.memory_space<vmem>>, vector<16xf32>,
        %swap3A_517 = arith.index_cast %scan3A_360 : i32 to index
        %swap3A_518 = arith.constant 240 : index
        %swap3A_519 = tpu.vector_load %arg9[%swap3A_517, %swap3A_518] {strides = array<i32>} : memref<8x832xf32, #tpu.memory_space<vmem>>, vector<16xf32>,
        tpu.vector_store %arg9[%swap3A_517, %swap3A_518], %get3A_516 {strides = array<i32>} : memref<8x832xf32, #tpu.memory_space<vmem>>, vector<16xf32>,
        %mul3A_520 = arith.constant 4 : i32
        %mul3A_521 = arith.muli %scan3A_360, %mul3A_520 : i32
        %add3A_522 = arith.constant 64 : i32
        %add3A_523 = arith.addi %add3A_522, %mul3A_521 : i32
        %add3A_524 = arith.constant 0 : i32
        %add3A_525 = arith.addi %add3A_523, %add3A_524 : i32
        %get3A_526 = arith.index_cast %rem3A_331 : i32 to index
        %get3A_527 = arith.index_cast %add3A_525 : i32 to index
        %get3A_528 = arith.constant 0 : index
        %get3A_529 = tpu.vector_load %arg8[%get3A_526, %get3A_527, %get3A_528] {strides = array<i32>} : memref<2x208x128xf32, #tpu.memory_space<vmem>>, vector<16xf32>,
        %swap3A_530 = arith.index_cast %scan3A_360 : i32 to index
        %swap3A_531 = arith.constant 256 : index
        %swap3A_532 = tpu.vector_load %arg9[%swap3A_530, %swap3A_531] {strides = array<i32>} : memref<8x832xf32, #tpu.memory_space<vmem>>, vector<16xf32>,
        tpu.vector_store %arg9[%swap3A_530, %swap3A_531], %get3A_529 {strides = array<i32>} : memref<8x832xf32, #tpu.memory_space<vmem>>, vector<16xf32>,
        %get3A_533 = arith.index_cast %rem3A_331 : i32 to index
        %get3A_534 = arith.index_cast %add3A_525 : i32 to index
        %get3A_535 = arith.constant 16 : index
        %get3A_536 = tpu.vector_load %arg8[%get3A_533, %get3A_534, %get3A_535] {strides = array<i32>} : memref<2x208x128xf32, #tpu.memory_space<vmem>>, vector<16xf32>,
        %swap3A_537 = arith.index_cast %scan3A_360 : i32 to index
        %swap3A_538 = arith.constant 272 : index
        %swap3A_539 = tpu.vector_load %arg9[%swap3A_537, %swap3A_538] {strides = array<i32>} : memref<8x832xf32, #tpu.memory_space<vmem>>, vector<16xf32>,
        tpu.vector_store %arg9[%swap3A_537, %swap3A_538], %get3A_536 {strides = array<i32>} : memref<8x832xf32, #tpu.memory_space<vmem>>, vector<16xf32>,
        %mul3A_540 = arith.constant 4 : i32
        %mul3A_541 = arith.muli %scan3A_360, %mul3A_540 : i32
        %add3A_542 = arith.constant 64 : i32
        %add3A_543 = arith.addi %add3A_542, %mul3A_541 : i32
        %add3A_544 = arith.constant 1 : i32
        %add3A_545 = arith.addi %add3A_543, %add3A_544 : i32
        %get3A_546 = arith.index_cast %rem3A_331 : i32 to index
        %get3A_547 = arith.index_cast %add3A_545 : i32 to index
        %get3A_548 = arith.constant 32 : index
        %get3A_549 = tpu.vector_load %arg8[%get3A_546, %get3A_547, %get3A_548] {strides = array<i32>} : memref<2x208x128xf32, #tpu.memory_space<vmem>>, vector<16xf32>,
        %swap3A_550 = arith.index_cast %scan3A_360 : i32 to index
        %swap3A_551 = arith.constant 288 : index
        %swap3A_552 = tpu.vector_load %arg9[%swap3A_550, %swap3A_551] {strides = array<i32>} : memref<8x832xf32, #tpu.memory_space<vmem>>, vector<16xf32>,
        tpu.vector_store %arg9[%swap3A_550, %swap3A_551], %get3A_549 {strides = array<i32>} : memref<8x832xf32, #tpu.memory_space<vmem>>, vector<16xf32>,
        %get3A_553 = arith.index_cast %rem3A_331 : i32 to index
        %get3A_554 = arith.index_cast %add3A_545 : i32 to index
        %get3A_555 = arith.constant 48 : index
        %get3A_556 = tpu.vector_load %arg8[%get3A_553, %get3A_554, %get3A_555] {strides = array<i32>} : memref<2x208x128xf32, #tpu.memory_space<vmem>>, vector<16xf32>,
        %swap3A_557 = arith.index_cast %scan3A_360 : i32 to index
        %swap3A_558 = arith.constant 304 : index
        %swap3A_559 = tpu.vector_load %arg9[%swap3A_557, %swap3A_558] {strides = array<i32>} : memref<8x832xf32, #tpu.memory_space<vmem>>, vector<16xf32>,
        tpu.vector_store %arg9[%swap3A_557, %swap3A_558], %get3A_556 {strides = array<i32>} : memref<8x832xf32, #tpu.memory_space<vmem>>, vector<16xf32>,
        %mul3A_560 = arith.constant 4 : i32
        %mul3A_561 = arith.muli %scan3A_360, %mul3A_560 : i32
        %add3A_562 = arith.constant 64 : i32
        %add3A_563 = arith.addi %add3A_562, %mul3A_561 : i32
        %add3A_564 = arith.constant 2 : i32
        %add3A_565 = arith.addi %add3A_563, %add3A_564 : i32
        %get3A_566 = arith.index_cast %rem3A_331 : i32 to index
        %get3A_567 = arith.index_cast %add3A_565 : i32 to index
        %get3A_568 = arith.constant 64 : index
        %get3A_569 = tpu.vector_load %arg8[%get3A_566, %get3A_567, %get3A_568] {strides = array<i32>} : memref<2x208x128xf32, #tpu.memory_space<vmem>>, vector<16xf32>,
        %swap3A_570 = arith.index_cast %scan3A_360 : i32 to index
        %swap3A_571 = arith.constant 320 : index
        %swap3A_572 = tpu.vector_load %arg9[%swap3A_570, %swap3A_571] {strides = array<i32>} : memref<8x832xf32, #tpu.memory_space<vmem>>, vector<16xf32>,
        tpu.vector_store %arg9[%swap3A_570, %swap3A_571], %get3A_569 {strides = array<i32>} : memref<8x832xf32, #tpu.memory_space<vmem>>, vector<16xf32>,
        %get3A_573 = arith.index_cast %rem3A_331 : i32 to index
        %get3A_574 = arith.index_cast %add3A_565 : i32 to index
        %get3A_575 = arith.constant 80 : index
        %get3A_576 = tpu.vector_load %arg8[%get3A_573, %get3A_574, %get3A_575] {strides = array<i32>} : memref<2x208x128xf32, #tpu.memory_space<vmem>>, vector<16xf32>,
        %swap3A_577 = arith.index_cast %scan3A_360 : i32 to index
        %swap3A_578 = arith.constant 336 : index
        %swap3A_579 = tpu.vector_load %arg9[%swap3A_577, %swap3A_578] {strides = array<i32>} : memref<8x832xf32, #tpu.memory_space<vmem>>, vector<16xf32>,
        tpu.vector_store %arg9[%swap3A_577, %swap3A_578], %get3A_576 {strides = array<i32>} : memref<8x832xf32, #tpu.memory_space<vmem>>, vector<16xf32>,
        %mul3A_580 = arith.constant 4 : i32
        %mul3A_581 = arith.muli %scan3A_360, %mul3A_580 : i32
        %add3A_582 = arith.constant 64 : i32
        %add3A_583 = arith.addi %add3A_582, %mul3A_581 : i32
        %add3A_584 = arith.constant 3 : i32
        %add3A_585 = arith.addi %add3A_583, %add3A_584 : i32
        %get3A_586 = arith.index_cast %rem3A_331 : i32 to index
        %get3A_587 = arith.index_cast %add3A_585 : i32 to index
        %get3A_588 = arith.constant 96 : index
        %get3A_589 = tpu.vector_load %arg8[%get3A_586, %get3A_587, %get3A_588] {strides = array<i32>} : memref<2x208x128xf32, #tpu.memory_space<vmem>>, vector<16xf32>,
        %swap3A_590 = arith.index_cast %scan3A_360 : i32 to index
        %swap3A_591 = arith.constant 352 : index
        %swap3A_592 = tpu.vector_load %arg9[%swap3A_590, %swap3A_591] {strides = array<i32>} : memref<8x832xf32, #tpu.memory_space<vmem>>, vector<16xf32>,
        tpu.vector_store %arg9[%swap3A_590, %swap3A_591], %get3A_589 {strides = array<i32>} : memref<8x832xf32, #tpu.memory_space<vmem>>, vector<16xf32>,
        %get3A_593 = arith.index_cast %rem3A_331 : i32 to index
        %get3A_594 = arith.index_cast %add3A_585 : i32 to index
        %get3A_595 = arith.constant 112 : index
        %get3A_596 = tpu.vector_load %arg8[%get3A_593, %get3A_594, %get3A_595] {strides = array<i32>} : memref<2x208x128xf32, #tpu.memory_space<vmem>>, vector<16xf32>,
        %swap3A_597 = arith.index_cast %scan3A_360 : i32 to index
        %swap3A_598 = arith.constant 368 : index
        %swap3A_599 = tpu.vector_load %arg9[%swap3A_597, %swap3A_598] {strides = array<i32>} : memref<8x832xf32, #tpu.memory_space<vmem>>, vector<16xf32>,
        tpu.vector_store %arg9[%swap3A_597, %swap3A_598], %get3A_596 {strides = array<i32>} : memref<8x832xf32, #tpu.memory_space<vmem>>, vector<16xf32>,
        %mul3A_600 = arith.constant 4 : i32
        %mul3A_601 = arith.muli %scan3A_360, %mul3A_600 : i32
        %add3A_602 = arith.constant 96 : i32
        %add3A_603 = arith.addi %add3A_602, %mul3A_601 : i32
        %add3A_604 = arith.constant 0 : i32
        %add3A_605 = arith.addi %add3A_603, %add3A_604 : i32
        %get3A_606 = arith.index_cast %rem3A_331 : i32 to index
        %get3A_607 = arith.index_cast %add3A_605 : i32 to index
        %get3A_608 = arith.constant 0 : index
        %get3A_609 = tpu.vector_load %arg8[%get3A_606, %get3A_607, %get3A_608] {strides = array<i32>} : memref<2x208x128xf32, #tpu.memory_space<vmem>>, vector<16xf32>,
        %swap3A_610 = arith.index_cast %scan3A_360 : i32 to index
        %swap3A_611 = arith.constant 384 : index
        %swap3A_612 = tpu.vector_load %arg9[%swap3A_610, %swap3A_611] {strides = array<i32>} : memref<8x832xf32, #tpu.memory_space<vmem>>, vector<16xf32>,
        tpu.vector_store %arg9[%swap3A_610, %swap3A_611], %get3A_609 {strides = array<i32>} : memref<8x832xf32, #tpu.memory_space<vmem>>, vector<16xf32>,
        %get3A_613 = arith.index_cast %rem3A_331 : i32 to index
        %get3A_614 = arith.index_cast %add3A_605 : i32 to index
        %get3A_615 = arith.constant 16 : index
        %get3A_616 = tpu.vector_load %arg8[%get3A_613, %get3A_614, %get3A_615] {strides = array<i32>} : memref<2x208x128xf32, #tpu.memory_space<vmem>>, vector<16xf32>,
        %swap3A_617 = arith.index_cast %scan3A_360 : i32 to index
        %swap3A_618 = arith.constant 400 : index
        %swap3A_619 = tpu.vector_load %arg9[%swap3A_617, %swap3A_618] {strides = array<i32>} : memref<8x832xf32, #tpu.memory_space<vmem>>, vector<16xf32>,
        tpu.vector_store %arg9[%swap3A_617, %swap3A_618], %get3A_616 {strides = array<i32>} : memref<8x832xf32, #tpu.memory_space<vmem>>, vector<16xf32>,
        %mul3A_620 = arith.constant 4 : i32
        %mul3A_621 = arith.muli %scan3A_360, %mul3A_620 : i32
        %add3A_622 = arith.constant 96 : i32
        %add3A_623 = arith.addi %add3A_622, %mul3A_621 : i32
        %add3A_624 = arith.constant 1 : i32
        %add3A_625 = arith.addi %add3A_623, %add3A_624 : i32
        %get3A_626 = arith.index_cast %rem3A_331 : i32 to index
        %get3A_627 = arith.index_cast %add3A_625 : i32 to index
        %get3A_628 = arith.constant 32 : index
        %get3A_629 = tpu.vector_load %arg8[%get3A_626, %get3A_627, %get3A_628] {strides = array<i32>} : memref<2x208x128xf32, #tpu.memory_space<vmem>>, vector<16xf32>,
        %swap3A_630 = arith.index_cast %scan3A_360 : i32 to index
        %swap3A_631 = arith.constant 416 : index
        %swap3A_632 = tpu.vector_load %arg9[%swap3A_630, %swap3A_631] {strides = array<i32>} : memref<8x832xf32, #tpu.memory_space<vmem>>, vector<16xf32>,
        tpu.vector_store %arg9[%swap3A_630, %swap3A_631], %get3A_629 {strides = array<i32>} : memref<8x832xf32, #tpu.memory_space<vmem>>, vector<16xf32>,
        %get3A_633 = arith.index_cast %rem3A_331 : i32 to index
        %get3A_634 = arith.index_cast %add3A_625 : i32 to index
        %get3A_635 = arith.constant 48 : index
        %get3A_636 = tpu.vector_load %arg8[%get3A_633, %get3A_634, %get3A_635] {strides = array<i32>} : memref<2x208x128xf32, #tpu.memory_space<vmem>>, vector<16xf32>,
        %swap3A_637 = arith.index_cast %scan3A_360 : i32 to index
        %swap3A_638 = arith.constant 432 : index
        %swap3A_639 = tpu.vector_load %arg9[%swap3A_637, %swap3A_638] {strides = array<i32>} : memref<8x832xf32, #tpu.memory_space<vmem>>, vector<16xf32>,
        tpu.vector_store %arg9[%swap3A_637, %swap3A_638], %get3A_636 {strides = array<i32>} : memref<8x832xf32, #tpu.memory_space<vmem>>, vector<16xf32>,
        %mul3A_640 = arith.constant 4 : i32
        %mul3A_641 = arith.muli %scan3A_360, %mul3A_640 : i32
        %add3A_642 = arith.constant 96 : i32
        %add3A_643 = arith.addi %add3A_642, %mul3A_641 : i32
        %add3A_644 = arith.constant 2 : i32
        %add3A_645 = arith.addi %add3A_643, %add3A_644 : i32
        %get3A_646 = arith.index_cast %rem3A_331 : i32 to index
        %get3A_647 = arith.index_cast %add3A_645 : i32 to index
        %get3A_648 = arith.constant 64 : index
        %get3A_649 = tpu.vector_load %arg8[%get3A_646, %get3A_647, %get3A_648] {strides = array<i32>} : memref<2x208x128xf32, #tpu.memory_space<vmem>>, vector<16xf32>,
        %swap3A_650 = arith.index_cast %scan3A_360 : i32 to index
        %swap3A_651 = arith.constant 448 : index
        %swap3A_652 = tpu.vector_load %arg9[%swap3A_650, %swap3A_651] {strides = array<i32>} : memref<8x832xf32, #tpu.memory_space<vmem>>, vector<16xf32>,
        tpu.vector_store %arg9[%swap3A_650, %swap3A_651], %get3A_649 {strides = array<i32>} : memref<8x832xf32, #tpu.memory_space<vmem>>, vector<16xf32>,
        %get3A_653 = arith.index_cast %rem3A_331 : i32 to index
        %get3A_654 = arith.index_cast %add3A_645 : i32 to index
        %get3A_655 = arith.constant 80 : index
        %get3A_656 = tpu.vector_load %arg8[%get3A_653, %get3A_654, %get3A_655] {strides = array<i32>} : memref<2x208x128xf32, #tpu.memory_space<vmem>>, vector<16xf32>,
        %swap3A_657 = arith.index_cast %scan3A_360 : i32 to index
        %swap3A_658 = arith.constant 464 : index
        %swap3A_659 = tpu.vector_load %arg9[%swap3A_657, %swap3A_658] {strides = array<i32>} : memref<8x832xf32, #tpu.memory_space<vmem>>, vector<16xf32>,
        tpu.vector_store %arg9[%swap3A_657, %swap3A_658], %get3A_656 {strides = array<i32>} : memref<8x832xf32, #tpu.memory_space<vmem>>, vector<16xf32>,
        %mul3A_660 = arith.constant 4 : i32
        %mul3A_661 = arith.muli %scan3A_360, %mul3A_660 : i32
        %add3A_662 = arith.constant 96 : i32
        %add3A_663 = arith.addi %add3A_662, %mul3A_661 : i32
        %add3A_664 = arith.constant 3 : i32
        %add3A_665 = arith.addi %add3A_663, %add3A_664 : i32
        %get3A_666 = arith.index_cast %rem3A_331 : i32 to index
        %get3A_667 = arith.index_cast %add3A_665 : i32 to index
        %get3A_668 = arith.constant 96 : index
        %get3A_669 = tpu.vector_load %arg8[%get3A_666, %get3A_667, %get3A_668] {strides = array<i32>} : memref<2x208x128xf32, #tpu.memory_space<vmem>>, vector<16xf32>,
        %swap3A_670 = arith.index_cast %scan3A_360 : i32 to index
        %swap3A_671 = arith.constant 480 : index
        %swap3A_672 = tpu.vector_load %arg9[%swap3A_670, %swap3A_671] {strides = array<i32>} : memref<8x832xf32, #tpu.memory_space<vmem>>, vector<16xf32>,
        tpu.vector_store %arg9[%swap3A_670, %swap3A_671], %get3A_669 {strides = array<i32>} : memref<8x832xf32, #tpu.memory_space<vmem>>, vector<16xf32>,
        %get3A_673 = arith.index_cast %rem3A_331 : i32 to index
        %get3A_674 = arith.index_cast %add3A_665 : i32 to index
        %get3A_675 = arith.constant 112 : index
        %get3A_676 = tpu.vector_load %arg8[%get3A_673, %get3A_674, %get3A_675] {strides = array<i32>} : memref<2x208x128xf32, #tpu.memory_space<vmem>>, vector<16xf32>,
        %swap3A_677 = arith.index_cast %scan3A_360 : i32 to index
        %swap3A_678 = arith.constant 496 : index
        %swap3A_679 = tpu.vector_load %arg9[%swap3A_677, %swap3A_678] {strides = array<i32>} : memref<8x832xf32, #tpu.memory_space<vmem>>, vector<16xf32>,
        tpu.vector_store %arg9[%swap3A_677, %swap3A_678], %get3A_676 {strides = array<i32>} : memref<8x832xf32, #tpu.memory_space<vmem>>, vector<16xf32>,
        %mul3A_680 = arith.constant 4 : i32
        %mul3A_681 = arith.muli %scan3A_360, %mul3A_680 : i32
        %add3A_682 = arith.constant 128 : i32
        %add3A_683 = arith.addi %add3A_682, %mul3A_681 : i32
        %add3A_684 = arith.constant 0 : i32
        %add3A_685 = arith.addi %add3A_683, %add3A_684 : i32
        %get3A_686 = arith.index_cast %rem3A_331 : i32 to index
        %get3A_687 = arith.index_cast %add3A_685 : i32 to index
        %get3A_688 = arith.constant 0 : index
        %get3A_689 = tpu.vector_load %arg8[%get3A_686, %get3A_687, %get3A_688] {strides = array<i32>} : memref<2x208x128xf32, #tpu.memory_space<vmem>>, vector<16xf32>,
        %swap3A_690 = arith.index_cast %scan3A_360 : i32 to index
        %swap3A_691 = arith.constant 512 : index
        %swap3A_692 = tpu.vector_load %arg9[%swap3A_690, %swap3A_691] {strides = array<i32>} : memref<8x832xf32, #tpu.memory_space<vmem>>, vector<16xf32>,
        tpu.vector_store %arg9[%swap3A_690, %swap3A_691], %get3A_689 {strides = array<i32>} : memref<8x832xf32, #tpu.memory_space<vmem>>, vector<16xf32>,
        %get3A_693 = arith.index_cast %rem3A_331 : i32 to index
        %get3A_694 = arith.index_cast %add3A_685 : i32 to index
        %get3A_695 = arith.constant 16 : index
        %get3A_696 = tpu.vector_load %arg8[%get3A_693, %get3A_694, %get3A_695] {strides = array<i32>} : memref<2x208x128xf32, #tpu.memory_space<vmem>>, vector<16xf32>,
        %swap3A_697 = arith.index_cast %scan3A_360 : i32 to index
        %swap3A_698 = arith.constant 528 : index
        %swap3A_699 = tpu.vector_load %arg9[%swap3A_697, %swap3A_698] {strides = array<i32>} : memref<8x832xf32, #tpu.memory_space<vmem>>, vector<16xf32>,
        tpu.vector_store %arg9[%swap3A_697, %swap3A_698], %get3A_696 {strides = array<i32>} : memref<8x832xf32, #tpu.memory_space<vmem>>, vector<16xf32>,
        %mul3A_700 = arith.constant 4 : i32
        %mul3A_701 = arith.muli %scan3A_360, %mul3A_700 : i32
        %add3A_702 = arith.constant 128 : i32
        %add3A_703 = arith.addi %add3A_702, %mul3A_701 : i32
        %add3A_704 = arith.constant 1 : i32
        %add3A_705 = arith.addi %add3A_703, %add3A_704 : i32
        %get3A_706 = arith.index_cast %rem3A_331 : i32 to index
        %get3A_707 = arith.index_cast %add3A_705 : i32 to index
        %get3A_708 = arith.constant 32 : index
        %get3A_709 = tpu.vector_load %arg8[%get3A_706, %get3A_707, %get3A_708] {strides = array<i32>} : memref<2x208x128xf32, #tpu.memory_space<vmem>>, vector<16xf32>,
        %swap3A_710 = arith.index_cast %scan3A_360 : i32 to index
        %swap3A_711 = arith.constant 544 : index
        %swap3A_712 = tpu.vector_load %arg9[%swap3A_710, %swap3A_711] {strides = array<i32>} : memref<8x832xf32, #tpu.memory_space<vmem>>, vector<16xf32>,
        tpu.vector_store %arg9[%swap3A_710, %swap3A_711], %get3A_709 {strides = array<i32>} : memref<8x832xf32, #tpu.memory_space<vmem>>, vector<16xf32>,
        %get3A_713 = arith.index_cast %rem3A_331 : i32 to index
        %get3A_714 = arith.index_cast %add3A_705 : i32 to index
        %get3A_715 = arith.constant 48 : index
        %get3A_716 = tpu.vector_load %arg8[%get3A_713, %get3A_714, %get3A_715] {strides = array<i32>} : memref<2x208x128xf32, #tpu.memory_space<vmem>>, vector<16xf32>,
        %swap3A_717 = arith.index_cast %scan3A_360 : i32 to index
        %swap3A_718 = arith.constant 560 : index
        %swap3A_719 = tpu.vector_load %arg9[%swap3A_717, %swap3A_718] {strides = array<i32>} : memref<8x832xf32, #tpu.memory_space<vmem>>, vector<16xf32>,
        tpu.vector_store %arg9[%swap3A_717, %swap3A_718], %get3A_716 {strides = array<i32>} : memref<8x832xf32, #tpu.memory_space<vmem>>, vector<16xf32>,
        %mul3A_720 = arith.constant 4 : i32
        %mul3A_721 = arith.muli %scan3A_360, %mul3A_720 : i32
        %add3A_722 = arith.constant 128 : i32
        %add3A_723 = arith.addi %add3A_722, %mul3A_721 : i32
        %add3A_724 = arith.constant 2 : i32
        %add3A_725 = arith.addi %add3A_723, %add3A_724 : i32
        %get3A_726 = arith.index_cast %rem3A_331 : i32 to index
        %get3A_727 = arith.index_cast %add3A_725 : i32 to index
        %get3A_728 = arith.constant 64 : index
        %get3A_729 = tpu.vector_load %arg8[%get3A_726, %get3A_727, %get3A_728] {strides = array<i32>} : memref<2x208x128xf32, #tpu.memory_space<vmem>>, vector<16xf32>,
        %swap3A_730 = arith.index_cast %scan3A_360 : i32 to index
        %swap3A_731 = arith.constant 576 : index
        %swap3A_732 = tpu.vector_load %arg9[%swap3A_730, %swap3A_731] {strides = array<i32>} : memref<8x832xf32, #tpu.memory_space<vmem>>, vector<16xf32>,
        tpu.vector_store %arg9[%swap3A_730, %swap3A_731], %get3A_729 {strides = array<i32>} : memref<8x832xf32, #tpu.memory_space<vmem>>, vector<16xf32>,
        %get3A_733 = arith.index_cast %rem3A_331 : i32 to index
        %get3A_734 = arith.index_cast %add3A_725 : i32 to index
        %get3A_735 = arith.constant 80 : index
        %get3A_736 = tpu.vector_load %arg8[%get3A_733, %get3A_734, %get3A_735] {strides = array<i32>} : memref<2x208x128xf32, #tpu.memory_space<vmem>>, vector<16xf32>,
        %swap3A_737 = arith.index_cast %scan3A_360 : i32 to index
        %swap3A_738 = arith.constant 592 : index
        %swap3A_739 = tpu.vector_load %arg9[%swap3A_737, %swap3A_738] {strides = array<i32>} : memref<8x832xf32, #tpu.memory_space<vmem>>, vector<16xf32>,
        tpu.vector_store %arg9[%swap3A_737, %swap3A_738], %get3A_736 {strides = array<i32>} : memref<8x832xf32, #tpu.memory_space<vmem>>, vector<16xf32>,
        %mul3A_740 = arith.constant 4 : i32
        %mul3A_741 = arith.muli %scan3A_360, %mul3A_740 : i32
        %add3A_742 = arith.constant 128 : i32
        %add3A_743 = arith.addi %add3A_742, %mul3A_741 : i32
        %add3A_744 = arith.constant 3 : i32
        %add3A_745 = arith.addi %add3A_743, %add3A_744 : i32
        %get3A_746 = arith.index_cast %rem3A_331 : i32 to index
        %get3A_747 = arith.index_cast %add3A_745 : i32 to index
        %get3A_748 = arith.constant 96 : index
        %get3A_749 = tpu.vector_load %arg8[%get3A_746, %get3A_747, %get3A_748] {strides = array<i32>} : memref<2x208x128xf32, #tpu.memory_space<vmem>>, vector<16xf32>,
        %swap3A_750 = arith.index_cast %scan3A_360 : i32 to index
        %swap3A_751 = arith.constant 608 : index
        %swap3A_752 = tpu.vector_load %arg9[%swap3A_750, %swap3A_751] {strides = array<i32>} : memref<8x832xf32, #tpu.memory_space<vmem>>, vector<16xf32>,
        tpu.vector_store %arg9[%swap3A_750, %swap3A_751], %get3A_749 {strides = array<i32>} : memref<8x832xf32, #tpu.memory_space<vmem>>, vector<16xf32>,
        %get3A_753 = arith.index_cast %rem3A_331 : i32 to index
        %get3A_754 = arith.index_cast %add3A_745 : i32 to index
        %get3A_755 = arith.constant 112 : index
        %get3A_756 = tpu.vector_load %arg8[%get3A_753, %get3A_754, %get3A_755] {strides = array<i32>} : memref<2x208x128xf32, #tpu.memory_space<vmem>>, vector<16xf32>,
        %swap3A_757 = arith.index_cast %scan3A_360 : i32 to index
        %swap3A_758 = arith.constant 624 : index
        %swap3A_759 = tpu.vector_load %arg9[%swap3A_757, %swap3A_758] {strides = array<i32>} : memref<8x832xf32, #tpu.memory_space<vmem>>, vector<16xf32>,
        tpu.vector_store %arg9[%swap3A_757, %swap3A_758], %get3A_756 {strides = array<i32>} : memref<8x832xf32, #tpu.memory_space<vmem>>, vector<16xf32>,
        %mul3A_760 = arith.constant 4 : i32
        %mul3A_761 = arith.muli %scan3A_360, %mul3A_760 : i32
        %add3A_762 = arith.constant 160 : i32
        %add3A_763 = arith.addi %add3A_762, %mul3A_761 : i32
        %add3A_764 = arith.constant 0 : i32
        %add3A_765 = arith.addi %add3A_763, %add3A_764 : i32
        %get3A_766 = arith.index_cast %rem3A_331 : i32 to index
        %get3A_767 = arith.index_cast %add3A_765 : i32 to index
        %get3A_768 = arith.constant 0 : index
        %get3A_769 = tpu.vector_load %arg8[%get3A_766, %get3A_767, %get3A_768] {strides = array<i32>} : memref<2x208x128xf32, #tpu.memory_space<vmem>>, vector<16xf32>,
        %swap3A_770 = arith.index_cast %scan3A_360 : i32 to index
        %swap3A_771 = arith.constant 640 : index
        %swap3A_772 = tpu.vector_load %arg9[%swap3A_770, %swap3A_771] {strides = array<i32>} : memref<8x832xf32, #tpu.memory_space<vmem>>, vector<16xf32>,
        tpu.vector_store %arg9[%swap3A_770, %swap3A_771], %get3A_769 {strides = array<i32>} : memref<8x832xf32, #tpu.memory_space<vmem>>, vector<16xf32>,
        %get3A_773 = arith.index_cast %rem3A_331 : i32 to index
        %get3A_774 = arith.index_cast %add3A_765 : i32 to index
        %get3A_775 = arith.constant 16 : index
        %get3A_776 = tpu.vector_load %arg8[%get3A_773, %get3A_774, %get3A_775] {strides = array<i32>} : memref<2x208x128xf32, #tpu.memory_space<vmem>>, vector<16xf32>,
        %swap3A_777 = arith.index_cast %scan3A_360 : i32 to index
        %swap3A_778 = arith.constant 656 : index
        %swap3A_779 = tpu.vector_load %arg9[%swap3A_777, %swap3A_778] {strides = array<i32>} : memref<8x832xf32, #tpu.memory_space<vmem>>, vector<16xf32>,
        tpu.vector_store %arg9[%swap3A_777, %swap3A_778], %get3A_776 {strides = array<i32>} : memref<8x832xf32, #tpu.memory_space<vmem>>, vector<16xf32>,
        %mul3A_780 = arith.constant 4 : i32
        %mul3A_781 = arith.muli %scan3A_360, %mul3A_780 : i32
        %add3A_782 = arith.constant 160 : i32
        %add3A_783 = arith.addi %add3A_782, %mul3A_781 : i32
        %add3A_784 = arith.constant 1 : i32
        %add3A_785 = arith.addi %add3A_783, %add3A_784 : i32
        %get3A_786 = arith.index_cast %rem3A_331 : i32 to index
        %get3A_787 = arith.index_cast %add3A_785 : i32 to index
        %get3A_788 = arith.constant 32 : index
        %get3A_789 = tpu.vector_load %arg8[%get3A_786, %get3A_787, %get3A_788] {strides = array<i32>} : memref<2x208x128xf32, #tpu.memory_space<vmem>>, vector<16xf32>,
        %swap3A_790 = arith.index_cast %scan3A_360 : i32 to index
        %swap3A_791 = arith.constant 672 : index
        %swap3A_792 = tpu.vector_load %arg9[%swap3A_790, %swap3A_791] {strides = array<i32>} : memref<8x832xf32, #tpu.memory_space<vmem>>, vector<16xf32>,
        tpu.vector_store %arg9[%swap3A_790, %swap3A_791], %get3A_789 {strides = array<i32>} : memref<8x832xf32, #tpu.memory_space<vmem>>, vector<16xf32>,
        %get3A_793 = arith.index_cast %rem3A_331 : i32 to index
        %get3A_794 = arith.index_cast %add3A_785 : i32 to index
        %get3A_795 = arith.constant 48 : index
        %get3A_796 = tpu.vector_load %arg8[%get3A_793, %get3A_794, %get3A_795] {strides = array<i32>} : memref<2x208x128xf32, #tpu.memory_space<vmem>>, vector<16xf32>,
        %swap3A_797 = arith.index_cast %scan3A_360 : i32 to index
        %swap3A_798 = arith.constant 688 : index
        %swap3A_799 = tpu.vector_load %arg9[%swap3A_797, %swap3A_798] {strides = array<i32>} : memref<8x832xf32, #tpu.memory_space<vmem>>, vector<16xf32>,
        tpu.vector_store %arg9[%swap3A_797, %swap3A_798], %get3A_796 {strides = array<i32>} : memref<8x832xf32, #tpu.memory_space<vmem>>, vector<16xf32>,
        %mul3A_800 = arith.constant 4 : i32
        %mul3A_801 = arith.muli %scan3A_360, %mul3A_800 : i32
        %add3A_802 = arith.constant 160 : i32
        %add3A_803 = arith.addi %add3A_802, %mul3A_801 : i32
        %add3A_804 = arith.constant 2 : i32
        %add3A_805 = arith.addi %add3A_803, %add3A_804 : i32
        %get3A_806 = arith.index_cast %rem3A_331 : i32 to index
        %get3A_807 = arith.index_cast %add3A_805 : i32 to index
        %get3A_808 = arith.constant 64 : index
        %get3A_809 = tpu.vector_load %arg8[%get3A_806, %get3A_807, %get3A_808] {strides = array<i32>} : memref<2x208x128xf32, #tpu.memory_space<vmem>>, vector<16xf32>,
        %swap3A_810 = arith.index_cast %scan3A_360 : i32 to index
        %swap3A_811 = arith.constant 704 : index
        %swap3A_812 = tpu.vector_load %arg9[%swap3A_810, %swap3A_811] {strides = array<i32>} : memref<8x832xf32, #tpu.memory_space<vmem>>, vector<16xf32>,
        tpu.vector_store %arg9[%swap3A_810, %swap3A_811], %get3A_809 {strides = array<i32>} : memref<8x832xf32, #tpu.memory_space<vmem>>, vector<16xf32>,
        %get3A_813 = arith.index_cast %rem3A_331 : i32 to index
        %get3A_814 = arith.index_cast %add3A_805 : i32 to index
        %get3A_815 = arith.constant 80 : index
        %get3A_816 = tpu.vector_load %arg8[%get3A_813, %get3A_814, %get3A_815] {strides = array<i32>} : memref<2x208x128xf32, #tpu.memory_space<vmem>>, vector<16xf32>,
        %swap3A_817 = arith.index_cast %scan3A_360 : i32 to index
        %swap3A_818 = arith.constant 720 : index
        %swap3A_819 = tpu.vector_load %arg9[%swap3A_817, %swap3A_818] {strides = array<i32>} : memref<8x832xf32, #tpu.memory_space<vmem>>, vector<16xf32>,
        tpu.vector_store %arg9[%swap3A_817, %swap3A_818], %get3A_816 {strides = array<i32>} : memref<8x832xf32, #tpu.memory_space<vmem>>, vector<16xf32>,
        %mul3A_820 = arith.constant 4 : i32
        %mul3A_821 = arith.muli %scan3A_360, %mul3A_820 : i32
        %add3A_822 = arith.constant 160 : i32
        %add3A_823 = arith.addi %add3A_822, %mul3A_821 : i32
        %add3A_824 = arith.constant 3 : i32
        %add3A_825 = arith.addi %add3A_823, %add3A_824 : i32
        %get3A_826 = arith.index_cast %rem3A_331 : i32 to index
        %get3A_827 = arith.index_cast %add3A_825 : i32 to index
        %get3A_828 = arith.constant 96 : index
        %get3A_829 = tpu.vector_load %arg8[%get3A_826, %get3A_827, %get3A_828] {strides = array<i32>} : memref<2x208x128xf32, #tpu.memory_space<vmem>>, vector<16xf32>,
        %swap3A_830 = arith.index_cast %scan3A_360 : i32 to index
        %swap3A_831 = arith.constant 736 : index
        %swap3A_832 = tpu.vector_load %arg9[%swap3A_830, %swap3A_831] {strides = array<i32>} : memref<8x832xf32, #tpu.memory_space<vmem>>, vector<16xf32>,
        tpu.vector_store %arg9[%swap3A_830, %swap3A_831], %get3A_829 {strides = array<i32>} : memref<8x832xf32, #tpu.memory_space<vmem>>, vector<16xf32>,
        %get3A_833 = arith.index_cast %rem3A_331 : i32 to index
        %get3A_834 = arith.index_cast %add3A_825 : i32 to index
        %get3A_835 = arith.constant 112 : index
        %get3A_836 = tpu.vector_load %arg8[%get3A_833, %get3A_834, %get3A_835] {strides = array<i32>} : memref<2x208x128xf32, #tpu.memory_space<vmem>>, vector<16xf32>,
        %swap3A_837 = arith.index_cast %scan3A_360 : i32 to index
        %swap3A_838 = arith.constant 752 : index
        %swap3A_839 = tpu.vector_load %arg9[%swap3A_837, %swap3A_838] {strides = array<i32>} : memref<8x832xf32, #tpu.memory_space<vmem>>, vector<16xf32>,
        tpu.vector_store %arg9[%swap3A_837, %swap3A_838], %get3A_836 {strides = array<i32>} : memref<8x832xf32, #tpu.memory_space<vmem>>, vector<16xf32>,
        %mul3A_840 = arith.constant 2 : i32
        %mul3A_841 = arith.muli %scan3A_360, %mul3A_840 : i32
        %add3A_842 = arith.constant 192 : i32
        %add3A_843 = arith.addi %add3A_842, %mul3A_841 : i32
        %add3A_844 = arith.constant 0 : i32
        %add3A_845 = arith.addi %add3A_843, %add3A_844 : i32
        %get3A_846 = arith.index_cast %rem3A_331 : i32 to index
        %get3A_847 = arith.index_cast %add3A_845 : i32 to index
        %get3A_848 = arith.constant 64 : index
        %get3A_849 = tpu.vector_load %arg8[%get3A_846, %get3A_847, %get3A_848] {strides = array<i32>} : memref<2x208x128xf32, #tpu.memory_space<vmem>>, vector<16xf32>,
        %swap3A_850 = arith.index_cast %scan3A_360 : i32 to index
        %swap3A_851 = arith.constant 768 : index
        %swap3A_852 = tpu.vector_load %arg9[%swap3A_850, %swap3A_851] {strides = array<i32>} : memref<8x832xf32, #tpu.memory_space<vmem>>, vector<16xf32>,
        tpu.vector_store %arg9[%swap3A_850, %swap3A_851], %get3A_849 {strides = array<i32>} : memref<8x832xf32, #tpu.memory_space<vmem>>, vector<16xf32>,
        %get3A_853 = arith.index_cast %rem3A_331 : i32 to index
        %get3A_854 = arith.index_cast %add3A_845 : i32 to index
        %get3A_855 = arith.constant 80 : index
        %get3A_856 = tpu.vector_load %arg8[%get3A_853, %get3A_854, %get3A_855] {strides = array<i32>} : memref<2x208x128xf32, #tpu.memory_space<vmem>>, vector<16xf32>,
        %swap3A_857 = arith.index_cast %scan3A_360 : i32 to index
        %swap3A_858 = arith.constant 784 : index
        %swap3A_859 = tpu.vector_load %arg9[%swap3A_857, %swap3A_858] {strides = array<i32>} : memref<8x832xf32, #tpu.memory_space<vmem>>, vector<16xf32>,
        tpu.vector_store %arg9[%swap3A_857, %swap3A_858], %get3A_856 {strides = array<i32>} : memref<8x832xf32, #tpu.memory_space<vmem>>, vector<16xf32>,
        %mul3A_860 = arith.constant 2 : i32
        %mul3A_861 = arith.muli %scan3A_360, %mul3A_860 : i32
        %add3A_862 = arith.constant 192 : i32
        %add3A_863 = arith.addi %add3A_862, %mul3A_861 : i32
        %add3A_864 = arith.constant 1 : i32
        %add3A_865 = arith.addi %add3A_863, %add3A_864 : i32
        %get3A_866 = arith.index_cast %rem3A_331 : i32 to index
        %get3A_867 = arith.index_cast %add3A_865 : i32 to index
        %get3A_868 = arith.constant 96 : index
        %get3A_869 = tpu.vector_load %arg8[%get3A_866, %get3A_867, %get3A_868] {strides = array<i32>} : memref<2x208x128xf32, #tpu.memory_space<vmem>>, vector<16xf32>,
        %swap3A_870 = arith.index_cast %scan3A_360 : i32 to index
        %swap3A_871 = arith.constant 800 : index
        %swap3A_872 = tpu.vector_load %arg9[%swap3A_870, %swap3A_871] {strides = array<i32>} : memref<8x832xf32, #tpu.memory_space<vmem>>, vector<16xf32>,
        tpu.vector_store %arg9[%swap3A_870, %swap3A_871], %get3A_869 {strides = array<i32>} : memref<8x832xf32, #tpu.memory_space<vmem>>, vector<16xf32>,
        %get3A_873 = arith.index_cast %rem3A_331 : i32 to index
        %get3A_874 = arith.index_cast %add3A_865 : i32 to index
        %get3A_875 = arith.constant 112 : index
        %get3A_876 = tpu.vector_load %arg8[%get3A_873, %get3A_874, %get3A_875] {strides = array<i32>} : memref<2x208x128xf32, #tpu.memory_space<vmem>>, vector<16xf32>,
        %swap3A_877 = arith.index_cast %scan3A_360 : i32 to index
        %swap3A_878 = arith.constant 816 : index
        %swap3A_879 = tpu.vector_load %arg9[%swap3A_877, %swap3A_878] {strides = array<i32>} : memref<8x832xf32, #tpu.memory_space<vmem>>, vector<16xf32>,
        tpu.vector_store %arg9[%swap3A_877, %swap3A_878], %get3A_876 {strides = array<i32>} : memref<8x832xf32, #tpu.memory_space<vmem>>, vector<16xf32>,
      }
      %scan3A_354 = arith.constant 8 : i32
      %mul3A_355 = arith.constant 512 : i32
      %mul3A_356 = arith.muli %add3A, %mul3A_355 : i32
      %mul3A_357 = arith.constant 8 : i32
      %mul3A_358 = arith.muli %scan3A_329, %mul3A_357 : i32
      %add3A_359 = arith.addi %mul3A_356, %mul3A_358 : i32
      "tpu.region"() ({
        %run_scoped3A = tpu.sem_alloc : memref<!tpu.dma_semaphore, #tpu.memory_space<semaphore_mem>>
        %dma_start3A_360 = arith.constant 0 : i32
        %dma_start3A_361 = tpu.memref_slice %arg5[%add3A_359, %dma_start3A_360] : memref<16384x832xf32, #tpu.memory_space<hbm>> -> memref<8x832xf32, #tpu.memory_space<hbm>>
        %dma_start3A_362 = arith.constant 0 : i32
        %dma_start3A_363 = tpu.memref_slice %arg5[%add3A_359, %dma_start3A_362] : memref<16384x832xf32, #tpu.memory_space<hbm>> -> memref<8x832xf32, #tpu.memory_space<hbm>>
        tpu.enqueue_dma source(%arg9 : memref<8x832xf32, #tpu.memory_space<vmem>>) target(%dma_start3A_363 : memref<8x832xf32, #tpu.memory_space<hbm>>) target_semaphore(%run_scoped3A : memref<!tpu.dma_semaphore, #tpu.memory_space<semaphore_mem>>)
        %dma_wait3A_364 = arith.constant 0 : i32
        %dma_wait3A_365 = tpu.memref_slice %arg5[%add3A_359, %dma_wait3A_364] : memref<16384x832xf32, #tpu.memory_space<hbm>> -> memref<8x832xf32, #tpu.memory_space<hbm>>
        %dma_wait3A_366 = arith.constant 0 : i32
        %dma_wait3A_367 = tpu.memref_slice %arg5[%add3A_359, %dma_wait3A_366] : memref<16384x832xf32, #tpu.memory_space<hbm>> -> memref<8x832xf32, #tpu.memory_space<hbm>>
        tpu.wait_dma2 semaphore(%run_scoped3A : memref<!tpu.dma_semaphore, #tpu.memory_space<semaphore_mem>>) src(%arg9 : memref<8x832xf32, #tpu.memory_space<vmem>>) dst(%dma_wait3A_367 : memref<8x832xf32, #tpu.memory_space<hbm>>)
        tpu.yield
      }) : () -> ()
    }
    %scan3A_328 = arith.constant 64 : i32
    return
  }
}

</mosaic_0001>

<sc_bundles>
// kernel: kernel.3.cloned.1.call-start
scs
__scs_entry_jumppad:
0x0: {  	(pc) =	sbr.rel $0x88, $3  }
0x1: {  	(tag) =	ssettag $0x0;
	lr =	simm.s32 $0x1  }
0x2: {  	[smem:$0x3F9F] =	sst lr;
	_ =	strace $0xD0000000  }
0x3: {  	_ = 	snop  }
0x4: {  	_ = 	snop  }
0x5: {  	_ = 	snop  }
0x6: {  	_ = 	snop  }
0x7: {  	_ = 	snop  }
__scs_overlays_trampoline_lowered:
0x8: {  	[smem:$0x3FAE] =	sst s0  }
0x9: {  	[smem:$0x3FAF] =	sst s1  }
0xa: {  	[smem:$0x3FB0] =	sst s2  }
0xb: {  	[smem:$0x3FB1] =	sst s3  }
0xc: {  	[smem:$0x3FB2] =	sst s4  }
0xd: {  	[smem:$0x3FB3] =	sst s5  }
0xe: {  	[smem:$0x3FB4] =	sst s6  }
0xf: {  	[smem:$0x3FB5] =	sst s7  }
0x10: {  	[smem:$0x3FB6] =	sst s8  }
0x11: {  	[smem:$0x3FB7] =	sst s9;
	s0 =	simm.s32 @!p0 $0x0  }
0x12: {  	s1 =	sld [smem:$0x3F9D];
	s0 =	simm.s32 @p0 $0x1  }
0x13: {  	[smem:$0x3FB8] =	sst s0;
	s0 =	simm.s32 @!p1 $0x0  }
0x14: {  	s2 =	sld [smem:$0x3F9C];
	s0 =	simm.s32 @p1 $0x1  }
0x15: {  	[smem:$0x3FB9] =	sst s0;
	s0 =	simm.s32 @!p2 $0x0  }
0x16: {  	s3 =	sld [smem:$0x3FDB];
	s0 =	simm.s32 @p2 $0x1  }
0x17: {  	s4 =	simm.s32 $0x1BF5;
	[smem:$0x3FBB] =	sst s0  }
0x18: {  	s0 =	sld [smem:$0x3F9E];
	_ =	swait.ge [sflag:s4], $0x0  }
0x19: {  	s7 =	sld [smem:$0x3F9F]  }
0x1a: {  	s8 =	sadd.s32 $0xFFFFE003, lr  }
0x1b: {  	s9 =	sadd.s32 $0xFFFFFEF7, lr;
	s5 =	simm.s32 $0xFFFFFFFF;
	p2 =	slt.u32 s8, $0xFFFFF086  }
0x1c: {  	p1 =	slt.u32 s9, $0xF7A;
	s5 =	simm.s32 @!p2 $0x0  }
0x1d: {  	s5 =	simm.s32 @p1 $0x1;
	p0 =	seq.s32 s7, s2  }
0x1e: {  	s7 =	smul.u32 @!p0 $0xF7A, s2;
	p2 =	seq.s32 @!p0 s5, $0x0  }
0x1f: {  	s9 =	smul.u32 $0xF7A, s1;
	s8 =	simm.s32 @!p0 $0x1BF5;
	p2 =	por !p2, p0  }
0x20: {  	[sflag:s8] =	ssyncset.s32 @!p0 $0xFFFFF086;
	s6 =	sadd.s32 @!p0 s3, s7;
	s7 =	simm.s32 @!p0 $0x108  }
0x21: {  	s3 =	sadd.s32 s3, s9;
	s6 =	sadd.s32 @!p0 $0x88, s6;
	s7 =	simm.s32 @p2 $0x1082  }
0x22: {  	[simem:s7], [sflag:s8] =	dma.local @!p0 [hbm:s6], $0xF7A  }
0x23: {  	s9 =	sor.u32 $0xD0000000, s2;
	s6 =	simm.s32 $0x108;
	_ =	swait.ge @!p0 [sflag:s8], $0x0  }
0x24: {  	s3 =	sadd.s32 $0x88, s3;
	s6 =	simm.s32 @!p1 $0x1082;
	[sflag:s4] =	ssyncset.s32 $0xFFFFF086  }
0x25: {  	[simem:s6], [sflag:s4] =	dma.local [hbm:s3], $0xF7A  }
0x26: {  	[smem:$0x3F9F] =	sst s1;
	(tag) =	ssettag s2;
	_ =	strace s9  }
0x27: {  	s1 =	sld [smem:$0x3FAF]  }
0x28: {  	s2 =	sld [smem:$0x3FB0]  }
0x29: {  	s4 =	sld [smem:$0x3FB2]  }
0x2a: {  	p0 =	seq.s32 s5, $0x0;
	s5 =	sld [smem:$0x3FB3]  }
0x2b: {  	s6 =	sld [smem:$0x3FB4]  }
0x2c: {  	s7 =	sld [smem:$0x3FB5]  }
0x2d: {  	s3 =	simm.s32 $0x108;
	s8 =	sld [smem:$0x3FB6]  }
0x2e: {  	s3 =	simm.s32 @!p0 $0x1082;
	s9 =	sld [smem:$0x3FB7]  }
0x2f: {  	lr =	sadd.s32 s0, s3;
	s0 =	sld [smem:$0x3FAE]  }
0x30: {  	s3 =	sld [smem:$0x3FB1]  }
0x31: {  	[smem:$0x3FBA] =	sst s10  }
0x32: {  	s10 =	sld [smem:$0x3FB8];
	_ =	sdelay $0x3  }
0x33: {  	p0 =	seq.s32 s10, $0x1;
	s10 =	sld [smem:$0x3FBA];
	_ =	sdelay $0x3  }
0x34: {  	[smem:$0x3FBA] =	sst s10  }
0x35: {  	s10 =	sld [smem:$0x3FB9];
	_ =	sdelay $0x3  }
0x36: {  	p1 =	seq.s32 s10, $0x1;
	s10 =	sld [smem:$0x3FBA];
	_ =	sdelay $0x3  }
0x37: {  	[smem:$0x3FBA] =	sst s10  }
0x38: {  	s10 =	sld [smem:$0x3FBB]  }
0x39: {  	_ = 	snop;
	(pc) =	sbr.ind lr, $3  }
0x3a: {  	_ = 	snop  }
0x3b: {  	_ = 	snop  }
0x3c: {  	p2 =	seq.s32 s10, $0x1;
	s10 =	sld [smem:$0x3FBA]  }
0x3d: {  	_ =	shalt  }
0x3e: {  	_ =	shalt  }
0x3f: {  	_ =	shalt  }
0x40: {  	_ =	shalt  }
0x41: {  	_ =	shalt  }
0x42: {  	_ =	shalt  }
0x43: {  	_ =	shalt  }
0x44: {  	_ =	shalt  }
0x45: {  	_ =	shalt  }
0x46: {  	_ =	shalt  }
0x47: {  	_ =	shalt  }
0x48: {  	_ =	shalt  }
0x49: {  	_ =	shalt  }
0x4a: {  	_ =	shalt  }
0x4b: {  	_ =	shalt  }
0x4c: {  	_ =	shalt  }
0x4d: {  	_ =	shalt  }
0x4e: {  	_ =	shalt  }
0x4f: {  	_ =	shalt  }
0x50: {  	_ =	shalt  }
0x51: {  	_ =	shalt  }
0x52: {  	_ =	shalt  }
0x53: {  	_ =	shalt  }
0x54: {  	_ =	shalt  }
0x55: {  	_ =	shalt  }
0x56: {  	_ =	shalt  }
0x57: {  	_ =	shalt  }
0x58: {  	_ =	shalt  }
0x59: {  	_ =	shalt  }
0x5a: {  	_ =	shalt  }
0x5b: {  	_ =	shalt  }
0x5c: {  	_ =	shalt  }
0x5d: {  	_ =	shalt  }
0x5e: {  	_ =	shalt  }
0x5f: {  	_ =	shalt  }
0x60: {  	_ =	shalt  }
0x61: {  	_ =	shalt  }
0x62: {  	_ =	shalt  }
0x63: {  	_ =	shalt  }
0x64: {  	_ =	shalt  }
0x65: {  	_ =	shalt  }
0x66: {  	_ =	shalt  }
0x67: {  	_ =	shalt  }
0x68: {  	_ =	shalt  }
0x69: {  	_ =	shalt  }
0x6a: {  	_ =	shalt  }
0x6b: {  	_ =	shalt  }
0x6c: {  	_ =	shalt  }
0x6d: {  	_ =	shalt  }
0x6e: {  	_ =	shalt  }
0x6f: {  	_ =	shalt  }
0x70: {  	_ =	shalt  }
0x71: {  	_ =	shalt  }
0x72: {  	_ =	shalt  }
0x73: {  	_ =	shalt  }
0x74: {  	_ =	shalt  }
0x75: {  	_ =	shalt  }
0x76: {  	_ =	shalt  }
0x77: {  	_ =	shalt  }
0x78: {  	_ =	shalt  }
0x79: {  	_ =	shalt  }
0x7a: {  	_ =	shalt  }
0x7b: {  	_ =	shalt  }
0x7c: {  	_ =	shalt  }
0x7d: {  	_ =	shalt  }
0x7e: {  	_ =	shalt  }
0x7f: {  	_ =	shalt  }
0x80: {  	_ =	shalt  }
0x81: {  	_ =	shalt  }
0x82: {  	_ =	shalt  }
0x83: {  	_ =	shalt  }
0x84: {  	_ =	shalt  }
0x85: {  	_ =	shalt  }
0x86: {  	_ =	shalt  }
0x87: {  	_ =	shalt  }
.Lfunc_end0:
.L_simem_size_0:
called_computation_lowered:
.L_overlay_start_0:
0x88: {  	s2 =	sld [smem:$0x3FD9]  }
0x89: {  	s3 =	sld [smem:$0x3FFE];
	_ =	sdelay $0x1  }
0x8a: {  	s1 =	srdreg.scid  }
0x8b: {  	s0 =	sand.u32 $0x1, s1  }
0x8c: {  	s17 =	sshll.u32 s0, $0xA;
	s2 =	sadd.s32 s3, s2  }
0x8d: {  	s2 =	sadd.s32 s2, s17  }
0x8e: {  	[smem:$0x3FC6] =	sst s2  }
0x8f: {  	_ = 	snop  }
0x90: {  	s2 =	sld [smem:$0x3FD0];
	(tm) =	ssettm $0x1  }
0x91: {  	s18 =	sld [smem:$0x3FFB];
	_ =	sdelay $0x3  }
0x92: {  	_ =	strace s18  }
0x93: {  	s3 =	sld [smem:$0x3FFC];
	_ =	sdelay $0x3  }
0x94: {  	_ =	strace s3  }
0x95: {  	s3 =	sld [smem:$0x3FFD];
	_ =	sdelay $0x3  }
0x96: {  	_ =	strace s3  }
0x97: {  	_ =	strace $0x8FFFFFFF  }
0x98: {  	s19 =	sld [smem:$0x3FDB];
	_ =	sdelay $0x1  }
0x99: {  	s4 =	simm.s32 $_scs_section_size  }
0x9a: {  	s5 =	simm.s32 $_size__tile_overlayer_lowered;
	s6 =	simm.s32 $_tile_overlayer_lowered  }
0x9b: {  	s22 =	simm.s32 $0x1BFF;
	s21 =	sshll.u32 s6, $0x1;
	s3 =	sadd.s32 s4, s19  }
0x9c: {  	s7 =	simm.s32 $0x0;
	s20 =	sshll.u32 s5, $0x1;
	s5 =	sadd.s32 s21, s3  }
0x9d: {  	[timem:s7], [sflag:s22] =	dma.local [hbm:s5], s20  }
0x9e: {  	_ =	swait.ge [sflag:s22], s20  }
0x9f: {  	s4 =	ssub.s32 $0x0, s20;
	[sflag:s22] =	ssyncset.done $0x0  }
0xa0: {  	[sflag:s22] =	ssyncadd.s32 s4;
	_ =	sdelay $0x1  }
0xa1: {  	s23 =	simm.s32 $0x1B8B  }
0xa2: {  	_ =	swait.ge [sflag:s23], $0x1  }
0xa3: {  	[sflag:s23] =	ssyncset.done $0x0  }
0xa4: {  	s25 =	simm.s32 $0x1B8E;
	s24 =	sld [smem:$0x3FFE];
	[sflag:s23] =	ssyncadd.s32 $0xFFFFFFFF  }
0xa5: {  	s26 =	simm.s32 $execute0_lowered;
	[smem:$0x3FD2] =	sst s25  }
0xa6: {  	s5 =	sshll.u32 s26, $0x1;
	_ =	strace $0x80000046;
	[dreg:$0x1] =	wrdreg $0xFFFFFFFF  }
0xa7: {  	s28 =	simm.s32 $_size_execute0_lowered;
	s3 =	sadd.s32 s3, s5;
	[dreg:$0x0] =	wrdreg $0x0  }
0xa8: {  	s5 =	sshll.u32 s28, $0x1;
	[dreg:$0x2] =	wrdreg s3  }
0xa9: {  	[dreg:$0x3] =	wrdreg s5  }
0xaa: {  	[dreg:$0x4] =	wrdreg $0xC0  }
0xab: {  	_ =	task [dreg:s7], $0x5FFFF  }
0xac: {  	[dreg:$0x1] =	wrdreg $0xFFFFFFFF  }
0xad: {  	[dreg:$0x0] =	wrdreg $0x60  }
0xae: {  	[dreg:$0x2] =	wrdreg s24  }
0xaf: {  	[dreg:$0x3] =	wrdreg s2  }
0xb0: {  	[dreg:$0x4] =	wrdreg $0x9  }
0xb1: {  	_ =	task.clear_ibuf [dreg:s7], $0x5FFFF;
	_ =	strace $0x90000046  }
0xb2: {  	s29 =	simm.s32 $0x9;
	_ =	strace $0x80000048  }
0xb3: {  	_ =	swait.ge [sflag:s29], $0x1  }
0xb4: {  	[sflag:s29] =	ssyncadd.s32 $0xFFFFFFFF  }
0xb5: {  	_ =	strace $0x90000048  }
0xb6: {  	_ =	sfence  }
0xb7: {  	s30 =	sld [smem:$0x0];
	_ =	sdelay $0x2  }
0xb8: {  	s31 =	sshll.u32 s1, $0xD;
	s1 =	sshrl.u32 s1, $0x2  }
0xb9: {  	s3 =	sand.u32 $0x4000, s31;
	s1 =	sadd.s32 s1, s30  }
0xba: {  	s0 =	sor.u32 s3, s0;
	s1 =	sshll.u32 s1, $0x11  }
0xbb: {  	s0 =	sor.u32 s1, s0  }
0xbc: {  	s0 =	sadd.s32 $0x8F2B, s0  }
0xbd: {  	[sflag:s0] =	ssyncadd.remote.s32 $0x1  }
0xbe: {  	_ =	sfence.sel $0xFFFF  }
0xbf: {  	[dreg:$0x0] =	wrdreg $0xFFFFFFFF;
	(pc) =	sbr.abs _section_cstart, $3  }
0xc0: {  	[dreg:$0x1] =	wrdreg $0xFFFFFFFF  }
0xc1: {  	_ =	task.clear_ibuf [dreg:s7], $0x2FFFF;
	_ =	strace $0x9FFFFFFF  }
0xc2: {  	(tm) =	ssettm $0x7FFFFFFF  }
0xc3: {  	_ =	shalt  }
tec
execute0_lowered:
.L_overlay_start_1:
0x0: {  	(tag) =	ssettag $0x1  }
0x1: {  	v0 =	vimm.s32 $0x37363534;
	v1 =	vimm.s32 $0x51504F4E  }
0x2: {  	v2 =	vimm.s32 $0x3020100;
	v3 =	vimm.s32 $0x1D1C1B1A;
	v4 =	vimm.s32 $0x9F9E9D9C  }
0x3: {  	v5 =	vimm.s32 $0xB9B8B7B6;
	v6 =	vimm.s32 $0x6B6A6968;
	v7 =	vimm.s32 $0x85848382  }
0x4: {  	v8 =	vimm.s32 $0x3B3A3938;
	v9 =	vimm.s32 $0x55545352;
	v10 =	vimm.s32 $0x7060504  }
0x5: {  	vm1 =	vcmask $0x1F10;
	v11 =	vimm.s32 $0x21201F1E;
	v12 =	vimm.s32 $0xA3A2A1A0  }
0x6: {  	v13 =	vimm.s32 $0xBDBCBBBA;
	v14 =	vimm.s32 $0x6F6E6D6C;
	v15 =	vimm.s32 $0xC1C0BFBE  }
0x7: {  	v16 =	vimm.s32 $0x73727170;
	v17 =	vimm.s32 $0xF0E0D0C;
	v18 =	vimm.s32 $0xC9C8C7C6  }
0x8: {  	v19 =	vimm.s32 $0xB3B2B1B0;
	v20 =	vimm.s32 $0xCDCCCBCA;
	v21 =	vimm.s32 $0x67664D4C  }
0x9: {  	vm0 =	vmmov $0x1;
	v22 =	vimm.s32 $0x8;
	v28 =	vimm.s32 $0xE  }
0xa: {  	v29 =	vimm.s32 $0xF;
	v0 =	vunpack.c.0.s8.s32 v0;
	v1 =	vunpack.c.0.s8.s32 v1  }
0xb: {  	v4 =	vunpack.c.0.s8.s32 v4;
	v5 =	vunpack.c.0.s8.s32 v5;
	v6 =	vunpack.c.0.s8.s32 v6  }
0xc: {  	v7 =	vunpack.c.0.s8.s32 v7;
	v2 =	vunpack.c.0.s8.s32 v2;
	v3 =	vunpack.c.0.s8.s32 v3  }
0xd: {  	v12 =	vunpack.c.0.s8.s32 v12;
	v13 =	vunpack.c.0.s8.s32 v13;
	v14 =	vunpack.c.0.s8.s32 v14  }
0xe: {  	v17 =	vunpack.c.0.s8.s32 v17;
	v21 =	vunpack.c.0.s8.s32 v21;
	v4 =	vsel vm1, v5, v4  }
0xf: {  	v5 =	vsel vm1, v7, v6;
	v6 =	vimm.s32 $0x89888786;
	v0 =	vsel vm1, v1, v0  }
0x10: {  	v1 =	vsel vm1, v3, v2;
	v2 =	vimm.s32 $0x59585756;
	v3 =	vimm.s32 $0xB0A0908  }
0x11: {  	v7 =	vunpack.c.0.s8.s32 v9;
	v9 =	vunpack.c.0.s8.s32 v10;
	v10 =	vunpack.c.0.s8.s32 v11  }
0x12: {  	v11 =	vimm.s32 $0xA7A6A5A4;
	v4 =	vcombine.low v5, v4;
	v5 =	vimm.s32 $0x3F3E3D3C  }
0x13: {  	v0 =	vcombine.low v1, v0;
	v6 =	vunpack.c.0.s8.s32 v6;
	v3 =	vunpack.c.0.s8.s32 v3  }
0x14: {  	v5 =	vunpack.c.0.s8.s32 v5;
	v1 =	vand.u32 $0xFF, v4;
	v4 =	vunpack.c.0.s8.s32 v8  }
0x15: {  	v8 =	vimm.s32 $0x25242322;
	v6 =	vsel vm1, v6, v14;
	v14 =	vimm.s32 $0x5D5C5B5A  }
0x16: {  	v8 =	vunpack.c.0.s8.s32 v8;
	v14 =	vunpack.c.0.s8.s32 v14;
	v4 =	vsel vm1, v7, v4  }
0x17: {  	v7 =	vsel vm1, v10, v9;
	v9 =	vimm.s32 $0x8D8C8B8A;
	v10 =	vsel vm1, v13, v12  }
0x18: {  	v12 =	vimm.s32 $0x43424140;
	v13 =	vunpack.c.0.s8.s32 v2;
	v2 =	vcombine.low v7, v4  }
0x19: {  	v4 =	vcombine.low v6, v10;
	v6 =	vimm.s32 $0x29282726;
	v7 =	vsel vm1, v8, v3  }
0x1a: {  	v8 =	vimm.s32 $0xABAAA9A8;
	v10 =	vunpack.c.0.s8.s32 v15;
	v9 =	vunpack.c.0.s8.s32 v9  }
0x1b: {  	v15 =	vimm.s32 $0x91908F8E;
	v12 =	vunpack.c.0.s8.s32 v12;
	v5 =	vsel vm1, v13, v5  }
0x1c: {  	v13 =	vunpack.c.0.s8.s32 v16;
	v16 =	vimm.s32 $0x47464544;
	v8 =	vunpack.c.0.s8.s32 v8  }
0x1d: {  	v6 =	vunpack.c.0.s8.s32 v6;
	v3 =	vand.u32 $0xFF, v4;
	v4 =	vcombine.low v7, v5  }
0x1e: {  	v5 =	vimm.s32 $0xC5C4C3C2;
	v7 =	vunpack.c.0.s8.s32 v11;
	v11 =	vimm.s32 $0x77767574  }
0x1f: {  	v16 =	vunpack.c.0.s8.s32 v16;
	v9 =	vsel vm1, v9, v13;
	v5 =	vunpack.c.0.s8.s32 v5  }
0x20: {  	v13 =	vimm.s32 $0x2D2C2B2A;
	v11 =	vunpack.c.0.s8.s32 v11;
	v6 =	vsel vm1, v6, v17  }
0x21: {  	v17 =	vimm.s32 $0x4B4A4948;
	v7 =	vsel vm1, v10, v7;
	v10 =	vimm.s32 $0x61605F5E  }
0x22: {  	v13 =	vunpack.c.0.s8.s32 v13;
	v7 =	vcombine.low v9, v7;
	v9 =	vsel vm1, v14, v12  }
0x23: {  	v12 =	vimm.s32 $0x13121110;
	v14 =	vunpack.c.0.s8.s32 v15;
	v15 =	vimm.s32 $0xAFAEADAC  }
0x24: {  	v5 =	vsel vm1, v5, v8;
	v10 =	vunpack.c.0.s8.s32 v10;
	v6 =	vcombine.low v6, v9  }
0x25: {  	v9 =	vimm.s32 $0x65646362;
	v15 =	vunpack.c.0.s8.s32 v15;
	v12 =	vunpack.c.0.s8.s32 v12  }
0x26: {  	v8 =	vsel vm1, v14, v11;
	v11 =	vimm.s32 $0x7B7A7978;
	v14 =	vimm.s32 $0x95949392  }
0x27: {  	v9 =	vunpack.c.0.s8.s32 v9;
	v8 =	vcombine.low v8, v5;
	v5 =	vand.u32 $0xFF, v7  }
0x28: {  	v11 =	vunpack.c.0.s8.s32 v11;
	v12 =	vsel vm1, v13, v12;
	v13 =	vimm.s32 $0x9B9A8180  }
0x29: {  	v14 =	vunpack.c.0.s8.s32 v14;
	v13 =	vunpack.c.0.s8.s32 v13;
	v7 =	vand.u32 $0xFF, v8  }
0x2a: {  	v8 =	vsel vm1, v10, v16;
	v10 =	vimm.s32 $0x17161514;
	v16 =	vunpack.c.0.s8.s32 v18  }
0x2b: {  	v18 =	vimm.s32 $0x31302F2E;
	v11 =	vsel vm1, v14, v11;
	v14 =	vimm.s32 $0x7F7E7D7C  }
0x2c: {  	v14 =	vunpack.c.0.s8.s32 v14;
	v10 =	vunpack.c.0.s8.s32 v10;
	v18 =	vunpack.c.0.s8.s32 v18  }
0x2d: {  	v15 =	vsel vm1, v16, v15;
	v16 =	vunpack.c.0.s8.s32 v17;
	v17 =	vimm.s32 $0x99989796  }
0x2e: {  	v8 =	vcombine.low v12, v8;
	v11 =	vcombine.low v11, v15;
	v17 =	vunpack.c.0.s8.s32 v17  }
0x2f: {  	v10 =	vsel vm1, v18, v10;
	v15 =	vsel vm1, v9, v16;
	v9 =	vunpack.c.0.s8.s32 v19  }
0x30: {  	v16 =	vimm.s32 $0xCFCEB5B4;
	v19 =	vunpack.c.0.s8.s32 v20;
	v20 =	vimm.s32 $0x33321918  }
0x31: {  	s0 =	srdreg.scid;
	v18 =	vimm.s32 $0x2;
	v16 =	vunpack.c.0.s8.s32 v16;
	v20 =	vunpack.c.0.s8.s32 v20  }
0x32: {  	s2 =	stileid.u32;
	s1 =	rddreg [dreg:$0x0];
	s14 =	simm.s32 $0x2;
	v14 =	vsel vm1, v17, v14;
	v10 =	vcombine.low v10, v15;
	v15 =	vimm.s32 $0x0  }
0x33: {  	s22 =	simm.s32 $0x9980;
	s23 =	simm.s32 $0x9A00;
	s24 =	simm.s32 $0x9A80;
	v17 =	vimm.s32 $0x1;
	v9 =	vsel vm1, v19, v9;
	v19 =	vimm.s32 $0x83826968  }
0x34: {  	s25 =	simm.s32 $0x9B00;
	s26 =	simm.s32 $0x9B80;
	s29 =	simm.s32 $0x3700;
	v13 =	vsel vm1, v16, v13;
	v16 =	vsel vm1, v21, v20;
	v14 =	vcombine.low v14, v9  }
0x35: {  	s28 =	simm.s32 $0x10;
	s30 =	simm.s32 $0x9C00;
	s31 =	simm.s32 $0x1;
	v9 =	vand.u32 $0xFF, v11;
	v20 =	vimm.s32 $0xB7B69D9C;
	v21 =	vimm.s32 $0x1B1A0100  }
0x36: {  	s0 =	sand.u32 $0x1, s0;
	s3 =	sshll.u32 s2, $0x1;
	s2 =	rddreg [dreg:$0x1];
	v23 =	vunpack.c.0.s8.s32 v19;
	v19 =	vimm.s32 $0x4F4E3534;
	v13 =	vcombine.low v16, v13  }
0x37: {  	s5 =	sadd.s32 $0xABBA00, s1;
	s8 =	sadd.s32 $0xD500, s1;
	s9 =	sadd.s32 $0xD580, s1;
	v16 =	vlaneseq.u32;
	v24 =	vunpack.c.0.s8.s32 v20;
	v25 =	vunpack.c.0.s8.s32 v21  }
0x38: {  	s10 =	sadd.s32 $0xD600, s1;
	s11 =	sadd.s32 $0xD680, s1;
	s12 =	sor.u32 s0, s3;
	v26 =	vunpack.c.0.s8.s32 v19;
	v19 =	vimm.s32 $0x4;
	v20 =	vimm.s32 $0x5  }
0x39: {  	s3 =	simm.s32 $0x0;
	s0 =	ssub.s32 $0x2, s0;
	s4 =	smul.u32 $0x680, s12;
	v21 =	vimm.s32 $0x6;
	v11 =	vand.u32 $0xFF, v14;
	v14 =	vimm.s32 $0x7  }
0x3a: {  	[smem:$0x7FF] =	sst s3;
	s7 =	sshrl.u32 s0, $0x1;
	s12 =	sshll.u32 s12, $0x6;
	v16 =	vmul.u32 $0x8, v16;
	v27 =	vsel vm1, v24, v23;
	v25 =	vsel vm1, v26, v25  }
0x3b: {  	_ =	strace $0x80000047;
	s0 =	ssub.s32 s0, s7;
	s7 =	sadd.s32 $0xD480, s1;
	v12 =	vand.u32 $0xFF, v13;
	v13 =	vimm.s32 $0x3;
	v30 =	vcombine.low v25, v27  }
0x3c: {  	s6 =	sadd.s32 s4, s1;
	s4 =	sadd.s32 $0xD400, s1;
	s13 =	smax.u32 s0, $0x1;
	v23 =	vimm.s32 $0x9;
	v24 =	vimm.s32 $0xA;
	v26 =	vimm.s32 $0xC  }
0x3d: {  	s1 =	simm.s32 $0x10C00;
	s0 =	simm.s32 $0x0;
	s6 =	sadd.s32 $0x400, s6;
	v25 =	vimm.s32 $0xB;
	v27 =	vimm.s32 $0xD;
	v30 =	vand.u32 $0xFF, v30  }
.LBB2_1:
0x3e: {  	[tilespmem:s3], [sflag:$0x2] =	stream.linear.gather [hbm4b:s6+s3], $0x3400, $0x38;
	[tilespmem:$0x12800] =	vst v63  }
0x3f: {  	_ =	swait.ge [sflag:s14], $0x3400  }
0x40: {  	[sflag:s14] =	ssyncset.done $0x0  }
0x41: {  	[sflag:s14] =	ssyncadd.s32 $0xFFFFCC00  }
0x42: {  	v31 =	vld.idx.msk [tilespmem:v0+s3+$0x0], $0xffff;
	_ =	sdelay $0x4  }
0x43: {  	[tilespmem:$0x3400] =	vst v31  }
0x44: {  	v32 =	vld.idx.msk [tilespmem:v1+s3+$0x0], $0xffff;
	_ =	sdelay $0x4  }
0x45: {  	[tilespmem:$0x3410] =	vst v32  }
0x46: {  	v32 =	vld.idx.msk [tilespmem:v2+s3+$0x0], $0xffff;
	_ =	sdelay $0x4  }
0x47: {  	[tilespmem:$0x3480] =	vst v32  }
0x48: {  	v32 =	vld.idx.msk [tilespmem:v3+s3+$0x0], $0xffff;
	_ =	sdelay $0x4  }
0x49: {  	[tilespmem:$0x3490] =	vst v32  }
0x4a: {  	v32 =	vld.idx.msk [tilespmem:v4+s3+$0x0], $0xffff;
	_ =	sdelay $0x4  }
0x4b: {  	[tilespmem:$0x3500] =	vst v32  }
0x4c: {  	v32 =	vld.idx.msk [tilespmem:v5+s3+$0x0], $0xffff;
	_ =	sdelay $0x4  }
0x4d: {  	[tilespmem:$0x3510] =	vst v32  }
0x4e: {  	v32 =	vld.idx.msk [tilespmem:v6+s3+$0x0], $0xffff;
	_ =	sdelay $0x4  }
0x4f: {  	[tilespmem:$0x3580] =	vst v32  }
0x50: {  	v32 =	vld.idx.msk [tilespmem:v7+s3+$0x0], $0xffff;
	_ =	sdelay $0x4  }
0x51: {  	[tilespmem:$0x3590] =	vst v32  }
0x52: {  	v32 =	vld.idx.msk [tilespmem:v8+s3+$0x0], $0xffff;
	_ =	sdelay $0x4  }
0x53: {  	[tilespmem:$0x3600] =	vst v32  }
0x54: {  	v32 =	vld.idx.msk [tilespmem:v9+s3+$0x0], $0xffff;
	_ =	sdelay $0x4  }
0x55: {  	[tilespmem:$0x3610] =	vst v32  }
0x56: {  	v32 =	vld.idx.msk [tilespmem:v10+s3+$0x0], $0xffff;
	_ =	sdelay $0x4  }
0x57: {  	[tilespmem:$0x3680] =	vst v32  }
0x58: {  	v32 =	vld.idx.msk [tilespmem:v11+s3+$0x0], $0xffff  }
0x59: {  	v33 =	vshrl.u32 v31, $0x3  }
0x5a: {  	v33 =	vmul.u32 $0x38, v33  }
0x5b: {  	v31 =	vand.u32 $0x7, v31  }
0x5c: {  	v31 =	vor.u32 v31, v33  }
0x5d: {  	v48 =	vperm.xlane v31, v15;
	[tilespmem:$0x3690] =	vst v32  }
0x5e: {  	v49 =	vld.idx.msk [tilespmem:v12+s3+$0x0], $0xffff  }
0x5f: {  	v34 =	vperm.xlane v31, v17;
	v32 =	vadd.s32 v16, v48;
	_ =	sdelay $0x1  }
0x60: {  	v35 =	vperm.xlane v31, v18;
	v34 =	vadd.s32 v16, v34;
	_ =	sdelay $0x1  }
0x61: {  	s15 =	simm.s32 $0x3C00;
	v51 =	vperm.xlane v31, v13;
	v50 =	vadd.s32 v16, v35;
	[tilespmem:$0x3700] =	vst v49  }
0x62: {  	[tilespmem:s15], [sflag:$0x1] =	stream.indirect_vreg.gather [hbm4b:s4+s3], $0x80, v32, vm0, $0xb8;
	[tilespmem:$0x12800] =	vst v63  }
0x63: {  	s16 =	simm.s32 $0x3C80;
	v53 =	vperm.xlane v31, v19;
	v52 =	vadd.s32 v16, v51  }
0x64: {  	[tilespmem:s16], [sflag:$0x1] =	stream.indirect_vreg.gather [hbm4b:s4+s3], $0x80, v34, vm0, $0xb8;
	[tilespmem:$0x12800] =	vst v63  }
0x65: {  	s17 =	simm.s32 $0x3D00;
	v55 =	vperm.xlane v31, v20;
	v54 =	vadd.s32 v16, v53  }
0x66: {  	[tilespmem:s17], [sflag:$0x1] =	stream.indirect_vreg.gather [hbm4b:s4+s3], $0x80, v50, vm0, $0xb8;
	[tilespmem:$0x12800] =	vst v63  }
0x67: {  	s18 =	simm.s32 $0x3D80;
	v57 =	vperm.xlane v31, v21;
	v56 =	vadd.s32 v16, v55  }
0x68: {  	[tilespmem:s18], [sflag:$0x1] =	stream.indirect_vreg.gather [hbm4b:s4+s3], $0x80, v52, vm0, $0xb8;
	[tilespmem:$0x12800] =	vst v63  }
0x69: {  	s19 =	simm.s32 $0x3E00;
	v59 =	vperm.xlane v31, v14;
	v58 =	vadd.s32 v16, v57  }
0x6a: {  	[tilespmem:s19], [sflag:$0x1] =	stream.indirect_vreg.gather [hbm4b:s4+s3], $0x80, v54, vm0, $0xb8;
	[tilespmem:$0x12800] =	vst v63  }
0x6b: {  	s20 =	simm.s32 $0x3E80;
	v61 =	vperm.xlane v31, v22;
	v60 =	vadd.s32 v16, v59  }
0x6c: {  	[tilespmem:s20], [sflag:$0x1] =	stream.indirect_vreg.gather [hbm4b:s4+s3], $0x80, v56, vm0, $0xb8;
	[tilespmem:$0x12800] =	vst v63  }
0x6d: {  	s21 =	simm.s32 $0x3F00;
	v63 =	vperm.xlane v31, v23;
	v62 =	vadd.s32 v16, v61  }
0x6e: {  	[tilespmem:s21], [sflag:$0x1] =	stream.indirect_vreg.gather [hbm4b:s4+s3], $0x80, v58, vm0, $0xb8;
	[tilespmem:$0x12800] =	vst v63  }
0x6f: {  	v37 =	vperm.xlane v31, v24;
	v36 =	vadd.s32 v16, v63;
	s16 =	simm.s32 $0x3F80  }
0x70: {  	[tilespmem:s16], [sflag:$0x1] =	stream.indirect_vreg.gather [hbm4b:s4+s3], $0x80, v60, vm0, $0xb8;
	[tilespmem:$0x12800] =	vst v63  }
0x71: {  	v39 =	vperm.xlane v31, v25;
	v38 =	vadd.s32 v16, v37;
	s17 =	simm.s32 $0x4000  }
0x72: {  	[tilespmem:s17], [sflag:$0x1] =	stream.indirect_vreg.gather [hbm4b:s4+s3], $0x80, v62, vm0, $0xb8;
	[tilespmem:$0x12800] =	vst v63  }
0x73: {  	v41 =	vperm.xlane v31, v26;
	v40 =	vadd.s32 v16, v39;
	s18 =	simm.s32 $0x4080  }
0x74: {  	[tilespmem:s18], [sflag:$0x1] =	stream.indirect_vreg.gather [hbm4b:s4+s3], $0x80, v36, vm0, $0xb8;
	[tilespmem:$0x12800] =	vst v63  }
0x75: {  	v43 =	vperm.xlane v31, v27;
	v42 =	vadd.s32 v16, v41;
	s19 =	simm.s32 $0x4100  }
0x76: {  	[tilespmem:s19], [sflag:$0x1] =	stream.indirect_vreg.gather [hbm4b:s4+s3], $0x80, v38, vm0, $0xb8;
	[tilespmem:$0x12800] =	vst v63  }
0x77: {  	v45 =	vperm.xlane v31, v28;
	v44 =	vadd.s32 v16, v43;
	s20 =	simm.s32 $0x4180  }
0x78: {  	[tilespmem:s20], [sflag:$0x1] =	stream.indirect_vreg.gather [hbm4b:s4+s3], $0x80, v40, vm0, $0xb8;
	[tilespmem:$0x12800] =	vst v63  }
0x79: {  	v31 =	vperm.xlane v31, v29;
	v46 =	vadd.s32 v16, v45;
	s21 =	simm.s32 $0x4200  }
0x7a: {  	[tilespmem:s21], [sflag:$0x1] =	stream.indirect_vreg.gather [hbm4b:s4+s3], $0x80, v42, vm0, $0xb8;
	[tilespmem:$0x12800] =	vst v63  }
0x7b: {  	v31 =	vadd.s32 v16, v31;
	s16 =	simm.s32 $0x4280  }
0x7c: {  	[tilespmem:s16], [sflag:$0x1] =	stream.indirect_vreg.gather [hbm4b:s4+s3], $0x80, v44, vm0, $0xb8;
	[tilespmem:$0x12800] =	vst v63  }
0x7d: {  	s17 =	simm.s32 $0x4300  }
0x7e: {  	[tilespmem:s17], [sflag:$0x1] =	stream.indirect_vreg.gather [hbm4b:s4+s3], $0x80, v46, vm0, $0xb8;
	[tilespmem:$0x12800] =	vst v63  }
0x7f: {  	s18 =	simm.s32 $0x4380  }
0x80: {  	[tilespmem:s18], [sflag:$0x1] =	stream.indirect_vreg.gather [hbm4b:s4+s3], $0x80, v31, vm0, $0xb8;
	[tilespmem:$0x12800] =	vst v63  }
0x81: {  	v31 =	vld [tilespmem:$0x3410];
	_ =	sdelay $0x4  }
0x82: {  	v47 =	vshrl.u32 v31, $0x3  }
0x83: {  	v32 =	vmul.u32 $0x38, v47  }
0x84: {  	v31 =	vand.u32 $0x7, v31  }
0x85: {  	v31 =	vor.u32 v31, v32  }
0x86: {  	v32 =	vperm.xlane v31, v15;
	_ =	sdelay $0x1  }
0x87: {  	v48 =	vperm.xlane v31, v17;
	v32 =	vadd.s32 v16, v32;
	_ =	sdelay $0x1  }
0x88: {  	v49 =	vperm.xlane v31, v18;
	v33 =	vadd.s32 v16, v48;
	_ =	sdelay $0x1  }
0x89: {  	s19 =	simm.s32 $0x4400;
	v50 =	vperm.xlane v31, v13;
	v34 =	vadd.s32 v16, v49  }
0x8a: {  	[tilespmem:s19], [sflag:$0x1] =	stream.indirect_vreg.gather [hbm4b:s4+s3], $0x80, v32, vm0, $0xb8;
	[tilespmem:$0x12800] =	vst v63  }
0x8b: {  	s20 =	simm.s32 $0x4480;
	v52 =	vperm.xlane v31, v19;
	v51 =	vadd.s32 v16, v50  }
0x8c: {  	[tilespmem:s20], [sflag:$0x1] =	stream.indirect_vreg.gather [hbm4b:s4+s3], $0x80, v33, vm0, $0xb8;
	[tilespmem:$0x12800] =	vst v63  }
0x8d: {  	s21 =	simm.s32 $0x4500;
	v54 =	vperm.xlane v31, v20;
	v53 =	vadd.s32 v16, v52  }
0x8e: {  	[tilespmem:s21], [sflag:$0x1] =	stream.indirect_vreg.gather [hbm4b:s4+s3], $0x80, v34, vm0, $0xb8;
	[tilespmem:$0x12800] =	vst v63  }
0x8f: {  	s16 =	simm.s32 $0x4580;
	v56 =	vperm.xlane v31, v21;
	v55 =	vadd.s32 v16, v54  }
0x90: {  	[tilespmem:s16], [sflag:$0x1] =	stream.indirect_vreg.gather [hbm4b:s4+s3], $0x80, v51, vm0, $0xb8;
	[tilespmem:$0x12800] =	vst v63  }
0x91: {  	s17 =	simm.s32 $0x4600;
	v58 =	vperm.xlane v31, v14;
	v57 =	vadd.s32 v16, v56  }
0x92: {  	[tilespmem:s17], [sflag:$0x1] =	stream.indirect_vreg.gather [hbm4b:s4+s3], $0x80, v53, vm0, $0xb8;
	[tilespmem:$0x12800] =	vst v63  }
0x93: {  	s18 =	simm.s32 $0x4680;
	v60 =	vperm.xlane v31, v22;
	v59 =	vadd.s32 v16, v58  }
0x94: {  	[tilespmem:s18], [sflag:$0x1] =	stream.indirect_vreg.gather [hbm4b:s4+s3], $0x80, v55, vm0, $0xb8;
	[tilespmem:$0x12800] =	vst v63  }
0x95: {  	v62 =	vperm.xlane v31, v23;
	v61 =	vadd.s32 v16, v60;
	s19 =	simm.s32 $0x4700  }
0x96: {  	[tilespmem:s19], [sflag:$0x1] =	stream.indirect_vreg.gather [hbm4b:s4+s3], $0x80, v57, vm0, $0xb8;
	[tilespmem:$0x12800] =	vst v63  }
0x97: {  	v36 =	vperm.xlane v31, v24;
	v63 =	vadd.s32 v16, v62;
	s20 =	simm.s32 $0x4780  }
0x98: {  	[tilespmem:s20], [sflag:$0x1] =	stream.indirect_vreg.gather [hbm4b:s4+s3], $0x80, v59, vm0, $0xb8;
	[tilespmem:$0x12800] =	vst v63  }
0x99: {  	v38 =	vperm.xlane v31, v25;
	v37 =	vadd.s32 v16, v36;
	s21 =	simm.s32 $0x4800  }
0x9a: {  	[tilespmem:s21], [sflag:$0x1] =	stream.indirect_vreg.gather [hbm4b:s4+s3], $0x80, v61, vm0, $0xb8;
	[tilespmem:$0x12800] =	vst v63  }
0x9b: {  	v40 =	vperm.xlane v31, v26;
	v39 =	vadd.s32 v16, v38;
	s16 =	simm.s32 $0x4880  }
0x9c: {  	[tilespmem:s16], [sflag:$0x1] =	stream.indirect_vreg.gather [hbm4b:s4+s3], $0x80, v63, vm0, $0xb8;
	[tilespmem:$0x12800] =	vst v63  }
0x9d: {  	v42 =	vperm.xlane v31, v27;
	v41 =	vadd.s32 v16, v40;
	s17 =	simm.s32 $0x4900  }
0x9e: {  	[tilespmem:s17], [sflag:$0x1] =	stream.indirect_vreg.gather [hbm4b:s4+s3], $0x80, v37, vm0, $0xb8;
	[tilespmem:$0x12800] =	vst v63  }
0x9f: {  	v44 =	vperm.xlane v31, v28;
	v43 =	vadd.s32 v16, v42;
	s18 =	simm.s32 $0x4980  }
0xa0: {  	[tilespmem:s18], [sflag:$0x1] =	stream.indirect_vreg.gather [hbm4b:s4+s3], $0x80, v39, vm0, $0xb8;
	[tilespmem:$0x12800] =	vst v63  }
0xa1: {  	v31 =	vperm.xlane v31, v29;
	v45 =	vadd.s32 v16, v44;
	s19 =	simm.s32 $0x4A00  }
0xa2: {  	[tilespmem:s19], [sflag:$0x1] =	stream.indirect_vreg.gather [hbm4b:s4+s3], $0x80, v41, vm0, $0xb8;
	[tilespmem:$0x12800] =	vst v63  }
0xa3: {  	v31 =	vadd.s32 v16, v31;
	s20 =	simm.s32 $0x4A80  }
0xa4: {  	[tilespmem:s20], [sflag:$0x1] =	stream.indirect_vreg.gather [hbm4b:s4+s3], $0x80, v43, vm0, $0xb8;
	[tilespmem:$0x12800] =	vst v63  }
0xa5: {  	s21 =	simm.s32 $0x4B00  }
0xa6: {  	[tilespmem:s21], [sflag:$0x1] =	stream.indirect_vreg.gather [hbm4b:s4+s3], $0x80, v45, vm0, $0xb8;
	[tilespmem:$0x12800] =	vst v63  }
0xa7: {  	s16 =	simm.s32 $0x4B80  }
0xa8: {  	[tilespmem:s16], [sflag:$0x1] =	stream.indirect_vreg.gather [hbm4b:s4+s3], $0x80, v31, vm0, $0xb8;
	[tilespmem:$0x12800] =	vst v63  }
0xa9: {  	v31 =	vld [tilespmem:$0x3480];
	_ =	sdelay $0x4  }
0xaa: {  	v46 =	vshrl.u32 v31, $0x3  }
0xab: {  	v32 =	vmul.u32 $0x38, v46  }
0xac: {  	v31 =	vand.u32 $0x7, v31  }
0xad: {  	v31 =	vor.u32 v31, v32  }
0xae: {  	v32 =	vperm.xlane v31, v15;
	_ =	sdelay $0x1  }
0xaf: {  	v47 =	vperm.xlane v31, v17;
	v32 =	vadd.s32 v16, v32;
	_ =	sdelay $0x1  }
0xb0: {  	v48 =	vperm.xlane v31, v18;
	v33 =	vadd.s32 v16, v47;
	_ =	sdelay $0x1  }
0xb1: {  	s17 =	simm.s32 $0x4C00;
	v49 =	vperm.xlane v31, v13;
	v34 =	vadd.s32 v16, v48  }
0xb2: {  	[tilespmem:s17], [sflag:$0x1] =	stream.indirect_vreg.gather [hbm4b:s7+s3], $0x80, v32, vm0, $0xb8;
	[tilespmem:$0x12800] =	vst v63  }
0xb3: {  	s18 =	simm.s32 $0x4C80;
	v51 =	vperm.xlane v31, v19;
	v50 =	vadd.s32 v16, v49  }
0xb4: {  	[tilespmem:s18], [sflag:$0x1] =	stream.indirect_vreg.gather [hbm4b:s7+s3], $0x80, v33, vm0, $0xb8;
	[tilespmem:$0x12800] =	vst v63  }
0xb5: {  	s19 =	simm.s32 $0x4D00;
	v53 =	vperm.xlane v31, v20;
	v52 =	vadd.s32 v16, v51  }
0xb6: {  	[tilespmem:s19], [sflag:$0x1] =	stream.indirect_vreg.gather [hbm4b:s7+s3], $0x80, v34, vm0, $0xb8;
	[tilespmem:$0x12800] =	vst v63  }
0xb7: {  	s20 =	simm.s32 $0x4D80;
	v55 =	vperm.xlane v31, v21;
	v54 =	vadd.s32 v16, v53  }
0xb8: {  	[tilespmem:s20], [sflag:$0x1] =	stream.indirect_vreg.gather [hbm4b:s7+s3], $0x80, v50, vm0, $0xb8;
	[tilespmem:$0x12800] =	vst v63  }
0xb9: {  	s21 =	simm.s32 $0x4E00;
	v57 =	vperm.xlane v31, v14;
	v56 =	vadd.s32 v16, v55  }
0xba: {  	[tilespmem:s21], [sflag:$0x1] =	stream.indirect_vreg.gather [hbm4b:s7+s3], $0x80, v52, vm0, $0xb8;
	[tilespmem:$0x12800] =	vst v63  }
0xbb: {  	s16 =	simm.s32 $0x4E80;
	v59 =	vperm.xlane v31, v22;
	v58 =	vadd.s32 v16, v57  }
0xbc: {  	[tilespmem:s16], [sflag:$0x1] =	stream.indirect_vreg.gather [hbm4b:s7+s3], $0x80, v54, vm0, $0xb8;
	[tilespmem:$0x12800] =	vst v63  }
0xbd: {  	v61 =	vperm.xlane v31, v23;
	v60 =	vadd.s32 v16, v59;
	s17 =	simm.s32 $0x4F00  }
0xbe: {  	[tilespmem:s17], [sflag:$0x1] =	stream.indirect_vreg.gather [hbm4b:s7+s3], $0x80, v56, vm0, $0xb8;
	[tilespmem:$0x12800] =	vst v63  }
0xbf: {  	v63 =	vperm.xlane v31, v24;
	v62 =	vadd.s32 v16, v61;
	s18 =	simm.s32 $0x4F80  }
0xc0: {  	[tilespmem:s18], [sflag:$0x1] =	stream.indirect_vreg.gather [hbm4b:s7+s3], $0x80, v58, vm0, $0xb8;
	[tilespmem:$0x12800] =	vst v63  }
0xc1: {  	v37 =	vperm.xlane v31, v25;
	v36 =	vadd.s32 v16, v63;
	s19 =	simm.s32 $0x5000  }
0xc2: {  	[tilespmem:s19], [sflag:$0x1] =	stream.indirect_vreg.gather [hbm4b:s7+s3], $0x80, v60, vm0, $0xb8;
	[tilespmem:$0x12800] =	vst v63  }
0xc3: {  	v39 =	vperm.xlane v31, v26;
	v38 =	vadd.s32 v16, v37;
	s20 =	simm.s32 $0x5080  }
0xc4: {  	[tilespmem:s20], [sflag:$0x1] =	stream.indirect_vreg.gather [hbm4b:s7+s3], $0x80, v62, vm0, $0xb8;
	[tilespmem:$0x12800] =	vst v63  }
0xc5: {  	v41 =	vperm.xlane v31, v27;
	v40 =	vadd.s32 v16, v39;
	s21 =	simm.s32 $0x5100  }
0xc6: {  	[tilespmem:s21], [sflag:$0x1] =	stream.indirect_vreg.gather [hbm4b:s7+s3], $0x80, v36, vm0, $0xb8;
	[tilespmem:$0x12800] =	vst v63  }
0xc7: {  	v43 =	vperm.xlane v31, v28;
	v42 =	vadd.s32 v16, v41;
	s16 =	simm.s32 $0x5180  }
0xc8: {  	[tilespmem:s16], [sflag:$0x1] =	stream.indirect_vreg.gather [hbm4b:s7+s3], $0x80, v38, vm0, $0xb8;
	[tilespmem:$0x12800] =	vst v63  }
0xc9: {  	v31 =	vperm.xlane v31, v29;
	v44 =	vadd.s32 v16, v43;
	s17 =	simm.s32 $0x5200  }
0xca: {  	[tilespmem:s17], [sflag:$0x1] =	stream.indirect_vreg.gather [hbm4b:s7+s3], $0x80, v40, vm0, $0xb8;
	[tilespmem:$0x12800] =	vst v63  }
0xcb: {  	v31 =	vadd.s32 v16, v31;
	s18 =	simm.s32 $0x5280  }
0xcc: {  	[tilespmem:s18], [sflag:$0x1] =	stream.indirect_vreg.gather [hbm4b:s7+s3], $0x80, v42, vm0, $0xb8;
	[tilespmem:$0x12800] =	vst v63  }
0xcd: {  	s19 =	simm.s32 $0x5300  }
0xce: {  	[tilespmem:s19], [sflag:$0x1] =	stream.indirect_vreg.gather [hbm4b:s7+s3], $0x80, v44, vm0, $0xb8;
	[tilespmem:$0x12800] =	vst v63  }
0xcf: {  	s20 =	simm.s32 $0x5380  }
0xd0: {  	[tilespmem:s20], [sflag:$0x1] =	stream.indirect_vreg.gather [hbm4b:s7+s3], $0x80, v31, vm0, $0xb8;
	[tilespmem:$0x12800] =	vst v63  }
0xd1: {  	v31 =	vld [tilespmem:$0x3490];
	_ =	sdelay $0x4  }
0xd2: {  	v45 =	vshrl.u32 v31, $0x3  }
0xd3: {  	v32 =	vmul.u32 $0x38, v45  }
0xd4: {  	v31 =	vand.u32 $0x7, v31  }
0xd5: {  	v31 =	vor.u32 v31, v32  }
0xd6: {  	v32 =	vperm.xlane v31, v15;
	_ =	sdelay $0x1  }
0xd7: {  	v46 =	vperm.xlane v31, v17;
	v32 =	vadd.s32 v16, v32;
	_ =	sdelay $0x1  }
0xd8: {  	v47 =	vperm.xlane v31, v18;
	v33 =	vadd.s32 v16, v46;
	_ =	sdelay $0x1  }
0xd9: {  	s21 =	simm.s32 $0x5400;
	v48 =	vperm.xlane v31, v13;
	v34 =	vadd.s32 v16, v47  }
0xda: {  	[tilespmem:s21], [sflag:$0x1] =	stream.indirect_vreg.gather [hbm4b:s7+s3], $0x80, v32, vm0, $0xb8;
	[tilespmem:$0x12800] =	vst v63  }
0xdb: {  	s16 =	simm.s32 $0x5480;
	v50 =	vperm.xlane v31, v19;
	v49 =	vadd.s32 v16, v48  }
0xdc: {  	[tilespmem:s16], [sflag:$0x1] =	stream.indirect_vreg.gather [hbm4b:s7+s3], $0x80, v33, vm0, $0xb8;
	[tilespmem:$0x12800] =	vst v63  }
0xdd: {  	s17 =	simm.s32 $0x5500;
	v52 =	vperm.xlane v31, v20;
	v51 =	vadd.s32 v16, v50  }
0xde: {  	[tilespmem:s17], [sflag:$0x1] =	stream.indirect_vreg.gather [hbm4b:s7+s3], $0x80, v34, vm0, $0xb8;
	[tilespmem:$0x12800] =	vst v63  }
0xdf: {  	s18 =	simm.s32 $0x5580;
	v54 =	vperm.xlane v31, v21;
	v53 =	vadd.s32 v16, v52  }
0xe0: {  	[tilespmem:s18], [sflag:$0x1] =	stream.indirect_vreg.gather [hbm4b:s7+s3], $0x80, v49, vm0, $0xb8;
	[tilespmem:$0x12800] =	vst v63  }
0xe1: {  	s19 =	simm.s32 $0x5600;
	v56 =	vperm.xlane v31, v14;
	v55 =	vadd.s32 v16, v54  }
0xe2: {  	[tilespmem:s19], [sflag:$0x1] =	stream.indirect_vreg.gather [hbm4b:s7+s3], $0x80, v51, vm0, $0xb8;
	[tilespmem:$0x12800] =	vst v63  }
0xe3: {  	s20 =	simm.s32 $0x5680;
	v58 =	vperm.xlane v31, v22;
	v57 =	vadd.s32 v16, v56  }
0xe4: {  	[tilespmem:s20], [sflag:$0x1] =	stream.indirect_vreg.gather [hbm4b:s7+s3], $0x80, v53, vm0, $0xb8;
	[tilespmem:$0x12800] =	vst v63  }
0xe5: {  	v60 =	vperm.xlane v31, v23;
	v59 =	vadd.s32 v16, v58;
	s21 =	simm.s32 $0x5700  }
0xe6: {  	[tilespmem:s21], [sflag:$0x1] =	stream.indirect_vreg.gather [hbm4b:s7+s3], $0x80, v55, vm0, $0xb8;
	[tilespmem:$0x12800] =	vst v63  }
0xe7: {  	v62 =	vperm.xlane v31, v24;
	v61 =	vadd.s32 v16, v60;
	s16 =	simm.s32 $0x5780  }
0xe8: {  	[tilespmem:s16], [sflag:$0x1] =	stream.indirect_vreg.gather [hbm4b:s7+s3], $0x80, v57, vm0, $0xb8;
	[tilespmem:$0x12800] =	vst v63  }
0xe9: {  	v36 =	vperm.xlane v31, v25;
	v63 =	vadd.s32 v16, v62;
	s17 =	simm.s32 $0x5800  }
0xea: {  	[tilespmem:s17], [sflag:$0x1] =	stream.indirect_vreg.gather [hbm4b:s7+s3], $0x80, v59, vm0, $0xb8;
	[tilespmem:$0x12800] =	vst v63  }
0xeb: {  	v38 =	vperm.xlane v31, v26;
	v37 =	vadd.s32 v16, v36;
	s18 =	simm.s32 $0x5880  }
0xec: {  	[tilespmem:s18], [sflag:$0x1] =	stream.indirect_vreg.gather [hbm4b:s7+s3], $0x80, v61, vm0, $0xb8;
	[tilespmem:$0x12800] =	vst v63  }
0xed: {  	v40 =	vperm.xlane v31, v27;
	v39 =	vadd.s32 v16, v38;
	s19 =	simm.s32 $0x5900  }
0xee: {  	[tilespmem:s19], [sflag:$0x1] =	stream.indirect_vreg.gather [hbm4b:s7+s3], $0x80, v63, vm0, $0xb8;
	[tilespmem:$0x12800] =	vst v63  }
0xef: {  	v42 =	vperm.xlane v31, v28;
	v41 =	vadd.s32 v16, v40;
	s20 =	simm.s32 $0x5980  }
0xf0: {  	[tilespmem:s20], [sflag:$0x1] =	stream.indirect_vreg.gather [hbm4b:s7+s3], $0x80, v37, vm0, $0xb8;
	[tilespmem:$0x12800] =	vst v63  }
0xf1: {  	v31 =	vperm.xlane v31, v29;
	v43 =	vadd.s32 v16, v42;
	s21 =	simm.s32 $0x5A00  }
0xf2: {  	[tilespmem:s21], [sflag:$0x1] =	stream.indirect_vreg.gather [hbm4b:s7+s3], $0x80, v39, vm0, $0xb8;
	[tilespmem:$0x12800] =	vst v63  }
0xf3: {  	v31 =	vadd.s32 v16, v31;
	s16 =	simm.s32 $0x5A80  }
0xf4: {  	[tilespmem:s16], [sflag:$0x1] =	stream.indirect_vreg.gather [hbm4b:s7+s3], $0x80, v41, vm0, $0xb8;
	[tilespmem:$0x12800] =	vst v63  }
0xf5: {  	s17 =	simm.s32 $0x5B00  }
0xf6: {  	[tilespmem:s17], [sflag:$0x1] =	stream.indirect_vreg.gather [hbm4b:s7+s3], $0x80, v43, vm0, $0xb8;
	[tilespmem:$0x12800] =	vst v63  }
0xf7: {  	s18 =	simm.s32 $0x5B80  }
0xf8: {  	[tilespmem:s18], [sflag:$0x1] =	stream.indirect_vreg.gather [hbm4b:s7+s3], $0x80, v31, vm0, $0xb8;
	[tilespmem:$0x12800] =	vst v63  }
0xf9: {  	v31 =	vld [tilespmem:$0x3500];
	_ =	sdelay $0x4  }
0xfa: {  	v44 =	vshrl.u32 v31, $0x3  }
0xfb: {  	v32 =	vmul.u32 $0x38, v44  }
0xfc: {  	v31 =	vand.u32 $0x7, v31  }
0xfd: {  	v31 =	vor.u32 v31, v32  }
0xfe: {  	v32 =	vperm.xlane v31, v15;
	_ =	sdelay $0x1  }
0xff: {  	v45 =	vperm.xlane v31, v17;
	v32 =	vadd.s32 v16, v32;
	_ =	sdelay $0x1  }
0x100: {  	v46 =	vperm.xlane v31, v18;
	v33 =	vadd.s32 v16, v45;
	_ =	sdelay $0x1  }
0x101: {  	s19 =	simm.s32 $0x5C00;
	v47 =	vperm.xlane v31, v13;
	v34 =	vadd.s32 v16, v46  }
0x102: {  	[tilespmem:s19], [sflag:$0x1] =	stream.indirect_vreg.gather [hbm4b:s8+s3], $0x80, v32, vm0, $0xb8;
	[tilespmem:$0x12800] =	vst v63  }
0x103: {  	s20 =	simm.s32 $0x5C80;
	v49 =	vperm.xlane v31, v19;
	v48 =	vadd.s32 v16, v47  }
0x104: {  	[tilespmem:s20], [sflag:$0x1] =	stream.indirect_vreg.gather [hbm4b:s8+s3], $0x80, v33, vm0, $0xb8;
	[tilespmem:$0x12800] =	vst v63  }
0x105: {  	s21 =	simm.s32 $0x5D00;
	v51 =	vperm.xlane v31, v20;
	v50 =	vadd.s32 v16, v49  }
0x106: {  	[tilespmem:s21], [sflag:$0x1] =	stream.indirect_vreg.gather [hbm4b:s8+s3], $0x80, v34, vm0, $0xb8;
	[tilespmem:$0x12800] =	vst v63  }
0x107: {  	s16 =	simm.s32 $0x5D80;
	v53 =	vperm.xlane v31, v21;
	v52 =	vadd.s32 v16, v51  }
0x108: {  	[tilespmem:s16], [sflag:$0x1] =	stream.indirect_vreg.gather [hbm4b:s8+s3], $0x80, v48, vm0, $0xb8;
	[tilespmem:$0x12800] =	vst v63  }
0x109: {  	s17 =	simm.s32 $0x5E00;
	v55 =	vperm.xlane v31, v14;
	v54 =	vadd.s32 v16, v53  }
0x10a: {  	[tilespmem:s17], [sflag:$0x1] =	stream.indirect_vreg.gather [hbm4b:s8+s3], $0x80, v50, vm0, $0xb8;
	[tilespmem:$0x12800] =	vst v63  }
0x10b: {  	s18 =	simm.s32 $0x5E80;
	v57 =	vperm.xlane v31, v22;
	v56 =	vadd.s32 v16, v55  }
0x10c: {  	[tilespmem:s18], [sflag:$0x1] =	stream.indirect_vreg.gather [hbm4b:s8+s3], $0x80, v52, vm0, $0xb8;
	[tilespmem:$0x12800] =	vst v63  }
0x10d: {  	v59 =	vperm.xlane v31, v23;
	v58 =	vadd.s32 v16, v57;
	s19 =	simm.s32 $0x5F00  }
0x10e: {  	[tilespmem:s19], [sflag:$0x1] =	stream.indirect_vreg.gather [hbm4b:s8+s3], $0x80, v54, vm0, $0xb8;
	[tilespmem:$0x12800] =	vst v63  }
0x10f: {  	v61 =	vperm.xlane v31, v24;
	v60 =	vadd.s32 v16, v59;
	s20 =	simm.s32 $0x5F80  }
0x110: {  	[tilespmem:s20], [sflag:$0x1] =	stream.indirect_vreg.gather [hbm4b:s8+s3], $0x80, v56, vm0, $0xb8;
	[tilespmem:$0x12800] =	vst v63  }
0x111: {  	v63 =	vperm.xlane v31, v25;
	v62 =	vadd.s32 v16, v61;
	s21 =	simm.s32 $0x6000  }
0x112: {  	[tilespmem:s21], [sflag:$0x1] =	stream.indirect_vreg.gather [hbm4b:s8+s3], $0x80, v58, vm0, $0xb8;
	[tilespmem:$0x12800] =	vst v63  }
0x113: {  	v37 =	vperm.xlane v31, v26;
	v36 =	vadd.s32 v16, v63;
	s16 =	simm.s32 $0x6080  }
0x114: {  	[tilespmem:s16], [sflag:$0x1] =	stream.indirect_vreg.gather [hbm4b:s8+s3], $0x80, v60, vm0, $0xb8;
	[tilespmem:$0x12800] =	vst v63  }
0x115: {  	v39 =	vperm.xlane v31, v27;
	v38 =	vadd.s32 v16, v37;
	s17 =	simm.s32 $0x6100  }
0x116: {  	[tilespmem:s17], [sflag:$0x1] =	stream.indirect_vreg.gather [hbm4b:s8+s3], $0x80, v62, vm0, $0xb8;
	[tilespmem:$0x12800] =	vst v63  }
0x117: {  	v41 =	vperm.xlane v31, v28;
	v40 =	vadd.s32 v16, v39;
	s18 =	simm.s32 $0x6180  }
0x118: {  	[tilespmem:s18], [sflag:$0x1] =	stream.indirect_vreg.gather [hbm4b:s8+s3], $0x80, v36, vm0, $0xb8;
	[tilespmem:$0x12800] =	vst v63  }
0x119: {  	v31 =	vperm.xlane v31, v29;
	v42 =	vadd.s32 v16, v41;
	s19 =	simm.s32 $0x6200  }
0x11a: {  	[tilespmem:s19], [sflag:$0x1] =	stream.indirect_vreg.gather [hbm4b:s8+s3], $0x80, v38, vm0, $0xb8;
	[tilespmem:$0x12800] =	vst v63  }
0x11b: {  	v31 =	vadd.s32 v16, v31;
	s20 =	simm.s32 $0x6280  }
0x11c: {  	[tilespmem:s20], [sflag:$0x1] =	stream.indirect_vreg.gather [hbm4b:s8+s3], $0x80, v40, vm0, $0xb8;
	[tilespmem:$0x12800] =	vst v63  }
0x11d: {  	s21 =	simm.s32 $0x6300  }
0x11e: {  	[tilespmem:s21], [sflag:$0x1] =	stream.indirect_vreg.gather [hbm4b:s8+s3], $0x80, v42, vm0, $0xb8;
	[tilespmem:$0x12800] =	vst v63  }
0x11f: {  	s16 =	simm.s32 $0x6380  }
0x120: {  	[tilespmem:s16], [sflag:$0x1] =	stream.indirect_vreg.gather [hbm4b:s8+s3], $0x80, v31, vm0, $0xb8;
	[tilespmem:$0x12800] =	vst v63  }
0x121: {  	v31 =	vld [tilespmem:$0x3510];
	_ =	sdelay $0x4  }
0x122: {  	v43 =	vshrl.u32 v31, $0x3  }
0x123: {  	v32 =	vmul.u32 $0x38, v43  }
0x124: {  	v31 =	vand.u32 $0x7, v31  }
0x125: {  	v31 =	vor.u32 v31, v32  }
0x126: {  	v32 =	vperm.xlane v31, v15;
	_ =	sdelay $0x1  }
0x127: {  	v44 =	vperm.xlane v31, v17;
	v32 =	vadd.s32 v16, v32;
	_ =	sdelay $0x1  }
0x128: {  	v45 =	vperm.xlane v31, v18;
	v33 =	vadd.s32 v16, v44;
	_ =	sdelay $0x1  }
0x129: {  	s17 =	simm.s32 $0x6400;
	v46 =	vperm.xlane v31, v13;
	v34 =	vadd.s32 v16, v45  }
0x12a: {  	[tilespmem:s17], [sflag:$0x1] =	stream.indirect_vreg.gather [hbm4b:s8+s3], $0x80, v32, vm0, $0xb8;
	[tilespmem:$0x12800] =	vst v63  }
0x12b: {  	s18 =	simm.s32 $0x6480;
	v48 =	vperm.xlane v31, v19;
	v47 =	vadd.s32 v16, v46  }
0x12c: {  	[tilespmem:s18], [sflag:$0x1] =	stream.indirect_vreg.gather [hbm4b:s8+s3], $0x80, v33, vm0, $0xb8;
	[tilespmem:$0x12800] =	vst v63  }
0x12d: {  	s19 =	simm.s32 $0x6500;
	v50 =	vperm.xlane v31, v20;
	v49 =	vadd.s32 v16, v48  }
0x12e: {  	[tilespmem:s19], [sflag:$0x1] =	stream.indirect_vreg.gather [hbm4b:s8+s3], $0x80, v34, vm0, $0xb8;
	[tilespmem:$0x12800] =	vst v63  }
0x12f: {  	s20 =	simm.s32 $0x6580;
	v52 =	vperm.xlane v31, v21;
	v51 =	vadd.s32 v16, v50  }
0x130: {  	[tilespmem:s20], [sflag:$0x1] =	stream.indirect_vreg.gather [hbm4b:s8+s3], $0x80, v47, vm0, $0xb8;
	[tilespmem:$0x12800] =	vst v63  }
0x131: {  	s21 =	simm.s32 $0x6600;
	v54 =	vperm.xlane v31, v14;
	v53 =	vadd.s32 v16, v52  }
0x132: {  	[tilespmem:s21], [sflag:$0x1] =	stream.indirect_vreg.gather [hbm4b:s8+s3], $0x80, v49, vm0, $0xb8;
	[tilespmem:$0x12800] =	vst v63  }
0x133: {  	s16 =	simm.s32 $0x6680;
	v56 =	vperm.xlane v31, v22;
	v55 =	vadd.s32 v16, v54  }
0x134: {  	[tilespmem:s16], [sflag:$0x1] =	stream.indirect_vreg.gather [hbm4b:s8+s3], $0x80, v51, vm0, $0xb8;
	[tilespmem:$0x12800] =	vst v63  }
0x135: {  	v58 =	vperm.xlane v31, v23;
	v57 =	vadd.s32 v16, v56;
	s17 =	simm.s32 $0x6700  }
0x136: {  	[tilespmem:s17], [sflag:$0x1] =	stream.indirect_vreg.gather [hbm4b:s8+s3], $0x80, v53, vm0, $0xb8;
	[tilespmem:$0x12800] =	vst v63  }
0x137: {  	v60 =	vperm.xlane v31, v24;
	v59 =	vadd.s32 v16, v58;
	s18 =	simm.s32 $0x6780  }
0x138: {  	[tilespmem:s18], [sflag:$0x1] =	stream.indirect_vreg.gather [hbm4b:s8+s3], $0x80, v55, vm0, $0xb8;
	[tilespmem:$0x12800] =	vst v63  }
0x139: {  	v62 =	vperm.xlane v31, v25;
	v61 =	vadd.s32 v16, v60;
	s19 =	simm.s32 $0x6800  }
0x13a: {  	[tilespmem:s19], [sflag:$0x1] =	stream.indirect_vreg.gather [hbm4b:s8+s3], $0x80, v57, vm0, $0xb8;
	[tilespmem:$0x12800] =	vst v63  }
0x13b: {  	v36 =	vperm.xlane v31, v26;
	v63 =	vadd.s32 v16, v62;
	s20 =	simm.s32 $0x6880  }
0x13c: {  	[tilespmem:s20], [sflag:$0x1] =	stream.indirect_vreg.gather [hbm4b:s8+s3], $0x80, v59, vm0, $0xb8;
	[tilespmem:$0x12800] =	vst v63  }
0x13d: {  	v38 =	vperm.xlane v31, v27;
	v37 =	vadd.s32 v16, v36;
	s21 =	simm.s32 $0x6900  }
0x13e: {  	[tilespmem:s21], [sflag:$0x1] =	stream.indirect_vreg.gather [hbm4b:s8+s3], $0x80, v61, vm0, $0xb8;
	[tilespmem:$0x12800] =	vst v63  }
0x13f: {  	v40 =	vperm.xlane v31, v28;
	v39 =	vadd.s32 v16, v38;
	s16 =	simm.s32 $0x6980  }
0x140: {  	[tilespmem:s16], [sflag:$0x1] =	stream.indirect_vreg.gather [hbm4b:s8+s3], $0x80, v63, vm0, $0xb8;
	[tilespmem:$0x12800] =	vst v63  }
0x141: {  	v31 =	vperm.xlane v31, v29;
	v41 =	vadd.s32 v16, v40;
	s17 =	simm.s32 $0x6A00  }
0x142: {  	[tilespmem:s17], [sflag:$0x1] =	stream.indirect_vreg.gather [hbm4b:s8+s3], $0x80, v37, vm0, $0xb8;
	[tilespmem:$0x12800] =	vst v63  }
0x143: {  	v31 =	vadd.s32 v16, v31;
	s18 =	simm.s32 $0x6A80  }
0x144: {  	[tilespmem:s18], [sflag:$0x1] =	stream.indirect_vreg.gather [hbm4b:s8+s3], $0x80, v39, vm0, $0xb8;
	[tilespmem:$0x12800] =	vst v63  }
0x145: {  	s19 =	simm.s32 $0x6B00  }
0x146: {  	[tilespmem:s19], [sflag:$0x1] =	stream.indirect_vreg.gather [hbm4b:s8+s3], $0x80, v41, vm0, $0xb8;
	[tilespmem:$0x12800] =	vst v63  }
0x147: {  	s20 =	simm.s32 $0x6B80  }
0x148: {  	[tilespmem:s20], [sflag:$0x1] =	stream.indirect_vreg.gather [hbm4b:s8+s3], $0x80, v31, vm0, $0xb8;
	[tilespmem:$0x12800] =	vst v63  }
0x149: {  	v31 =	vld [tilespmem:$0x3580];
	_ =	sdelay $0x4  }
0x14a: {  	v42 =	vshrl.u32 v31, $0x3  }
0x14b: {  	v32 =	vmul.u32 $0x38, v42  }
0x14c: {  	v31 =	vand.u32 $0x7, v31  }
0x14d: {  	v31 =	vor.u32 v31, v32  }
0x14e: {  	v32 =	vperm.xlane v31, v15;
	_ =	sdelay $0x1  }
0x14f: {  	v43 =	vperm.xlane v31, v17;
	v32 =	vadd.s32 v16, v32;
	_ =	sdelay $0x1  }
0x150: {  	v44 =	vperm.xlane v31, v18;
	v33 =	vadd.s32 v16, v43;
	_ =	sdelay $0x1  }
0x151: {  	s21 =	simm.s32 $0x6C00;
	v45 =	vperm.xlane v31, v13;
	v34 =	vadd.s32 v16, v44  }
0x152: {  	[tilespmem:s21], [sflag:$0x1] =	stream.indirect_vreg.gather [hbm4b:s9+s3], $0x80, v32, vm0, $0xb8;
	[tilespmem:$0x12800] =	vst v63  }
0x153: {  	s16 =	simm.s32 $0x6C80;
	v47 =	vperm.xlane v31, v19;
	v46 =	vadd.s32 v16, v45  }
0x154: {  	[tilespmem:s16], [sflag:$0x1] =	stream.indirect_vreg.gather [hbm4b:s9+s3], $0x80, v33, vm0, $0xb8;
	[tilespmem:$0x12800] =	vst v63  }
0x155: {  	s17 =	simm.s32 $0x6D00;
	v49 =	vperm.xlane v31, v20;
	v48 =	vadd.s32 v16, v47  }
0x156: {  	[tilespmem:s17], [sflag:$0x1] =	stream.indirect_vreg.gather [hbm4b:s9+s3], $0x80, v34, vm0, $0xb8;
	[tilespmem:$0x12800] =	vst v63  }
0x157: {  	s18 =	simm.s32 $0x6D80;
	v51 =	vperm.xlane v31, v21;
	v50 =	vadd.s32 v16, v49  }
0x158: {  	[tilespmem:s18], [sflag:$0x1] =	stream.indirect_vreg.gather [hbm4b:s9+s3], $0x80, v46, vm0, $0xb8;
	[tilespmem:$0x12800] =	vst v63  }
0x159: {  	s19 =	simm.s32 $0x6E00;
	v53 =	vperm.xlane v31, v14;
	v52 =	vadd.s32 v16, v51  }
0x15a: {  	[tilespmem:s19], [sflag:$0x1] =	stream.indirect_vreg.gather [hbm4b:s9+s3], $0x80, v48, vm0, $0xb8;
	[tilespmem:$0x12800] =	vst v63  }
0x15b: {  	s20 =	simm.s32 $0x6E80;
	v55 =	vperm.xlane v31, v22;
	v54 =	vadd.s32 v16, v53  }
0x15c: {  	[tilespmem:s20], [sflag:$0x1] =	stream.indirect_vreg.gather [hbm4b:s9+s3], $0x80, v50, vm0, $0xb8;
	[tilespmem:$0x12800] =	vst v63  }
0x15d: {  	v57 =	vperm.xlane v31, v23;
	v56 =	vadd.s32 v16, v55;
	s21 =	simm.s32 $0x6F00  }
0x15e: {  	[tilespmem:s21], [sflag:$0x1] =	stream.indirect_vreg.gather [hbm4b:s9+s3], $0x80, v52, vm0, $0xb8;
	[tilespmem:$0x12800] =	vst v63  }
0x15f: {  	v59 =	vperm.xlane v31, v24;
	v58 =	vadd.s32 v16, v57;
	s16 =	simm.s32 $0x6F80  }
0x160: {  	[tilespmem:s16], [sflag:$0x1] =	stream.indirect_vreg.gather [hbm4b:s9+s3], $0x80, v54, vm0, $0xb8;
	[tilespmem:$0x12800] =	vst v63  }
0x161: {  	v61 =	vperm.xlane v31, v25;
	v60 =	vadd.s32 v16, v59;
	s17 =	simm.s32 $0x7000  }
0x162: {  	[tilespmem:s17], [sflag:$0x1] =	stream.indirect_vreg.gather [hbm4b:s9+s3], $0x80, v56, vm0, $0xb8;
	[tilespmem:$0x12800] =	vst v63  }
0x163: {  	v63 =	vperm.xlane v31, v26;
	v62 =	vadd.s32 v16, v61;
	s18 =	simm.s32 $0x7080  }
0x164: {  	[tilespmem:s18], [sflag:$0x1] =	stream.indirect_vreg.gather [hbm4b:s9+s3], $0x80, v58, vm0, $0xb8;
	[tilespmem:$0x12800] =	vst v63  }
0x165: {  	v37 =	vperm.xlane v31, v27;
	v36 =	vadd.s32 v16, v63;
	s19 =	simm.s32 $0x7100  }
0x166: {  	[tilespmem:s19], [sflag:$0x1] =	stream.indirect_vreg.gather [hbm4b:s9+s3], $0x80, v60, vm0, $0xb8;
	[tilespmem:$0x12800] =	vst v63  }
0x167: {  	v39 =	vperm.xlane v31, v28;
	v38 =	vadd.s32 v16, v37;
	s20 =	simm.s32 $0x7180  }
0x168: {  	[tilespmem:s20], [sflag:$0x1] =	stream.indirect_vreg.gather [hbm4b:s9+s3], $0x80, v62, vm0, $0xb8;
	[tilespmem:$0x12800] =	vst v63  }
0x169: {  	v31 =	vperm.xlane v31, v29;
	v40 =	vadd.s32 v16, v39;
	s21 =	simm.s32 $0x7200  }
0x16a: {  	[tilespmem:s21], [sflag:$0x1] =	stream.indirect_vreg.gather [hbm4b:s9+s3], $0x80, v36, vm0, $0xb8;
	[tilespmem:$0x12800] =	vst v63  }
0x16b: {  	v31 =	vadd.s32 v16, v31;
	s16 =	simm.s32 $0x7280  }
0x16c: {  	[tilespmem:s16], [sflag:$0x1] =	stream.indirect_vreg.gather [hbm4b:s9+s3], $0x80, v38, vm0, $0xb8;
	[tilespmem:$0x12800] =	vst v63  }
0x16d: {  	s17 =	simm.s32 $0x7300  }
0x16e: {  	[tilespmem:s17], [sflag:$0x1] =	stream.indirect_vreg.gather [hbm4b:s9+s3], $0x80, v40, vm0, $0xb8;
	[tilespmem:$0x12800] =	vst v63  }
0x16f: {  	s18 =	simm.s32 $0x7380  }
0x170: {  	[tilespmem:s18], [sflag:$0x1] =	stream.indirect_vreg.gather [hbm4b:s9+s3], $0x80, v31, vm0, $0xb8;
	[tilespmem:$0x12800] =	vst v63  }
0x171: {  	v31 =	vld [tilespmem:$0x3590];
	_ =	sdelay $0x4  }
0x172: {  	v41 =	vshrl.u32 v31, $0x3  }
0x173: {  	v32 =	vmul.u32 $0x38, v41  }
0x174: {  	v31 =	vand.u32 $0x7, v31  }
0x175: {  	v31 =	vor.u32 v31, v32  }
0x176: {  	v32 =	vperm.xlane v31, v15;
	_ =	sdelay $0x1  }
0x177: {  	v42 =	vperm.xlane v31, v17;
	v32 =	vadd.s32 v16, v32;
	_ =	sdelay $0x1  }
0x178: {  	v43 =	vperm.xlane v31, v18;
	v33 =	vadd.s32 v16, v42;
	_ =	sdelay $0x1  }
0x179: {  	s19 =	simm.s32 $0x7400;
	v44 =	vperm.xlane v31, v13;
	v34 =	vadd.s32 v16, v43  }
0x17a: {  	[tilespmem:s19], [sflag:$0x1] =	stream.indirect_vreg.gather [hbm4b:s9+s3], $0x80, v32, vm0, $0xb8;
	[tilespmem:$0x12800] =	vst v63  }
0x17b: {  	s20 =	simm.s32 $0x7480;
	v46 =	vperm.xlane v31, v19;
	v45 =	vadd.s32 v16, v44  }
0x17c: {  	[tilespmem:s20], [sflag:$0x1] =	stream.indirect_vreg.gather [hbm4b:s9+s3], $0x80, v33, vm0, $0xb8;
	[tilespmem:$0x12800] =	vst v63  }
0x17d: {  	s21 =	simm.s32 $0x7500;
	v48 =	vperm.xlane v31, v20;
	v47 =	vadd.s32 v16, v46  }
0x17e: {  	[tilespmem:s21], [sflag:$0x1] =	stream.indirect_vreg.gather [hbm4b:s9+s3], $0x80, v34, vm0, $0xb8;
	[tilespmem:$0x12800] =	vst v63  }
0x17f: {  	s16 =	simm.s32 $0x7580;
	v50 =	vperm.xlane v31, v21;
	v49 =	vadd.s32 v16, v48  }
0x180: {  	[tilespmem:s16], [sflag:$0x1] =	stream.indirect_vreg.gather [hbm4b:s9+s3], $0x80, v45, vm0, $0xb8;
	[tilespmem:$0x12800] =	vst v63  }
0x181: {  	s17 =	simm.s32 $0x7600;
	v52 =	vperm.xlane v31, v14;
	v51 =	vadd.s32 v16, v50  }
0x182: {  	[tilespmem:s17], [sflag:$0x1] =	stream.indirect_vreg.gather [hbm4b:s9+s3], $0x80, v47, vm0, $0xb8;
	[tilespmem:$0x12800] =	vst v63  }
0x183: {  	s18 =	simm.s32 $0x7680;
	v54 =	vperm.xlane v31, v22;
	v53 =	vadd.s32 v16, v52  }
0x184: {  	[tilespmem:s18], [sflag:$0x1] =	stream.indirect_vreg.gather [hbm4b:s9+s3], $0x80, v49, vm0, $0xb8;
	[tilespmem:$0x12800] =	vst v63  }
0x185: {  	v56 =	vperm.xlane v31, v23;
	v55 =	vadd.s32 v16, v54;
	s19 =	simm.s32 $0x7700  }
0x186: {  	[tilespmem:s19], [sflag:$0x1] =	stream.indirect_vreg.gather [hbm4b:s9+s3], $0x80, v51, vm0, $0xb8;
	[tilespmem:$0x12800] =	vst v63  }
0x187: {  	v58 =	vperm.xlane v31, v24;
	v57 =	vadd.s32 v16, v56;
	s20 =	simm.s32 $0x7780  }
0x188: {  	[tilespmem:s20], [sflag:$0x1] =	stream.indirect_vreg.gather [hbm4b:s9+s3], $0x80, v53, vm0, $0xb8;
	[tilespmem:$0x12800] =	vst v63  }
0x189: {  	v60 =	vperm.xlane v31, v25;
	v59 =	vadd.s32 v16, v58;
	s21 =	simm.s32 $0x7800  }
0x18a: {  	[tilespmem:s21], [sflag:$0x1] =	stream.indirect_vreg.gather [hbm4b:s9+s3], $0x80, v55, vm0, $0xb8;
	[tilespmem:$0x12800] =	vst v63  }
0x18b: {  	v62 =	vperm.xlane v31, v26;
	v61 =	vadd.s32 v16, v60;
	s16 =	simm.s32 $0x7880  }
0x18c: {  	[tilespmem:s16], [sflag:$0x1] =	stream.indirect_vreg.gather [hbm4b:s9+s3], $0x80, v57, vm0, $0xb8;
	[tilespmem:$0x12800] =	vst v63  }
0x18d: {  	v36 =	vperm.xlane v31, v27;
	v63 =	vadd.s32 v16, v62;
	s17 =	simm.s32 $0x7900  }
0x18e: {  	[tilespmem:s17], [sflag:$0x1] =	stream.indirect_vreg.gather [hbm4b:s9+s3], $0x80, v59, vm0, $0xb8;
	[tilespmem:$0x12800] =	vst v63  }
0x18f: {  	v38 =	vperm.xlane v31, v28;
	v37 =	vadd.s32 v16, v36;
	s18 =	simm.s32 $0x7980  }
0x190: {  	[tilespmem:s18], [sflag:$0x1] =	stream.indirect_vreg.gather [hbm4b:s9+s3], $0x80, v61, vm0, $0xb8;
	[tilespmem:$0x12800] =	vst v63  }
0x191: {  	v31 =	vperm.xlane v31, v29;
	v39 =	vadd.s32 v16, v38;
	s19 =	simm.s32 $0x7A00  }
0x192: {  	[tilespmem:s19], [sflag:$0x1] =	stream.indirect_vreg.gather [hbm4b:s9+s3], $0x80, v63, vm0, $0xb8;
	[tilespmem:$0x12800] =	vst v63  }
0x193: {  	v31 =	vadd.s32 v16, v31;
	s20 =	simm.s32 $0x7A80  }
0x194: {  	[tilespmem:s20], [sflag:$0x1] =	stream.indirect_vreg.gather [hbm4b:s9+s3], $0x80, v37, vm0, $0xb8;
	[tilespmem:$0x12800] =	vst v63  }
0x195: {  	s21 =	simm.s32 $0x7B00  }
0x196: {  	[tilespmem:s21], [sflag:$0x1] =	stream.indirect_vreg.gather [hbm4b:s9+s3], $0x80, v39, vm0, $0xb8;
	[tilespmem:$0x12800] =	vst v63  }
0x197: {  	s16 =	simm.s32 $0x7B80  }
0x198: {  	[tilespmem:s16], [sflag:$0x1] =	stream.indirect_vreg.gather [hbm4b:s9+s3], $0x80, v31, vm0, $0xb8;
	[tilespmem:$0x12800] =	vst v63  }
0x199: {  	v31 =	vld [tilespmem:$0x3600];
	_ =	sdelay $0x4  }
0x19a: {  	v40 =	vshrl.u32 v31, $0x3  }
0x19b: {  	v32 =	vmul.u32 $0x38, v40  }
0x19c: {  	v31 =	vand.u32 $0x7, v31  }
0x19d: {  	v31 =	vor.u32 v31, v32  }
0x19e: {  	v32 =	vperm.xlane v31, v15;
	_ =	sdelay $0x1  }
0x19f: {  	v41 =	vperm.xlane v31, v17;
	v32 =	vadd.s32 v16, v32;
	_ =	sdelay $0x1  }
0x1a0: {  	v42 =	vperm.xlane v31, v18;
	v33 =	vadd.s32 v16, v41;
	_ =	sdelay $0x1  }
0x1a1: {  	s17 =	simm.s32 $0x7C00;
	v43 =	vperm.xlane v31, v13;
	v34 =	vadd.s32 v16, v42  }
0x1a2: {  	[tilespmem:s17], [sflag:$0x1] =	stream.indirect_vreg.gather [hbm4b:s10+s3], $0x80, v32, vm0, $0xb8;
	[tilespmem:$0x12800] =	vst v63  }
0x1a3: {  	s18 =	simm.s32 $0x7C80;
	v45 =	vperm.xlane v31, v19;
	v44 =	vadd.s32 v16, v43  }
0x1a4: {  	[tilespmem:s18], [sflag:$0x1] =	stream.indirect_vreg.gather [hbm4b:s10+s3], $0x80, v33, vm0, $0xb8;
	[tilespmem:$0x12800] =	vst v63  }
0x1a5: {  	s19 =	simm.s32 $0x7D00;
	v47 =	vperm.xlane v31, v20;
	v46 =	vadd.s32 v16, v45  }
0x1a6: {  	[tilespmem:s19], [sflag:$0x1] =	stream.indirect_vreg.gather [hbm4b:s10+s3], $0x80, v34, vm0, $0xb8;
	[tilespmem:$0x12800] =	vst v63  }
0x1a7: {  	s20 =	simm.s32 $0x7D80;
	v49 =	vperm.xlane v31, v21;
	v48 =	vadd.s32 v16, v47  }
0x1a8: {  	[tilespmem:s20], [sflag:$0x1] =	stream.indirect_vreg.gather [hbm4b:s10+s3], $0x80, v44, vm0, $0xb8;
	[tilespmem:$0x12800] =	vst v63  }
0x1a9: {  	s21 =	simm.s32 $0x7E00;
	v51 =	vperm.xlane v31, v14;
	v50 =	vadd.s32 v16, v49  }
0x1aa: {  	[tilespmem:s21], [sflag:$0x1] =	stream.indirect_vreg.gather [hbm4b:s10+s3], $0x80, v46, vm0, $0xb8;
	[tilespmem:$0x12800] =	vst v63  }
0x1ab: {  	s16 =	simm.s32 $0x7E80;
	v53 =	vperm.xlane v31, v22;
	v52 =	vadd.s32 v16, v51  }
0x1ac: {  	[tilespmem:s16], [sflag:$0x1] =	stream.indirect_vreg.gather [hbm4b:s10+s3], $0x80, v48, vm0, $0xb8;
	[tilespmem:$0x12800] =	vst v63  }
0x1ad: {  	v55 =	vperm.xlane v31, v23;
	v54 =	vadd.s32 v16, v53;
	s17 =	simm.s32 $0x7F00  }
0x1ae: {  	[tilespmem:s17], [sflag:$0x1] =	stream.indirect_vreg.gather [hbm4b:s10+s3], $0x80, v50, vm0, $0xb8;
	[tilespmem:$0x12800] =	vst v63  }
0x1af: {  	v57 =	vperm.xlane v31, v24;
	v56 =	vadd.s32 v16, v55;
	s18 =	simm.s32 $0x7F80  }
0x1b0: {  	[tilespmem:s18], [sflag:$0x1] =	stream.indirect_vreg.gather [hbm4b:s10+s3], $0x80, v52, vm0, $0xb8;
	[tilespmem:$0x12800] =	vst v63  }
0x1b1: {  	v59 =	vperm.xlane v31, v25;
	v58 =	vadd.s32 v16, v57;
	s19 =	simm.s32 $0x8000  }
0x1b2: {  	[tilespmem:s19], [sflag:$0x1] =	stream.indirect_vreg.gather [hbm4b:s10+s3], $0x80, v54, vm0, $0xb8;
	[tilespmem:$0x12800] =	vst v63  }
0x1b3: {  	v61 =	vperm.xlane v31, v26;
	v60 =	vadd.s32 v16, v59;
	s20 =	simm.s32 $0x8080  }
0x1b4: {  	[tilespmem:s20], [sflag:$0x1] =	stream.indirect_vreg.gather [hbm4b:s10+s3], $0x80, v56, vm0, $0xb8;
	[tilespmem:$0x12800] =	vst v63  }
0x1b5: {  	v63 =	vperm.xlane v31, v27;
	v62 =	vadd.s32 v16, v61;
	s21 =	simm.s32 $0x8100  }
0x1b6: {  	[tilespmem:s21], [sflag:$0x1] =	stream.indirect_vreg.gather [hbm4b:s10+s3], $0x80, v58, vm0, $0xb8;
	[tilespmem:$0x12800] =	vst v63  }
0x1b7: {  	v37 =	vperm.xlane v31, v28;
	v36 =	vadd.s32 v16, v63;
	s16 =	simm.s32 $0x8180  }
0x1b8: {  	[tilespmem:s16], [sflag:$0x1] =	stream.indirect_vreg.gather [hbm4b:s10+s3], $0x80, v60, vm0, $0xb8;
	[tilespmem:$0x12800] =	vst v63  }
0x1b9: {  	v31 =	vperm.xlane v31, v29;
	v38 =	vadd.s32 v16, v37;
	s17 =	simm.s32 $0x8200  }
0x1ba: {  	[tilespmem:s17], [sflag:$0x1] =	stream.indirect_vreg.gather [hbm4b:s10+s3], $0x80, v62, vm0, $0xb8;
	[tilespmem:$0x12800] =	vst v63  }
0x1bb: {  	v31 =	vadd.s32 v16, v31;
	s18 =	simm.s32 $0x8280  }
0x1bc: {  	[tilespmem:s18], [sflag:$0x1] =	stream.indirect_vreg.gather [hbm4b:s10+s3], $0x80, v36, vm0, $0xb8;
	[tilespmem:$0x12800] =	vst v63  }
0x1bd: {  	s19 =	simm.s32 $0x8300  }
0x1be: {  	[tilespmem:s19], [sflag:$0x1] =	stream.indirect_vreg.gather [hbm4b:s10+s3], $0x80, v38, vm0, $0xb8;
	[tilespmem:$0x12800] =	vst v63  }
0x1bf: {  	s20 =	simm.s32 $0x8380  }
0x1c0: {  	[tilespmem:s20], [sflag:$0x1] =	stream.indirect_vreg.gather [hbm4b:s10+s3], $0x80, v31, vm0, $0xb8;
	[tilespmem:$0x12800] =	vst v63  }
0x1c1: {  	v31 =	vld [tilespmem:$0x3610];
	_ =	sdelay $0x4  }
0x1c2: {  	v39 =	vshrl.u32 v31, $0x3  }
0x1c3: {  	v32 =	vmul.u32 $0x38, v39  }
0x1c4: {  	v31 =	vand.u32 $0x7, v31  }
0x1c5: {  	v31 =	vor.u32 v31, v32  }
0x1c6: {  	v32 =	vperm.xlane v31, v15;
	_ =	sdelay $0x1  }
0x1c7: {  	v40 =	vperm.xlane v31, v17;
	v32 =	vadd.s32 v16, v32;
	_ =	sdelay $0x1  }
0x1c8: {  	v41 =	vperm.xlane v31, v18;
	v33 =	vadd.s32 v16, v40;
	_ =	sdelay $0x1  }
0x1c9: {  	s21 =	simm.s32 $0x8400;
	v42 =	vperm.xlane v31, v13;
	v34 =	vadd.s32 v16, v41  }
0x1ca: {  	[tilespmem:s21], [sflag:$0x1] =	stream.indirect_vreg.gather [hbm4b:s10+s3], $0x80, v32, vm0, $0xb8;
	[tilespmem:$0x12800] =	vst v63  }
0x1cb: {  	s16 =	simm.s32 $0x8480;
	v44 =	vperm.xlane v31, v19;
	v43 =	vadd.s32 v16, v42  }
0x1cc: {  	[tilespmem:s16], [sflag:$0x1] =	stream.indirect_vreg.gather [hbm4b:s10+s3], $0x80, v33, vm0, $0xb8;
	[tilespmem:$0x12800] =	vst v63  }
0x1cd: {  	s17 =	simm.s32 $0x8500;
	v46 =	vperm.xlane v31, v20;
	v45 =	vadd.s32 v16, v44  }
0x1ce: {  	[tilespmem:s17], [sflag:$0x1] =	stream.indirect_vreg.gather [hbm4b:s10+s3], $0x80, v34, vm0, $0xb8;
	[tilespmem:$0x12800] =	vst v63  }
0x1cf: {  	s18 =	simm.s32 $0x8580;
	v48 =	vperm.xlane v31, v21;
	v47 =	vadd.s32 v16, v46  }
0x1d0: {  	[tilespmem:s18], [sflag:$0x1] =	stream.indirect_vreg.gather [hbm4b:s10+s3], $0x80, v43, vm0, $0xb8;
	[tilespmem:$0x12800] =	vst v63  }
0x1d1: {  	s19 =	simm.s32 $0x8600;
	v50 =	vperm.xlane v31, v14;
	v49 =	vadd.s32 v16, v48  }
0x1d2: {  	[tilespmem:s19], [sflag:$0x1] =	stream.indirect_vreg.gather [hbm4b:s10+s3], $0x80, v45, vm0, $0xb8;
	[tilespmem:$0x12800] =	vst v63  }
0x1d3: {  	s20 =	simm.s32 $0x8680;
	v52 =	vperm.xlane v31, v22;
	v51 =	vadd.s32 v16, v50  }
0x1d4: {  	[tilespmem:s20], [sflag:$0x1] =	stream.indirect_vreg.gather [hbm4b:s10+s3], $0x80, v47, vm0, $0xb8;
	[tilespmem:$0x12800] =	vst v63  }
0x1d5: {  	v54 =	vperm.xlane v31, v23;
	v53 =	vadd.s32 v16, v52;
	s21 =	simm.s32 $0x8700  }
0x1d6: {  	[tilespmem:s21], [sflag:$0x1] =	stream.indirect_vreg.gather [hbm4b:s10+s3], $0x80, v49, vm0, $0xb8;
	[tilespmem:$0x12800] =	vst v63  }
0x1d7: {  	v56 =	vperm.xlane v31, v24;
	v55 =	vadd.s32 v16, v54;
	s16 =	simm.s32 $0x8780  }
0x1d8: {  	[tilespmem:s16], [sflag:$0x1] =	stream.indirect_vreg.gather [hbm4b:s10+s3], $0x80, v51, vm0, $0xb8;
	[tilespmem:$0x12800] =	vst v63  }
0x1d9: {  	v58 =	vperm.xlane v31, v25;
	v57 =	vadd.s32 v16, v56;
	s17 =	simm.s32 $0x8800  }
0x1da: {  	[tilespmem:s17], [sflag:$0x1] =	stream.indirect_vreg.gather [hbm4b:s10+s3], $0x80, v53, vm0, $0xb8;
	[tilespmem:$0x12800] =	vst v63  }
0x1db: {  	v60 =	vperm.xlane v31, v26;
	v59 =	vadd.s32 v16, v58;
	s18 =	simm.s32 $0x8880  }
0x1dc: {  	[tilespmem:s18], [sflag:$0x1] =	stream.indirect_vreg.gather [hbm4b:s10+s3], $0x80, v55, vm0, $0xb8;
	[tilespmem:$0x12800] =	vst v63  }
0x1dd: {  	v62 =	vperm.xlane v31, v27;
	v61 =	vadd.s32 v16, v60;
	s19 =	simm.s32 $0x8900  }
0x1de: {  	[tilespmem:s19], [sflag:$0x1] =	stream.indirect_vreg.gather [hbm4b:s10+s3], $0x80, v57, vm0, $0xb8;
	[tilespmem:$0x12800] =	vst v63  }
0x1df: {  	v36 =	vperm.xlane v31, v28;
	v63 =	vadd.s32 v16, v62;
	s20 =	simm.s32 $0x8980  }
0x1e0: {  	[tilespmem:s20], [sflag:$0x1] =	stream.indirect_vreg.gather [hbm4b:s10+s3], $0x80, v59, vm0, $0xb8;
	[tilespmem:$0x12800] =	vst v63  }
0x1e1: {  	v31 =	vperm.xlane v31, v29;
	v37 =	vadd.s32 v16, v36;
	s21 =	simm.s32 $0x8A00  }
0x1e2: {  	[tilespmem:s21], [sflag:$0x1] =	stream.indirect_vreg.gather [hbm4b:s10+s3], $0x80, v61, vm0, $0xb8;
	[tilespmem:$0x12800] =	vst v63  }
0x1e3: {  	v31 =	vadd.s32 v16, v31;
	s16 =	simm.s32 $0x8A80  }
0x1e4: {  	[tilespmem:s16], [sflag:$0x1] =	stream.indirect_vreg.gather [hbm4b:s10+s3], $0x80, v63, vm0, $0xb8;
	[tilespmem:$0x12800] =	vst v63  }
0x1e5: {  	s17 =	simm.s32 $0x8B00  }
0x1e6: {  	[tilespmem:s17], [sflag:$0x1] =	stream.indirect_vreg.gather [hbm4b:s10+s3], $0x80, v37, vm0, $0xb8;
	[tilespmem:$0x12800] =	vst v63  }
0x1e7: {  	s18 =	simm.s32 $0x8B80  }
0x1e8: {  	[tilespmem:s18], [sflag:$0x1] =	stream.indirect_vreg.gather [hbm4b:s10+s3], $0x80, v31, vm0, $0xb8;
	[tilespmem:$0x12800] =	vst v63  }
0x1e9: {  	v31 =	vld [tilespmem:$0x3680];
	_ =	sdelay $0x4  }
0x1ea: {  	v38 =	vshrl.u32 v31, $0x3  }
0x1eb: {  	v32 =	vmul.u32 $0x38, v38  }
0x1ec: {  	v31 =	vand.u32 $0x7, v31  }
0x1ed: {  	v31 =	vor.u32 v31, v32  }
0x1ee: {  	v32 =	vperm.xlane v31, v15;
	_ =	sdelay $0x1  }
0x1ef: {  	v39 =	vperm.xlane v31, v17;
	v32 =	vadd.s32 v16, v32;
	_ =	sdelay $0x1  }
0x1f0: {  	v40 =	vperm.xlane v31, v18;
	v33 =	vadd.s32 v16, v39;
	_ =	sdelay $0x1  }
0x1f1: {  	s19 =	simm.s32 $0x8C00;
	v41 =	vperm.xlane v31, v13;
	v34 =	vadd.s32 v16, v40  }
0x1f2: {  	[tilespmem:s19], [sflag:$0x1] =	stream.indirect_vreg.gather [hbm4b:s11+s3], $0x80, v32, vm0, $0xb8;
	[tilespmem:$0x12800] =	vst v63  }
0x1f3: {  	s20 =	simm.s32 $0x8C80;
	v43 =	vperm.xlane v31, v19;
	v42 =	vadd.s32 v16, v41  }
0x1f4: {  	[tilespmem:s20], [sflag:$0x1] =	stream.indirect_vreg.gather [hbm4b:s11+s3], $0x80, v33, vm0, $0xb8;
	[tilespmem:$0x12800] =	vst v63  }
0x1f5: {  	s21 =	simm.s32 $0x8D00;
	v45 =	vperm.xlane v31, v20;
	v44 =	vadd.s32 v16, v43  }
0x1f6: {  	[tilespmem:s21], [sflag:$0x1] =	stream.indirect_vreg.gather [hbm4b:s11+s3], $0x80, v34, vm0, $0xb8;
	[tilespmem:$0x12800] =	vst v63  }
0x1f7: {  	s16 =	simm.s32 $0x8D80;
	v47 =	vperm.xlane v31, v21;
	v46 =	vadd.s32 v16, v45  }
0x1f8: {  	[tilespmem:s16], [sflag:$0x1] =	stream.indirect_vreg.gather [hbm4b:s11+s3], $0x80, v42, vm0, $0xb8;
	[tilespmem:$0x12800] =	vst v63  }
0x1f9: {  	s17 =	simm.s32 $0x8E00;
	v49 =	vperm.xlane v31, v14;
	v48 =	vadd.s32 v16, v47  }
0x1fa: {  	[tilespmem:s17], [sflag:$0x1] =	stream.indirect_vreg.gather [hbm4b:s11+s3], $0x80, v44, vm0, $0xb8;
	[tilespmem:$0x12800] =	vst v63  }
0x1fb: {  	s18 =	simm.s32 $0x8E80;
	v51 =	vperm.xlane v31, v22;
	v50 =	vadd.s32 v16, v49  }
0x1fc: {  	[tilespmem:s18], [sflag:$0x1] =	stream.indirect_vreg.gather [hbm4b:s11+s3], $0x80, v46, vm0, $0xb8;
	[tilespmem:$0x12800] =	vst v63  }
0x1fd: {  	v53 =	vperm.xlane v31, v23;
	v52 =	vadd.s32 v16, v51;
	s19 =	simm.s32 $0x8F00  }
0x1fe: {  	[tilespmem:s19], [sflag:$0x1] =	stream.indirect_vreg.gather [hbm4b:s11+s3], $0x80, v48, vm0, $0xb8;
	[tilespmem:$0x12800] =	vst v63  }
0x1ff: {  	v55 =	vperm.xlane v31, v24;
	v54 =	vadd.s32 v16, v53;
	s20 =	simm.s32 $0x8F80  }
0x200: {  	[tilespmem:s20], [sflag:$0x1] =	stream.indirect_vreg.gather [hbm4b:s11+s3], $0x80, v50, vm0, $0xb8;
	[tilespmem:$0x12800] =	vst v63  }
0x201: {  	v57 =	vperm.xlane v31, v25;
	v56 =	vadd.s32 v16, v55;
	s21 =	simm.s32 $0x9000  }
0x202: {  	[tilespmem:s21], [sflag:$0x1] =	stream.indirect_vreg.gather [hbm4b:s11+s3], $0x80, v52, vm0, $0xb8;
	[tilespmem:$0x12800] =	vst v63  }
0x203: {  	v59 =	vperm.xlane v31, v26;
	v58 =	vadd.s32 v16, v57;
	s16 =	simm.s32 $0x9080  }
0x204: {  	[tilespmem:s16], [sflag:$0x1] =	stream.indirect_vreg.gather [hbm4b:s11+s3], $0x80, v54, vm0, $0xb8;
	[tilespmem:$0x12800] =	vst v63  }
0x205: {  	v61 =	vperm.xlane v31, v27;
	v60 =	vadd.s32 v16, v59;
	s17 =	simm.s32 $0x9100  }
0x206: {  	[tilespmem:s17], [sflag:$0x1] =	stream.indirect_vreg.gather [hbm4b:s11+s3], $0x80, v56, vm0, $0xb8;
	[tilespmem:$0x12800] =	vst v63  }
0x207: {  	v63 =	vperm.xlane v31, v28;
	v62 =	vadd.s32 v16, v61;
	s18 =	simm.s32 $0x9180  }
0x208: {  	[tilespmem:s18], [sflag:$0x1] =	stream.indirect_vreg.gather [hbm4b:s11+s3], $0x80, v58, vm0, $0xb8;
	[tilespmem:$0x12800] =	vst v63  }
0x209: {  	v31 =	vperm.xlane v31, v29;
	v36 =	vadd.s32 v16, v63;
	s19 =	simm.s32 $0x9200  }
0x20a: {  	[tilespmem:s19], [sflag:$0x1] =	stream.indirect_vreg.gather [hbm4b:s11+s3], $0x80, v60, vm0, $0xb8;
	[tilespmem:$0x12800] =	vst v63  }
0x20b: {  	v31 =	vadd.s32 v16, v31;
	s20 =	simm.s32 $0x9280  }
0x20c: {  	[tilespmem:s20], [sflag:$0x1] =	stream.indirect_vreg.gather [hbm4b:s11+s3], $0x80, v62, vm0, $0xb8;
	[tilespmem:$0x12800] =	vst v63  }
0x20d: {  	s21 =	simm.s32 $0x9300  }
0x20e: {  	[tilespmem:s21], [sflag:$0x1] =	stream.indirect_vreg.gather [hbm4b:s11+s3], $0x80, v36, vm0, $0xb8;
	[tilespmem:$0x12800] =	vst v63  }
0x20f: {  	s16 =	simm.s32 $0x9380  }
0x210: {  	[tilespmem:s16], [sflag:$0x1] =	stream.indirect_vreg.gather [hbm4b:s11+s3], $0x80, v31, vm0, $0xb8;
	[tilespmem:$0x12800] =	vst v63  }
0x211: {  	v31 =	vld [tilespmem:$0x3690];
	_ =	sdelay $0x4  }
0x212: {  	v37 =	vshrl.u32 v31, $0x3  }
0x213: {  	v32 =	vmul.u32 $0x38, v37  }
0x214: {  	v31 =	vand.u32 $0x7, v31  }
0x215: {  	v31 =	vor.u32 v31, v32  }
0x216: {  	v32 =	vperm.xlane v31, v15;
	_ =	sdelay $0x1  }
0x217: {  	v38 =	vperm.xlane v31, v17;
	v32 =	vadd.s32 v16, v32;
	_ =	sdelay $0x1  }
0x218: {  	v39 =	vperm.xlane v31, v18;
	v33 =	vadd.s32 v16, v38;
	_ =	sdelay $0x1  }
0x219: {  	s17 =	simm.s32 $0x9400;
	v40 =	vperm.xlane v31, v13;
	v34 =	vadd.s32 v16, v39  }
0x21a: {  	[tilespmem:s17], [sflag:$0x1] =	stream.indirect_vreg.gather [hbm4b:s11+s3], $0x80, v32, vm0, $0xb8;
	[tilespmem:$0x12800] =	vst v63  }
0x21b: {  	s18 =	simm.s32 $0x9480;
	v42 =	vperm.xlane v31, v19;
	v41 =	vadd.s32 v16, v40  }
0x21c: {  	[tilespmem:s18], [sflag:$0x1] =	stream.indirect_vreg.gather [hbm4b:s11+s3], $0x80, v33, vm0, $0xb8;
	[tilespmem:$0x12800] =	vst v63  }
0x21d: {  	s19 =	simm.s32 $0x9500;
	v44 =	vperm.xlane v31, v20;
	v43 =	vadd.s32 v16, v42  }
0x21e: {  	[tilespmem:s19], [sflag:$0x1] =	stream.indirect_vreg.gather [hbm4b:s11+s3], $0x80, v34, vm0, $0xb8;
	[tilespmem:$0x12800] =	vst v63  }
0x21f: {  	s20 =	simm.s32 $0x9580;
	v46 =	vperm.xlane v31, v21;
	v45 =	vadd.s32 v16, v44  }
0x220: {  	[tilespmem:s20], [sflag:$0x1] =	stream.indirect_vreg.gather [hbm4b:s11+s3], $0x80, v41, vm0, $0xb8;
	[tilespmem:$0x12800] =	vst v63  }
0x221: {  	s21 =	simm.s32 $0x9600;
	v48 =	vperm.xlane v31, v14;
	v47 =	vadd.s32 v16, v46  }
0x222: {  	[tilespmem:s21], [sflag:$0x1] =	stream.indirect_vreg.gather [hbm4b:s11+s3], $0x80, v43, vm0, $0xb8;
	[tilespmem:$0x12800] =	vst v63  }
0x223: {  	s16 =	simm.s32 $0x9680;
	v50 =	vperm.xlane v31, v22;
	v49 =	vadd.s32 v16, v48  }
0x224: {  	[tilespmem:s16], [sflag:$0x1] =	stream.indirect_vreg.gather [hbm4b:s11+s3], $0x80, v45, vm0, $0xb8;
	[tilespmem:$0x12800] =	vst v63  }
0x225: {  	v52 =	vperm.xlane v31, v23;
	v51 =	vadd.s32 v16, v50;
	s17 =	simm.s32 $0x9700  }
0x226: {  	[tilespmem:s17], [sflag:$0x1] =	stream.indirect_vreg.gather [hbm4b:s11+s3], $0x80, v47, vm0, $0xb8;
	[tilespmem:$0x12800] =	vst v63  }
0x227: {  	v54 =	vperm.xlane v31, v24;
	v53 =	vadd.s32 v16, v52;
	s18 =	simm.s32 $0x9780  }
0x228: {  	[tilespmem:s18], [sflag:$0x1] =	stream.indirect_vreg.gather [hbm4b:s11+s3], $0x80, v49, vm0, $0xb8;
	[tilespmem:$0x12800] =	vst v63  }
0x229: {  	v56 =	vperm.xlane v31, v25;
	v55 =	vadd.s32 v16, v54;
	s19 =	simm.s32 $0x9800  }
0x22a: {  	[tilespmem:s19], [sflag:$0x1] =	stream.indirect_vreg.gather [hbm4b:s11+s3], $0x80, v51, vm0, $0xb8;
	[tilespmem:$0x12800] =	vst v63  }
0x22b: {  	v58 =	vperm.xlane v31, v26;
	v57 =	vadd.s32 v16, v56;
	s20 =	simm.s32 $0x9880  }
0x22c: {  	[tilespmem:s20], [sflag:$0x1] =	stream.indirect_vreg.gather [hbm4b:s11+s3], $0x80, v53, vm0, $0xb8;
	[tilespmem:$0x12800] =	vst v63  }
0x22d: {  	v60 =	vperm.xlane v31, v27;
	v59 =	vadd.s32 v16, v58;
	s21 =	simm.s32 $0x9900  }
0x22e: {  	[tilespmem:s21], [sflag:$0x1] =	stream.indirect_vreg.gather [hbm4b:s11+s3], $0x80, v55, vm0, $0xb8;
	[tilespmem:$0x12800] =	vst v63  }
0x22f: {  	v62 =	vperm.xlane v31, v28;
	v61 =	vadd.s32 v16, v60  }
0x230: {  	[tilespmem:s22], [sflag:$0x1] =	stream.indirect_vreg.gather [hbm4b:s11+s3], $0x80, v57, vm0, $0xb8;
	[tilespmem:$0x12800] =	vst v63  }
0x231: {  	v31 =	vperm.xlane v31, v29;
	v63 =	vadd.s32 v16, v62  }
0x232: {  	[tilespmem:s23], [sflag:$0x1] =	stream.indirect_vreg.gather [hbm4b:s11+s3], $0x80, v59, vm0, $0xb8;
	[tilespmem:$0x12800] =	vst v63  }
0x233: {  	v31 =	vadd.s32 v16, v31  }
0x234: {  	[tilespmem:s24], [sflag:$0x1] =	stream.indirect_vreg.gather [hbm4b:s11+s3], $0x80, v61, vm0, $0xb8;
	[tilespmem:$0x12800] =	vst v63  }
0x235: {  	_ = 	snop  }
0x236: {  	[tilespmem:s25], [sflag:$0x1] =	stream.indirect_vreg.gather [hbm4b:s11+s3], $0x80, v63, vm0, $0xb8;
	[tilespmem:$0x12800] =	vst v63  }
0x237: {  	_ = 	snop  }
0x238: {  	[tilespmem:s26], [sflag:$0x1] =	stream.indirect_vreg.gather [hbm4b:s11+s3], $0x80, v31, vm0, $0xb8;
	[tilespmem:$0x12800] =	vst v63  }
0x239: {  	s15 =	simm.s32 $0x0  }
0x23a: {  	[tilespmem:s30], [sflag:$0x1] =	stream.indirect.gather [hbm4b:s2+s28], $0x80, s29, s28, $0xb8;
	[tilespmem:$0x12800] =	vst v63  }
.LBB2_2:
0x23b: {  	p0 =	seq.s32 s15, $0x3F  }
.Ltmp0:
0x23c: {  	_ = 	snop;
	(pc) =	sbr.rel @p0 .LBB2_4-.Ltmp0, $2  }
0x23d: {  	_ =	sdelay $0x2  }
0x23e: {  	s16 =	sadd.s32 $0x1, s15  }
0x23f: {  	s18 =	smul.u32 $0xD0, s16;
	_ =	sdelay $0x1  }
0x240: {  	v31 =	vadd.s32 s18, v0;
	_ =	sdelay $0x4  }
0x241: {  	s17 =	sadd.s32 $0x68, s18;
	v31 =	vld.idx.msk [tilespmem:v31+s3+$0x0], $0xffff  }
0x242: {  	v32 =	vadd.s32 s17, v0;
	_ =	sdelay $0x1  }
0x243: {  	s19 =	sand.u32 $0x1, s16  }
0x244: {  	s17 =	sshll.u32 s19, $0xA  }
0x245: {  	[tilespmem:s17+$0x3400] =	vst v31  }
0x246: {  	s20 =	sor.u32 $0x4, s18;
	v32 =	vld.idx.msk [tilespmem:v32+s3+$0x0], $0xffff  }
0x247: {  	v33 =	vadd.s32 s20, v0;
	_ =	sdelay $0x3  }
0x248: {  	[tilespmem:s17+$0x3410] =	vst v32  }
0x249: {  	s21 =	sadd.s32 $0x6C, s18;
	v32 =	vld.idx.msk [tilespmem:v33+s3+$0x0], $0xffff  }
0x24a: {  	v39 =	vadd.s32 s21, v0;
	_ =	sdelay $0x3  }
0x24b: {  	[tilespmem:s17+$0x3480] =	vst v32  }
0x24c: {  	s21 =	sor.u32 $0x8, s18;
	v32 =	vld.idx.msk [tilespmem:v39+s3+$0x0], $0xffff  }
0x24d: {  	v40 =	vadd.s32 s21, v0;
	_ =	sdelay $0x3  }
0x24e: {  	[tilespmem:s17+$0x3490] =	vst v32  }
0x24f: {  	s21 =	sadd.s32 $0x70, s18;
	v32 =	vld.idx.msk [tilespmem:v40+s3+$0x0], $0xffff  }
0x250: {  	v41 =	vadd.s32 s21, v0;
	_ =	sdelay $0x3  }
0x251: {  	[tilespmem:s17+$0x3500] =	vst v32  }
0x252: {  	s21 =	sor.u32 $0xC, s18;
	v32 =	vld.idx.msk [tilespmem:v41+s3+$0x0], $0xffff  }
0x253: {  	v42 =	vadd.s32 s21, v0;
	_ =	sdelay $0x3  }
0x254: {  	[tilespmem:s17+$0x3510] =	vst v32  }
0x255: {  	s21 =	sadd.s32 $0x74, s18;
	v32 =	vld.idx.msk [tilespmem:v42+s3+$0x0], $0xffff  }
0x256: {  	v43 =	vadd.s32 s21, v0;
	_ =	sdelay $0x3  }
0x257: {  	[tilespmem:s17+$0x3580] =	vst v32  }
0x258: {  	s21 =	sadd.s32 $0x10, s18;
	v32 =	vld.idx.msk [tilespmem:v43+s3+$0x0], $0xffff  }
0x259: {  	v44 =	vadd.s32 s21, v0;
	_ =	sdelay $0x3  }
0x25a: {  	[tilespmem:s17+$0x3590] =	vst v32  }
0x25b: {  	s21 =	sadd.s32 $0x78, s18;
	v32 =	vld.idx.msk [tilespmem:v44+s3+$0x0], $0xffff  }
0x25c: {  	v45 =	vadd.s32 s21, v0;
	_ =	sdelay $0x3  }
0x25d: {  	[tilespmem:s17+$0x3600] =	vst v32  }
0x25e: {  	s21 =	sadd.s32 $0x14, s18;
	v32 =	vld.idx.msk [tilespmem:v45+s3+$0x0], $0xffff  }
0x25f: {  	v46 =	vadd.s32 s21, v0;
	_ =	sdelay $0x3  }
0x260: {  	[tilespmem:s17+$0x3610] =	vst v32  }
0x261: {  	s21 =	sadd.s32 $0x7C, s18;
	v32 =	vld.idx.msk [tilespmem:v46+s3+$0x0], $0xffff  }
0x262: {  	v47 =	vadd.s32 s21, v0;
	_ =	sdelay $0x3  }
0x263: {  	[tilespmem:s17+$0x3680] =	vst v32  }
0x264: {  	s18 =	sadd.s32 $0x18, s18;
	v32 =	vld.idx.msk [tilespmem:v47+s3+$0x0], $0xffff  }
0x265: {  	v48 =	vadd.s32 s18, v30;
	v34 =	vshrl.u32 v31, $0x3  }
0x266: {  	v34 =	vmul.u32 $0x38, v34  }
0x267: {  	v31 =	vand.u32 $0x7, v31  }
0x268: {  	v31 =	vor.u32 v31, v34  }
0x269: {  	v49 =	vperm.xlane v31, v15;
	[tilespmem:s17+$0x3690] =	vst v32  }
0x26a: {  	v33 =	vld.idx.msk [tilespmem:v48+s3+$0x0], $0xffff  }
0x26b: {  	v34 =	vperm.xlane v31, v17;
	v32 =	vadd.s32 v16, v49  }
0x26c: {  	s19 =	smul.u32 $0x1A000, s19  }
0x26d: {  	v35 =	vperm.xlane v31, v18;
	v34 =	vadd.s32 v16, v34  }
0x26e: {  	s18 =	sshrl.u32 s19, $0x2  }
0x26f: {  	s20 =	sadd.s32 $0x3C00, s18;
	v51 =	vperm.xlane v31, v13;
	v50 =	vadd.s32 v16, v35;
	[tilespmem:s17+$0x3700] =	vst v33  }
0x270: {  	[tilespmem:s20], [sflag:$0x1] =	stream.indirect_vreg.gather [hbm4b:s4+s3], $0x80, v32, vm0, $0xb8;
	[tilespmem:$0x12800] =	vst v63  }
0x271: {  	s21 =	sadd.s32 $0x3C80, s18;
	v53 =	vperm.xlane v31, v19;
	v52 =	vadd.s32 v16, v51  }
0x272: {  	[tilespmem:s21], [sflag:$0x1] =	stream.indirect_vreg.gather [hbm4b:s4+s3], $0x80, v34, vm0, $0xb8;
	[tilespmem:$0x12800] =	vst v63  }
0x273: {  	v55 =	vperm.xlane v31, v20;
	v54 =	vadd.s32 v16, v53;
	s20 =	sadd.s32 $0x3D00, s18  }
0x274: {  	[tilespmem:s20], [sflag:$0x1] =	stream.indirect_vreg.gather [hbm4b:s4+s3], $0x80, v50, vm0, $0xb8;
	[tilespmem:$0x12800] =	vst v63  }
0x275: {  	v57 =	vperm.xlane v31, v21;
	v56 =	vadd.s32 v16, v55;
	s21 =	sadd.s32 $0x3D80, s18  }
0x276: {  	[tilespmem:s21], [sflag:$0x1] =	stream.indirect_vreg.gather [hbm4b:s4+s3], $0x80, v52, vm0, $0xb8;
	[tilespmem:$0x12800] =	vst v63  }
0x277: {  	v59 =	vperm.xlane v31, v14;
	v58 =	vadd.s32 v16, v57;
	s20 =	sadd.s32 $0x3E00, s18  }
0x278: {  	[tilespmem:s20], [sflag:$0x1] =	stream.indirect_vreg.gather [hbm4b:s4+s3], $0x80, v54, vm0, $0xb8;
	[tilespmem:$0x12800] =	vst v63  }
0x279: {  	v61 =	vperm.xlane v31, v22;
	v60 =	vadd.s32 v16, v59;
	s21 =	sadd.s32 $0x3E80, s18  }
0x27a: {  	[tilespmem:s21], [sflag:$0x1] =	stream.indirect_vreg.gather [hbm4b:s4+s3], $0x80, v56, vm0, $0xb8;
	[tilespmem:$0x12800] =	vst v63  }
0x27b: {  	v63 =	vperm.xlane v31, v23;
	v62 =	vadd.s32 v16, v61;
	s20 =	sadd.s32 $0x3F00, s18  }
0x27c: {  	[tilespmem:s20], [sflag:$0x1] =	stream.indirect_vreg.gather [hbm4b:s4+s3], $0x80, v58, vm0, $0xb8;
	[tilespmem:$0x12800] =	vst v63  }
0x27d: {  	v37 =	vperm.xlane v31, v24;
	v36 =	vadd.s32 v16, v63;
	s21 =	sadd.s32 $0x3F80, s18  }
0x27e: {  	[tilespmem:s21], [sflag:$0x1] =	stream.indirect_vreg.gather [hbm4b:s4+s3], $0x80, v60, vm0, $0xb8;
	[tilespmem:$0x12800] =	vst v63  }
0x27f: {  	v38 =	vadd.s32 v16, v37;
	v39 =	vperm.xlane v31, v25;
	s20 =	sadd.s32 $0x4000, s18  }
0x280: {  	[tilespmem:s20], [sflag:$0x1] =	stream.indirect_vreg.gather [hbm4b:s4+s3], $0x80, v62, vm0, $0xb8;
	[tilespmem:$0x12800] =	vst v63  }
0x281: {  	v40 =	vadd.s32 v16, v39;
	v41 =	vperm.xlane v31, v26;
	s21 =	sadd.s32 $0x4080, s18  }
0x282: {  	[tilespmem:s21], [sflag:$0x1] =	stream.indirect_vreg.gather [hbm4b:s4+s3], $0x80, v36, vm0, $0xb8;
	[tilespmem:$0x12800] =	vst v63  }
0x283: {  	v42 =	vadd.s32 v16, v41;
	v43 =	vperm.xlane v31, v27;
	s20 =	sadd.s32 $0x4100, s18  }
0x284: {  	[tilespmem:s20], [sflag:$0x1] =	stream.indirect_vreg.gather [hbm4b:s4+s3], $0x80, v38, vm0, $0xb8;
	[tilespmem:$0x12800] =	vst v63  }
0x285: {  	v44 =	vadd.s32 v16, v43;
	v45 =	vperm.xlane v31, v28;
	s21 =	sadd.s32 $0x4180, s18  }
0x286: {  	[tilespmem:s21], [sflag:$0x1] =	stream.indirect_vreg.gather [hbm4b:s4+s3], $0x80, v40, vm0, $0xb8;
	[tilespmem:$0x12800] =	vst v63  }
0x287: {  	v31 =	vperm.xlane v31, v29;
	v46 =	vadd.s32 v16, v45;
	s20 =	sadd.s32 $0x4200, s18  }
0x288: {  	[tilespmem:s20], [sflag:$0x1] =	stream.indirect_vreg.gather [hbm4b:s4+s3], $0x80, v42, vm0, $0xb8;
	[tilespmem:$0x12800] =	vst v63  }
0x289: {  	v31 =	vadd.s32 v16, v31;
	s21 =	sadd.s32 $0x4280, s18  }
0x28a: {  	[tilespmem:s21], [sflag:$0x1] =	stream.indirect_vreg.gather [hbm4b:s4+s3], $0x80, v44, vm0, $0xb8;
	[tilespmem:$0x12800] =	vst v63  }
0x28b: {  	s20 =	sadd.s32 $0x4300, s18  }
0x28c: {  	[tilespmem:s20], [sflag:$0x1] =	stream.indirect_vreg.gather [hbm4b:s4+s3], $0x80, v46, vm0, $0xb8;
	[tilespmem:$0x12800] =	vst v63  }
0x28d: {  	s21 =	sadd.s32 $0x4380, s18  }
0x28e: {  	[tilespmem:s21], [sflag:$0x1] =	stream.indirect_vreg.gather [hbm4b:s4+s3], $0x80, v31, vm0, $0xb8;
	[tilespmem:$0x12800] =	vst v63  }
0x28f: {  	v31 =	vld [tilespmem:s17+$0x3410];
	_ =	sdelay $0x4  }
0x290: {  	v47 =	vshrl.u32 v31, $0x3  }
0x291: {  	v32 =	vmul.u32 $0x38, v47  }
0x292: {  	v31 =	vand.u32 $0x7, v31  }
0x293: {  	v31 =	vor.u32 v31, v32  }
0x294: {  	v32 =	vperm.xlane v31, v15;
	_ =	sdelay $0x1  }
0x295: {  	v48 =	vperm.xlane v31, v17;
	v32 =	vadd.s32 v16, v32;
	_ =	sdelay $0x1  }
0x296: {  	v49 =	vperm.xlane v31, v18;
	v33 =	vadd.s32 v16, v48;
	_ =	sdelay $0x1  }
0x297: {  	s20 =	sadd.s32 $0x4400, s18;
	v50 =	vperm.xlane v31, v13;
	v34 =	vadd.s32 v16, v49  }
0x298: {  	[tilespmem:s20], [sflag:$0x1] =	stream.indirect_vreg.gather [hbm4b:s4+s3], $0x80, v32, vm0, $0xb8;
	[tilespmem:$0x12800] =	vst v63  }
0x299: {  	s21 =	sadd.s32 $0x4480, s18;
	v52 =	vperm.xlane v31, v19;
	v51 =	vadd.s32 v16, v50  }
0x29a: {  	[tilespmem:s21], [sflag:$0x1] =	stream.indirect_vreg.gather [hbm4b:s4+s3], $0x80, v33, vm0, $0xb8;
	[tilespmem:$0x12800] =	vst v63  }
0x29b: {  	v54 =	vperm.xlane v31, v20;
	v53 =	vadd.s32 v16, v52;
	s20 =	sadd.s32 $0x4500, s18  }
0x29c: {  	[tilespmem:s20], [sflag:$0x1] =	stream.indirect_vreg.gather [hbm4b:s4+s3], $0x80, v34, vm0, $0xb8;
	[tilespmem:$0x12800] =	vst v63  }
0x29d: {  	v56 =	vperm.xlane v31, v21;
	v55 =	vadd.s32 v16, v54;
	s21 =	sadd.s32 $0x4580, s18  }
0x29e: {  	[tilespmem:s21], [sflag:$0x1] =	stream.indirect_vreg.gather [hbm4b:s4+s3], $0x80, v51, vm0, $0xb8;
	[tilespmem:$0x12800] =	vst v63  }
0x29f: {  	v58 =	vperm.xlane v31, v14;
	v57 =	vadd.s32 v16, v56;
	s20 =	sadd.s32 $0x4600, s18  }
0x2a0: {  	[tilespmem:s20], [sflag:$0x1] =	stream.indirect_vreg.gather [hbm4b:s4+s3], $0x80, v53, vm0, $0xb8;
	[tilespmem:$0x12800] =	vst v63  }
0x2a1: {  	v60 =	vperm.xlane v31, v22;
	v59 =	vadd.s32 v16, v58;
	s21 =	sadd.s32 $0x4680, s18  }
0x2a2: {  	[tilespmem:s21], [sflag:$0x1] =	stream.indirect_vreg.gather [hbm4b:s4+s3], $0x80, v55, vm0, $0xb8;
	[tilespmem:$0x12800] =	vst v63  }
0x2a3: {  	v62 =	vperm.xlane v31, v23;
	v61 =	vadd.s32 v16, v60;
	s20 =	sadd.s32 $0x4700, s18  }
0x2a4: {  	[tilespmem:s20], [sflag:$0x1] =	stream.indirect_vreg.gather [hbm4b:s4+s3], $0x80, v57, vm0, $0xb8;
	[tilespmem:$0x12800] =	vst v63  }
0x2a5: {  	v36 =	vperm.xlane v31, v24;
	v63 =	vadd.s32 v16, v62;
	s21 =	sadd.s32 $0x4780, s18  }
0x2a6: {  	[tilespmem:s21], [sflag:$0x1] =	stream.indirect_vreg.gather [hbm4b:s4+s3], $0x80, v59, vm0, $0xb8;
	[tilespmem:$0x12800] =	vst v63  }
0x2a7: {  	v38 =	vperm.xlane v31, v25;
	v37 =	vadd.s32 v16, v36;
	s20 =	sadd.s32 $0x4800, s18  }
0x2a8: {  	[tilespmem:s20], [sflag:$0x1] =	stream.indirect_vreg.gather [hbm4b:s4+s3], $0x80, v61, vm0, $0xb8;
	[tilespmem:$0x12800] =	vst v63  }
0x2a9: {  	v40 =	vperm.xlane v31, v26;
	v39 =	vadd.s32 v16, v38;
	s21 =	sadd.s32 $0x4880, s18  }
0x2aa: {  	[tilespmem:s21], [sflag:$0x1] =	stream.indirect_vreg.gather [hbm4b:s4+s3], $0x80, v63, vm0, $0xb8;
	[tilespmem:$0x12800] =	vst v63  }
0x2ab: {  	v42 =	vperm.xlane v31, v27;
	v41 =	vadd.s32 v16, v40;
	s20 =	sadd.s32 $0x4900, s18  }
0x2ac: {  	[tilespmem:s20], [sflag:$0x1] =	stream.indirect_vreg.gather [hbm4b:s4+s3], $0x80, v37, vm0, $0xb8;
	[tilespmem:$0x12800] =	vst v63  }
0x2ad: {  	v44 =	vperm.xlane v31, v28;
	v43 =	vadd.s32 v16, v42;
	s21 =	sadd.s32 $0x4980, s18  }
0x2ae: {  	[tilespmem:s21], [sflag:$0x1] =	stream.indirect_vreg.gather [hbm4b:s4+s3], $0x80, v39, vm0, $0xb8;
	[tilespmem:$0x12800] =	vst v63  }
0x2af: {  	v31 =	vperm.xlane v31, v29;
	v45 =	vadd.s32 v16, v44;
	s20 =	sadd.s32 $0x4A00, s18  }
0x2b0: {  	[tilespmem:s20], [sflag:$0x1] =	stream.indirect_vreg.gather [hbm4b:s4+s3], $0x80, v41, vm0, $0xb8;
	[tilespmem:$0x12800] =	vst v63  }
0x2b1: {  	v31 =	vadd.s32 v16, v31;
	s21 =	sadd.s32 $0x4A80, s18  }
0x2b2: {  	[tilespmem:s21], [sflag:$0x1] =	stream.indirect_vreg.gather [hbm4b:s4+s3], $0x80, v43, vm0, $0xb8;
	[tilespmem:$0x12800] =	vst v63  }
0x2b3: {  	s20 =	sadd.s32 $0x4B00, s18  }
0x2b4: {  	[tilespmem:s20], [sflag:$0x1] =	stream.indirect_vreg.gather [hbm4b:s4+s3], $0x80, v45, vm0, $0xb8;
	[tilespmem:$0x12800] =	vst v63  }
0x2b5: {  	s21 =	sadd.s32 $0x4B80, s18  }
0x2b6: {  	[tilespmem:s21], [sflag:$0x1] =	stream.indirect_vreg.gather [hbm4b:s4+s3], $0x80, v31, vm0, $0xb8;
	[tilespmem:$0x12800] =	vst v63  }
0x2b7: {  	v31 =	vld [tilespmem:s17+$0x3480];
	_ =	sdelay $0x4  }
0x2b8: {  	v46 =	vshrl.u32 v31, $0x3  }
0x2b9: {  	v32 =	vmul.u32 $0x38, v46  }
0x2ba: {  	v31 =	vand.u32 $0x7, v31  }
0x2bb: {  	v31 =	vor.u32 v31, v32  }
0x2bc: {  	v32 =	vperm.xlane v31, v15;
	_ =	sdelay $0x1  }
0x2bd: {  	v47 =	vperm.xlane v31, v17;
	v32 =	vadd.s32 v16, v32;
	_ =	sdelay $0x1  }
0x2be: {  	v48 =	vperm.xlane v31, v18;
	v33 =	vadd.s32 v16, v47;
	_ =	sdelay $0x1  }
0x2bf: {  	s20 =	sadd.s32 $0x4C00, s18;
	v49 =	vperm.xlane v31, v13;
	v34 =	vadd.s32 v16, v48  }
0x2c0: {  	[tilespmem:s20], [sflag:$0x1] =	stream.indirect_vreg.gather [hbm4b:s7+s3], $0x80, v32, vm0, $0xb8;
	[tilespmem:$0x12800] =	vst v63  }
0x2c1: {  	s21 =	sadd.s32 $0x4C80, s18;
	v51 =	vperm.xlane v31, v19;
	v50 =	vadd.s32 v16, v49  }
0x2c2: {  	[tilespmem:s21], [sflag:$0x1] =	stream.indirect_vreg.gather [hbm4b:s7+s3], $0x80, v33, vm0, $0xb8;
	[tilespmem:$0x12800] =	vst v63  }
0x2c3: {  	v53 =	vperm.xlane v31, v20;
	v52 =	vadd.s32 v16, v51;
	s20 =	sadd.s32 $0x4D00, s18  }
0x2c4: {  	[tilespmem:s20], [sflag:$0x1] =	stream.indirect_vreg.gather [hbm4b:s7+s3], $0x80, v34, vm0, $0xb8;
	[tilespmem:$0x12800] =	vst v63  }
0x2c5: {  	v55 =	vperm.xlane v31, v21;
	v54 =	vadd.s32 v16, v53;
	s21 =	sadd.s32 $0x4D80, s18  }
0x2c6: {  	[tilespmem:s21], [sflag:$0x1] =	stream.indirect_vreg.gather [hbm4b:s7+s3], $0x80, v50, vm0, $0xb8;
	[tilespmem:$0x12800] =	vst v63  }
0x2c7: {  	v57 =	vperm.xlane v31, v14;
	v56 =	vadd.s32 v16, v55;
	s20 =	sadd.s32 $0x4E00, s18  }
0x2c8: {  	[tilespmem:s20], [sflag:$0x1] =	stream.indirect_vreg.gather [hbm4b:s7+s3], $0x80, v52, vm0, $0xb8;
	[tilespmem:$0x12800] =	vst v63  }
0x2c9: {  	v59 =	vperm.xlane v31, v22;
	v58 =	vadd.s32 v16, v57;
	s21 =	sadd.s32 $0x4E80, s18  }
0x2ca: {  	[tilespmem:s21], [sflag:$0x1] =	stream.indirect_vreg.gather [hbm4b:s7+s3], $0x80, v54, vm0, $0xb8;
	[tilespmem:$0x12800] =	vst v63  }
0x2cb: {  	v61 =	vperm.xlane v31, v23;
	v60 =	vadd.s32 v16, v59;
	s20 =	sadd.s32 $0x4F00, s18  }
0x2cc: {  	[tilespmem:s20], [sflag:$0x1] =	stream.indirect_vreg.gather [hbm4b:s7+s3], $0x80, v56, vm0, $0xb8;
	[tilespmem:$0x12800] =	vst v63  }
0x2cd: {  	v63 =	vperm.xlane v31, v24;
	v62 =	vadd.s32 v16, v61;
	s21 =	sadd.s32 $0x4F80, s18  }
0x2ce: {  	[tilespmem:s21], [sflag:$0x1] =	stream.indirect_vreg.gather [hbm4b:s7+s3], $0x80, v58, vm0, $0xb8;
	[tilespmem:$0x12800] =	vst v63  }
0x2cf: {  	v37 =	vperm.xlane v31, v25;
	v36 =	vadd.s32 v16, v63;
	s20 =	sadd.s32 $0x5000, s18  }
0x2d0: {  	[tilespmem:s20], [sflag:$0x1] =	stream.indirect_vreg.gather [hbm4b:s7+s3], $0x80, v60, vm0, $0xb8;
	[tilespmem:$0x12800] =	vst v63  }
0x2d1: {  	v39 =	vperm.xlane v31, v26;
	v38 =	vadd.s32 v16, v37;
	s21 =	sadd.s32 $0x5080, s18  }
0x2d2: {  	[tilespmem:s21], [sflag:$0x1] =	stream.indirect_vreg.gather [hbm4b:s7+s3], $0x80, v62, vm0, $0xb8;
	[tilespmem:$0x12800] =	vst v63  }
0x2d3: {  	v41 =	vperm.xlane v31, v27;
	v40 =	vadd.s32 v16, v39;
	s20 =	sadd.s32 $0x5100, s18  }
0x2d4: {  	[tilespmem:s20], [sflag:$0x1] =	stream.indirect_vreg.gather [hbm4b:s7+s3], $0x80, v36, vm0, $0xb8;
	[tilespmem:$0x12800] =	vst v63  }
0x2d5: {  	v43 =	vperm.xlane v31, v28;
	v42 =	vadd.s32 v16, v41;
	s21 =	sadd.s32 $0x5180, s18  }
0x2d6: {  	[tilespmem:s21], [sflag:$0x1] =	stream.indirect_vreg.gather [hbm4b:s7+s3], $0x80, v38, vm0, $0xb8;
	[tilespmem:$0x12800] =	vst v63  }
0x2d7: {  	v31 =	vperm.xlane v31, v29;
	v44 =	vadd.s32 v16, v43;
	s20 =	sadd.s32 $0x5200, s18  }
0x2d8: {  	[tilespmem:s20], [sflag:$0x1] =	stream.indirect_vreg.gather [hbm4b:s7+s3], $0x80, v40, vm0, $0xb8;
	[tilespmem:$0x12800] =	vst v63  }
0x2d9: {  	v31 =	vadd.s32 v16, v31;
	s21 =	sadd.s32 $0x5280, s18  }
0x2da: {  	[tilespmem:s21], [sflag:$0x1] =	stream.indirect_vreg.gather [hbm4b:s7+s3], $0x80, v42, vm0, $0xb8;
	[tilespmem:$0x12800] =	vst v63  }
0x2db: {  	s20 =	sadd.s32 $0x5300, s18  }
0x2dc: {  	[tilespmem:s20], [sflag:$0x1] =	stream.indirect_vreg.gather [hbm4b:s7+s3], $0x80, v44, vm0, $0xb8;
	[tilespmem:$0x12800] =	vst v63  }
0x2dd: {  	s21 =	sadd.s32 $0x5380, s18  }
0x2de: {  	[tilespmem:s21], [sflag:$0x1] =	stream.indirect_vreg.gather [hbm4b:s7+s3], $0x80, v31, vm0, $0xb8;
	[tilespmem:$0x12800] =	vst v63  }
0x2df: {  	v31 =	vld [tilespmem:s17+$0x3490];
	_ =	sdelay $0x4  }
0x2e0: {  	v45 =	vshrl.u32 v31, $0x3  }
0x2e1: {  	v32 =	vmul.u32 $0x38, v45  }
0x2e2: {  	v31 =	vand.u32 $0x7, v31  }
0x2e3: {  	v31 =	vor.u32 v31, v32  }
0x2e4: {  	v32 =	vperm.xlane v31, v15;
	_ =	sdelay $0x1  }
0x2e5: {  	v46 =	vperm.xlane v31, v17;
	v32 =	vadd.s32 v16, v32;
	_ =	sdelay $0x1  }
0x2e6: {  	v47 =	vperm.xlane v31, v18;
	v33 =	vadd.s32 v16, v46;
	_ =	sdelay $0x1  }
0x2e7: {  	s20 =	sadd.s32 $0x5400, s18;
	v48 =	vperm.xlane v31, v13;
	v34 =	vadd.s32 v16, v47  }
0x2e8: {  	[tilespmem:s20], [sflag:$0x1] =	stream.indirect_vreg.gather [hbm4b:s7+s3], $0x80, v32, vm0, $0xb8;
	[tilespmem:$0x12800] =	vst v63  }
0x2e9: {  	s21 =	sadd.s32 $0x5480, s18;
	v50 =	vperm.xlane v31, v19;
	v49 =	vadd.s32 v16, v48  }
0x2ea: {  	[tilespmem:s21], [sflag:$0x1] =	stream.indirect_vreg.gather [hbm4b:s7+s3], $0x80, v33, vm0, $0xb8;
	[tilespmem:$0x12800] =	vst v63  }
0x2eb: {  	v52 =	vperm.xlane v31, v20;
	v51 =	vadd.s32 v16, v50;
	s20 =	sadd.s32 $0x5500, s18  }
0x2ec: {  	[tilespmem:s20], [sflag:$0x1] =	stream.indirect_vreg.gather [hbm4b:s7+s3], $0x80, v34, vm0, $0xb8;
	[tilespmem:$0x12800] =	vst v63  }
0x2ed: {  	v54 =	vperm.xlane v31, v21;
	v53 =	vadd.s32 v16, v52;
	s21 =	sadd.s32 $0x5580, s18  }
0x2ee: {  	[tilespmem:s21], [sflag:$0x1] =	stream.indirect_vreg.gather [hbm4b:s7+s3], $0x80, v49, vm0, $0xb8;
	[tilespmem:$0x12800] =	vst v63  }
0x2ef: {  	v56 =	vperm.xlane v31, v14;
	v55 =	vadd.s32 v16, v54;
	s20 =	sadd.s32 $0x5600, s18  }
0x2f0: {  	[tilespmem:s20], [sflag:$0x1] =	stream.indirect_vreg.gather [hbm4b:s7+s3], $0x80, v51, vm0, $0xb8;
	[tilespmem:$0x12800] =	vst v63  }
0x2f1: {  	v58 =	vperm.xlane v31, v22;
	v57 =	vadd.s32 v16, v56;
	s21 =	sadd.s32 $0x5680, s18  }
0x2f2: {  	[tilespmem:s21], [sflag:$0x1] =	stream.indirect_vreg.gather [hbm4b:s7+s3], $0x80, v53, vm0, $0xb8;
	[tilespmem:$0x12800] =	vst v63  }
0x2f3: {  	v60 =	vperm.xlane v31, v23;
	v59 =	vadd.s32 v16, v58;
	s20 =	sadd.s32 $0x5700, s18  }
0x2f4: {  	[tilespmem:s20], [sflag:$0x1] =	stream.indirect_vreg.gather [hbm4b:s7+s3], $0x80, v55, vm0, $0xb8;
	[tilespmem:$0x12800] =	vst v63  }
0x2f5: {  	v62 =	vperm.xlane v31, v24;
	v61 =	vadd.s32 v16, v60;
	s21 =	sadd.s32 $0x5780, s18  }
0x2f6: {  	[tilespmem:s21], [sflag:$0x1] =	stream.indirect_vreg.gather [hbm4b:s7+s3], $0x80, v57, vm0, $0xb8;
	[tilespmem:$0x12800] =	vst v63  }
0x2f7: {  	v36 =	vperm.xlane v31, v25;
	v63 =	vadd.s32 v16, v62;
	s20 =	sadd.s32 $0x5800, s18  }
0x2f8: {  	[tilespmem:s20], [sflag:$0x1] =	stream.indirect_vreg.gather [hbm4b:s7+s3], $0x80, v59, vm0, $0xb8;
	[tilespmem:$0x12800] =	vst v63  }
0x2f9: {  	v38 =	vperm.xlane v31, v26;
	v37 =	vadd.s32 v16, v36;
	s21 =	sadd.s32 $0x5880, s18  }
0x2fa: {  	[tilespmem:s21], [sflag:$0x1] =	stream.indirect_vreg.gather [hbm4b:s7+s3], $0x80, v61, vm0, $0xb8;
	[tilespmem:$0x12800] =	vst v63  }
0x2fb: {  	v40 =	vperm.xlane v31, v27;
	v39 =	vadd.s32 v16, v38;
	s20 =	sadd.s32 $0x5900, s18  }
0x2fc: {  	[tilespmem:s20], [sflag:$0x1] =	stream.indirect_vreg.gather [hbm4b:s7+s3], $0x80, v63, vm0, $0xb8;
	[tilespmem:$0x12800] =	vst v63  }
0x2fd: {  	v42 =	vperm.xlane v31, v28;
	v41 =	vadd.s32 v16, v40;
	s21 =	sadd.s32 $0x5980, s18  }
0x2fe: {  	[tilespmem:s21], [sflag:$0x1] =	stream.indirect_vreg.gather [hbm4b:s7+s3], $0x80, v37, vm0, $0xb8;
	[tilespmem:$0x12800] =	vst v63  }
0x2ff: {  	v31 =	vperm.xlane v31, v29;
	v43 =	vadd.s32 v16, v42;
	s20 =	sadd.s32 $0x5A00, s18  }
0x300: {  	[tilespmem:s20], [sflag:$0x1] =	stream.indirect_vreg.gather [hbm4b:s7+s3], $0x80, v39, vm0, $0xb8;
	[tilespmem:$0x12800] =	vst v63  }
0x301: {  	v31 =	vadd.s32 v16, v31;
	s21 =	sadd.s32 $0x5A80, s18  }
0x302: {  	[tilespmem:s21], [sflag:$0x1] =	stream.indirect_vreg.gather [hbm4b:s7+s3], $0x80, v41, vm0, $0xb8;
	[tilespmem:$0x12800] =	vst v63  }
0x303: {  	s20 =	sadd.s32 $0x5B00, s18  }
0x304: {  	[tilespmem:s20], [sflag:$0x1] =	stream.indirect_vreg.gather [hbm4b:s7+s3], $0x80, v43, vm0, $0xb8;
	[tilespmem:$0x12800] =	vst v63  }
0x305: {  	s21 =	sadd.s32 $0x5B80, s18  }
0x306: {  	[tilespmem:s21], [sflag:$0x1] =	stream.indirect_vreg.gather [hbm4b:s7+s3], $0x80, v31, vm0, $0xb8;
	[tilespmem:$0x12800] =	vst v63  }
0x307: {  	v31 =	vld [tilespmem:s17+$0x3500];
	_ =	sdelay $0x4  }
0x308: {  	v44 =	vshrl.u32 v31, $0x3  }
0x309: {  	v32 =	vmul.u32 $0x38, v44  }
0x30a: {  	v31 =	vand.u32 $0x7, v31  }
0x30b: {  	v31 =	vor.u32 v31, v32  }
0x30c: {  	v32 =	vperm.xlane v31, v15;
	_ =	sdelay $0x1  }
0x30d: {  	v45 =	vperm.xlane v31, v17;
	v32 =	vadd.s32 v16, v32;
	_ =	sdelay $0x1  }
0x30e: {  	v46 =	vperm.xlane v31, v18;
	v33 =	vadd.s32 v16, v45;
	_ =	sdelay $0x1  }
0x30f: {  	s20 =	sadd.s32 $0x5C00, s18;
	v47 =	vperm.xlane v31, v13;
	v34 =	vadd.s32 v16, v46  }
0x310: {  	[tilespmem:s20], [sflag:$0x1] =	stream.indirect_vreg.gather [hbm4b:s8+s3], $0x80, v32, vm0, $0xb8;
	[tilespmem:$0x12800] =	vst v63  }
0x311: {  	s21 =	sadd.s32 $0x5C80, s18;
	v49 =	vperm.xlane v31, v19;
	v48 =	vadd.s32 v16, v47  }
0x312: {  	[tilespmem:s21], [sflag:$0x1] =	stream.indirect_vreg.gather [hbm4b:s8+s3], $0x80, v33, vm0, $0xb8;
	[tilespmem:$0x12800] =	vst v63  }
0x313: {  	v51 =	vperm.xlane v31, v20;
	v50 =	vadd.s32 v16, v49;
	s20 =	sadd.s32 $0x5D00, s18  }
0x314: {  	[tilespmem:s20], [sflag:$0x1] =	stream.indirect_vreg.gather [hbm4b:s8+s3], $0x80, v34, vm0, $0xb8;
	[tilespmem:$0x12800] =	vst v63  }
0x315: {  	v53 =	vperm.xlane v31, v21;
	v52 =	vadd.s32 v16, v51;
	s21 =	sadd.s32 $0x5D80, s18  }
0x316: {  	[tilespmem:s21], [sflag:$0x1] =	stream.indirect_vreg.gather [hbm4b:s8+s3], $0x80, v48, vm0, $0xb8;
	[tilespmem:$0x12800] =	vst v63  }
0x317: {  	v55 =	vperm.xlane v31, v14;
	v54 =	vadd.s32 v16, v53;
	s20 =	sadd.s32 $0x5E00, s18  }
0x318: {  	[tilespmem:s20], [sflag:$0x1] =	stream.indirect_vreg.gather [hbm4b:s8+s3], $0x80, v50, vm0, $0xb8;
	[tilespmem:$0x12800] =	vst v63  }
0x319: {  	v57 =	vperm.xlane v31, v22;
	v56 =	vadd.s32 v16, v55;
	s21 =	sadd.s32 $0x5E80, s18  }
0x31a: {  	[tilespmem:s21], [sflag:$0x1] =	stream.indirect_vreg.gather [hbm4b:s8+s3], $0x80, v52, vm0, $0xb8;
	[tilespmem:$0x12800] =	vst v63  }
0x31b: {  	v59 =	vperm.xlane v31, v23;
	v58 =	vadd.s32 v16, v57;
	s20 =	sadd.s32 $0x5F00, s18  }
0x31c: {  	[tilespmem:s20], [sflag:$0x1] =	stream.indirect_vreg.gather [hbm4b:s8+s3], $0x80, v54, vm0, $0xb8;
	[tilespmem:$0x12800] =	vst v63  }
0x31d: {  	v61 =	vperm.xlane v31, v24;
	v60 =	vadd.s32 v16, v59;
	s21 =	sadd.s32 $0x5F80, s18  }
0x31e: {  	[tilespmem:s21], [sflag:$0x1] =	stream.indirect_vreg.gather [hbm4b:s8+s3], $0x80, v56, vm0, $0xb8;
	[tilespmem:$0x12800] =	vst v63  }
0x31f: {  	v63 =	vperm.xlane v31, v25;
	v62 =	vadd.s32 v16, v61;
	s20 =	sadd.s32 $0x6000, s18  }
0x320: {  	[tilespmem:s20], [sflag:$0x1] =	stream.indirect_vreg.gather [hbm4b:s8+s3], $0x80, v58, vm0, $0xb8;
	[tilespmem:$0x12800] =	vst v63  }
0x321: {  	v37 =	vperm.xlane v31, v26;
	v36 =	vadd.s32 v16, v63;
	s21 =	sadd.s32 $0x6080, s18  }
0x322: {  	[tilespmem:s21], [sflag:$0x1] =	stream.indirect_vreg.gather [hbm4b:s8+s3], $0x80, v60, vm0, $0xb8;
	[tilespmem:$0x12800] =	vst v63  }
0x323: {  	v39 =	vperm.xlane v31, v27;
	v38 =	vadd.s32 v16, v37;
	s20 =	sadd.s32 $0x6100, s18  }
0x324: {  	[tilespmem:s20], [sflag:$0x1] =	stream.indirect_vreg.gather [hbm4b:s8+s3], $0x80, v62, vm0, $0xb8;
	[tilespmem:$0x12800] =	vst v63  }
0x325: {  	v41 =	vperm.xlane v31, v28;
	v40 =	vadd.s32 v16, v39;
	s21 =	sadd.s32 $0x6180, s18  }
0x326: {  	[tilespmem:s21], [sflag:$0x1] =	stream.indirect_vreg.gather [hbm4b:s8+s3], $0x80, v36, vm0, $0xb8;
	[tilespmem:$0x12800] =	vst v63  }
0x327: {  	v31 =	vperm.xlane v31, v29;
	v42 =	vadd.s32 v16, v41;
	s20 =	sadd.s32 $0x6200, s18  }
0x328: {  	[tilespmem:s20], [sflag:$0x1] =	stream.indirect_vreg.gather [hbm4b:s8+s3], $0x80, v38, vm0, $0xb8;
	[tilespmem:$0x12800] =	vst v63  }
0x329: {  	v31 =	vadd.s32 v16, v31;
	s21 =	sadd.s32 $0x6280, s18  }
0x32a: {  	[tilespmem:s21], [sflag:$0x1] =	stream.indirect_vreg.gather [hbm4b:s8+s3], $0x80, v40, vm0, $0xb8;
	[tilespmem:$0x12800] =	vst v63  }
0x32b: {  	s20 =	sadd.s32 $0x6300, s18  }
0x32c: {  	[tilespmem:s20], [sflag:$0x1] =	stream.indirect_vreg.gather [hbm4b:s8+s3], $0x80, v42, vm0, $0xb8;
	[tilespmem:$0x12800] =	vst v63  }
0x32d: {  	s21 =	sadd.s32 $0x6380, s18  }
0x32e: {  	[tilespmem:s21], [sflag:$0x1] =	stream.indirect_vreg.gather [hbm4b:s8+s3], $0x80, v31, vm0, $0xb8;
	[tilespmem:$0x12800] =	vst v63  }
0x32f: {  	v31 =	vld [tilespmem:s17+$0x3510];
	_ =	sdelay $0x4  }
0x330: {  	v43 =	vshrl.u32 v31, $0x3  }
0x331: {  	v32 =	vmul.u32 $0x38, v43  }
0x332: {  	v31 =	vand.u32 $0x7, v31  }
0x333: {  	v31 =	vor.u32 v31, v32  }
0x334: {  	v32 =	vperm.xlane v31, v15;
	_ =	sdelay $0x1  }
0x335: {  	v44 =	vperm.xlane v31, v17;
	v32 =	vadd.s32 v16, v32;
	_ =	sdelay $0x1  }
0x336: {  	v45 =	vperm.xlane v31, v18;
	v33 =	vadd.s32 v16, v44;
	_ =	sdelay $0x1  }
0x337: {  	s20 =	sadd.s32 $0x6400, s18;
	v46 =	vperm.xlane v31, v13;
	v34 =	vadd.s32 v16, v45  }
0x338: {  	[tilespmem:s20], [sflag:$0x1] =	stream.indirect_vreg.gather [hbm4b:s8+s3], $0x80, v32, vm0, $0xb8;
	[tilespmem:$0x12800] =	vst v63  }
0x339: {  	s21 =	sadd.s32 $0x6480, s18;
	v48 =	vperm.xlane v31, v19;
	v47 =	vadd.s32 v16, v46  }
0x33a: {  	[tilespmem:s21], [sflag:$0x1] =	stream.indirect_vreg.gather [hbm4b:s8+s3], $0x80, v33, vm0, $0xb8;
	[tilespmem:$0x12800] =	vst v63  }
0x33b: {  	v50 =	vperm.xlane v31, v20;
	v49 =	vadd.s32 v16, v48;
	s20 =	sadd.s32 $0x6500, s18  }
0x33c: {  	[tilespmem:s20], [sflag:$0x1] =	stream.indirect_vreg.gather [hbm4b:s8+s3], $0x80, v34, vm0, $0xb8;
	[tilespmem:$0x12800] =	vst v63  }
0x33d: {  	v52 =	vperm.xlane v31, v21;
	v51 =	vadd.s32 v16, v50;
	s21 =	sadd.s32 $0x6580, s18  }
0x33e: {  	[tilespmem:s21], [sflag:$0x1] =	stream.indirect_vreg.gather [hbm4b:s8+s3], $0x80, v47, vm0, $0xb8;
	[tilespmem:$0x12800] =	vst v63  }
0x33f: {  	v54 =	vperm.xlane v31, v14;
	v53 =	vadd.s32 v16, v52;
	s20 =	sadd.s32 $0x6600, s18  }
0x340: {  	[tilespmem:s20], [sflag:$0x1] =	stream.indirect_vreg.gather [hbm4b:s8+s3], $0x80, v49, vm0, $0xb8;
	[tilespmem:$0x12800] =	vst v63  }
0x341: {  	v56 =	vperm.xlane v31, v22;
	v55 =	vadd.s32 v16, v54;
	s21 =	sadd.s32 $0x6680, s18  }
0x342: {  	[tilespmem:s21], [sflag:$0x1] =	stream.indirect_vreg.gather [hbm4b:s8+s3], $0x80, v51, vm0, $0xb8;
	[tilespmem:$0x12800] =	vst v63  }
0x343: {  	v58 =	vperm.xlane v31, v23;
	v57 =	vadd.s32 v16, v56;
	s20 =	sadd.s32 $0x6700, s18  }
0x344: {  	[tilespmem:s20], [sflag:$0x1] =	stream.indirect_vreg.gather [hbm4b:s8+s3], $0x80, v53, vm0, $0xb8;
	[tilespmem:$0x12800] =	vst v63  }
0x345: {  	v60 =	vperm.xlane v31, v24;
	v59 =	vadd.s32 v16, v58;
	s21 =	sadd.s32 $0x6780, s18  }
0x346: {  	[tilespmem:s21], [sflag:$0x1] =	stream.indirect_vreg.gather [hbm4b:s8+s3], $0x80, v55, vm0, $0xb8;
	[tilespmem:$0x12800] =	vst v63  }
0x347: {  	v62 =	vperm.xlane v31, v25;
	v61 =	vadd.s32 v16, v60;
	s20 =	sadd.s32 $0x6800, s18  }
0x348: {  	[tilespmem:s20], [sflag:$0x1] =	stream.indirect_vreg.gather [hbm4b:s8+s3], $0x80, v57, vm0, $0xb8;
	[tilespmem:$0x12800] =	vst v63  }
0x349: {  	v36 =	vperm.xlane v31, v26;
	v63 =	vadd.s32 v16, v62;
	s21 =	sadd.s32 $0x6880, s18  }
0x34a: {  	[tilespmem:s21], [sflag:$0x1] =	stream.indirect_vreg.gather [hbm4b:s8+s3], $0x80, v59, vm0, $0xb8;
	[tilespmem:$0x12800] =	vst v63  }
0x34b: {  	v38 =	vperm.xlane v31, v27;
	v37 =	vadd.s32 v16, v36;
	s20 =	sadd.s32 $0x6900, s18  }
0x34c: {  	[tilespmem:s20], [sflag:$0x1] =	stream.indirect_vreg.gather [hbm4b:s8+s3], $0x80, v61, vm0, $0xb8;
	[tilespmem:$0x12800] =	vst v63  }
0x34d: {  	v40 =	vperm.xlane v31, v28;
	v39 =	vadd.s32 v16, v38;
	s21 =	sadd.s32 $0x6980, s18  }
0x34e: {  	[tilespmem:s21], [sflag:$0x1] =	stream.indirect_vreg.gather [hbm4b:s8+s3], $0x80, v63, vm0, $0xb8;
	[tilespmem:$0x12800] =	vst v63  }
0x34f: {  	v31 =	vperm.xlane v31, v29;
	v41 =	vadd.s32 v16, v40;
	s20 =	sadd.s32 $0x6A00, s18  }
0x350: {  	[tilespmem:s20], [sflag:$0x1] =	stream.indirect_vreg.gather [hbm4b:s8+s3], $0x80, v37, vm0, $0xb8;
	[tilespmem:$0x12800] =	vst v63  }
0x351: {  	v31 =	vadd.s32 v16, v31;
	s21 =	sadd.s32 $0x6A80, s18  }
0x352: {  	[tilespmem:s21], [sflag:$0x1] =	stream.indirect_vreg.gather [hbm4b:s8+s3], $0x80, v39, vm0, $0xb8;
	[tilespmem:$0x12800] =	vst v63  }
0x353: {  	s20 =	sadd.s32 $0x6B00, s18  }
0x354: {  	[tilespmem:s20], [sflag:$0x1] =	stream.indirect_vreg.gather [hbm4b:s8+s3], $0x80, v41, vm0, $0xb8;
	[tilespmem:$0x12800] =	vst v63  }
0x355: {  	s21 =	sadd.s32 $0x6B80, s18  }
0x356: {  	[tilespmem:s21], [sflag:$0x1] =	stream.indirect_vreg.gather [hbm4b:s8+s3], $0x80, v31, vm0, $0xb8;
	[tilespmem:$0x12800] =	vst v63  }
0x357: {  	v31 =	vld [tilespmem:s17+$0x3580];
	_ =	sdelay $0x4  }
0x358: {  	v42 =	vshrl.u32 v31, $0x3  }
0x359: {  	v32 =	vmul.u32 $0x38, v42  }
0x35a: {  	v31 =	vand.u32 $0x7, v31  }
0x35b: {  	v31 =	vor.u32 v31, v32  }
0x35c: {  	v32 =	vperm.xlane v31, v15;
	_ =	sdelay $0x1  }
0x35d: {  	v43 =	vperm.xlane v31, v17;
	v32 =	vadd.s32 v16, v32;
	_ =	sdelay $0x1  }
0x35e: {  	v44 =	vperm.xlane v31, v18;
	v33 =	vadd.s32 v16, v43;
	_ =	sdelay $0x1  }
0x35f: {  	s20 =	sadd.s32 $0x6C00, s18;
	v45 =	vperm.xlane v31, v13;
	v34 =	vadd.s32 v16, v44  }
0x360: {  	[tilespmem:s20], [sflag:$0x1] =	stream.indirect_vreg.gather [hbm4b:s9+s3], $0x80, v32, vm0, $0xb8;
	[tilespmem:$0x12800] =	vst v63  }
0x361: {  	s21 =	sadd.s32 $0x6C80, s18;
	v47 =	vperm.xlane v31, v19;
	v46 =	vadd.s32 v16, v45  }
0x362: {  	[tilespmem:s21], [sflag:$0x1] =	stream.indirect_vreg.gather [hbm4b:s9+s3], $0x80, v33, vm0, $0xb8;
	[tilespmem:$0x12800] =	vst v63  }
0x363: {  	v49 =	vperm.xlane v31, v20;
	v48 =	vadd.s32 v16, v47;
	s20 =	sadd.s32 $0x6D00, s18  }
0x364: {  	[tilespmem:s20], [sflag:$0x1] =	stream.indirect_vreg.gather [hbm4b:s9+s3], $0x80, v34, vm0, $0xb8;
	[tilespmem:$0x12800] =	vst v63  }
0x365: {  	v51 =	vperm.xlane v31, v21;
	v50 =	vadd.s32 v16, v49;
	s21 =	sadd.s32 $0x6D80, s18  }
0x366: {  	[tilespmem:s21], [sflag:$0x1] =	stream.indirect_vreg.gather [hbm4b:s9+s3], $0x80, v46, vm0, $0xb8;
	[tilespmem:$0x12800] =	vst v63  }
0x367: {  	v53 =	vperm.xlane v31, v14;
	v52 =	vadd.s32 v16, v51;
	s20 =	sadd.s32 $0x6E00, s18  }
0x368: {  	[tilespmem:s20], [sflag:$0x1] =	stream.indirect_vreg.gather [hbm4b:s9+s3], $0x80, v48, vm0, $0xb8;
	[tilespmem:$0x12800] =	vst v63  }
0x369: {  	v55 =	vperm.xlane v31, v22;
	v54 =	vadd.s32 v16, v53;
	s21 =	sadd.s32 $0x6E80, s18  }
0x36a: {  	[tilespmem:s21], [sflag:$0x1] =	stream.indirect_vreg.gather [hbm4b:s9+s3], $0x80, v50, vm0, $0xb8;
	[tilespmem:$0x12800] =	vst v63  }
0x36b: {  	v57 =	vperm.xlane v31, v23;
	v56 =	vadd.s32 v16, v55;
	s20 =	sadd.s32 $0x6F00, s18  }
0x36c: {  	[tilespmem:s20], [sflag:$0x1] =	stream.indirect_vreg.gather [hbm4b:s9+s3], $0x80, v52, vm0, $0xb8;
	[tilespmem:$0x12800] =	vst v63  }
0x36d: {  	v59 =	vperm.xlane v31, v24;
	v58 =	vadd.s32 v16, v57;
	s21 =	sadd.s32 $0x6F80, s18  }
0x36e: {  	[tilespmem:s21], [sflag:$0x1] =	stream.indirect_vreg.gather [hbm4b:s9+s3], $0x80, v54, vm0, $0xb8;
	[tilespmem:$0x12800] =	vst v63  }
0x36f: {  	v61 =	vperm.xlane v31, v25;
	v60 =	vadd.s32 v16, v59;
	s20 =	sadd.s32 $0x7000, s18  }
0x370: {  	[tilespmem:s20], [sflag:$0x1] =	stream.indirect_vreg.gather [hbm4b:s9+s3], $0x80, v56, vm0, $0xb8;
	[tilespmem:$0x12800] =	vst v63  }
0x371: {  	v63 =	vperm.xlane v31, v26;
	v62 =	vadd.s32 v16, v61;
	s21 =	sadd.s32 $0x7080, s18  }
0x372: {  	[tilespmem:s21], [sflag:$0x1] =	stream.indirect_vreg.gather [hbm4b:s9+s3], $0x80, v58, vm0, $0xb8;
	[tilespmem:$0x12800] =	vst v63  }
0x373: {  	v37 =	vperm.xlane v31, v27;
	v36 =	vadd.s32 v16, v63;
	s20 =	sadd.s32 $0x7100, s18  }
0x374: {  	[tilespmem:s20], [sflag:$0x1] =	stream.indirect_vreg.gather [hbm4b:s9+s3], $0x80, v60, vm0, $0xb8;
	[tilespmem:$0x12800] =	vst v63  }
0x375: {  	v39 =	vperm.xlane v31, v28;
	v38 =	vadd.s32 v16, v37;
	s21 =	sadd.s32 $0x7180, s18  }
0x376: {  	[tilespmem:s21], [sflag:$0x1] =	stream.indirect_vreg.gather [hbm4b:s9+s3], $0x80, v62, vm0, $0xb8;
	[tilespmem:$0x12800] =	vst v63  }
0x377: {  	v31 =	vperm.xlane v31, v29;
	v40 =	vadd.s32 v16, v39;
	s20 =	sadd.s32 $0x7200, s18  }
0x378: {  	[tilespmem:s20], [sflag:$0x1] =	stream.indirect_vreg.gather [hbm4b:s9+s3], $0x80, v36, vm0, $0xb8;
	[tilespmem:$0x12800] =	vst v63  }
0x379: {  	v31 =	vadd.s32 v16, v31;
	s21 =	sadd.s32 $0x7280, s18  }
0x37a: {  	[tilespmem:s21], [sflag:$0x1] =	stream.indirect_vreg.gather [hbm4b:s9+s3], $0x80, v38, vm0, $0xb8;
	[tilespmem:$0x12800] =	vst v63  }
0x37b: {  	s20 =	sadd.s32 $0x7300, s18  }
0x37c: {  	[tilespmem:s20], [sflag:$0x1] =	stream.indirect_vreg.gather [hbm4b:s9+s3], $0x80, v40, vm0, $0xb8;
	[tilespmem:$0x12800] =	vst v63  }
0x37d: {  	s21 =	sadd.s32 $0x7380, s18  }
0x37e: {  	[tilespmem:s21], [sflag:$0x1] =	stream.indirect_vreg.gather [hbm4b:s9+s3], $0x80, v31, vm0, $0xb8;
	[tilespmem:$0x12800] =	vst v63  }
0x37f: {  	v31 =	vld [tilespmem:s17+$0x3590];
	_ =	sdelay $0x4  }
0x380: {  	v41 =	vshrl.u32 v31, $0x3  }
0x381: {  	v32 =	vmul.u32 $0x38, v41  }
0x382: {  	v31 =	vand.u32 $0x7, v31  }
0x383: {  	v31 =	vor.u32 v31, v32  }
0x384: {  	v32 =	vperm.xlane v31, v15;
	_ =	sdelay $0x1  }
0x385: {  	v42 =	vperm.xlane v31, v17;
	v32 =	vadd.s32 v16, v32;
	_ =	sdelay $0x1  }
0x386: {  	v43 =	vperm.xlane v31, v18;
	v33 =	vadd.s32 v16, v42;
	_ =	sdelay $0x1  }
0x387: {  	s20 =	sadd.s32 $0x7400, s18;
	v44 =	vperm.xlane v31, v13;
	v34 =	vadd.s32 v16, v43  }
0x388: {  	[tilespmem:s20], [sflag:$0x1] =	stream.indirect_vreg.gather [hbm4b:s9+s3], $0x80, v32, vm0, $0xb8;
	[tilespmem:$0x12800] =	vst v63  }
0x389: {  	s21 =	sadd.s32 $0x7480, s18;
	v46 =	vperm.xlane v31, v19;
	v45 =	vadd.s32 v16, v44  }
0x38a: {  	[tilespmem:s21], [sflag:$0x1] =	stream.indirect_vreg.gather [hbm4b:s9+s3], $0x80, v33, vm0, $0xb8;
	[tilespmem:$0x12800] =	vst v63  }
0x38b: {  	v48 =	vperm.xlane v31, v20;
	v47 =	vadd.s32 v16, v46;
	s20 =	sadd.s32 $0x7500, s18  }
0x38c: {  	[tilespmem:s20], [sflag:$0x1] =	stream.indirect_vreg.gather [hbm4b:s9+s3], $0x80, v34, vm0, $0xb8;
	[tilespmem:$0x12800] =	vst v63  }
0x38d: {  	v50 =	vperm.xlane v31, v21;
	v49 =	vadd.s32 v16, v48;
	s21 =	sadd.s32 $0x7580, s18  }
0x38e: {  	[tilespmem:s21], [sflag:$0x1] =	stream.indirect_vreg.gather [hbm4b:s9+s3], $0x80, v45, vm0, $0xb8;
	[tilespmem:$0x12800] =	vst v63  }
0x38f: {  	v52 =	vperm.xlane v31, v14;
	v51 =	vadd.s32 v16, v50;
	s20 =	sadd.s32 $0x7600, s18  }
0x390: {  	[tilespmem:s20], [sflag:$0x1] =	stream.indirect_vreg.gather [hbm4b:s9+s3], $0x80, v47, vm0, $0xb8;
	[tilespmem:$0x12800] =	vst v63  }
0x391: {  	v54 =	vperm.xlane v31, v22;
	v53 =	vadd.s32 v16, v52;
	s21 =	sadd.s32 $0x7680, s18  }
0x392: {  	[tilespmem:s21], [sflag:$0x1] =	stream.indirect_vreg.gather [hbm4b:s9+s3], $0x80, v49, vm0, $0xb8;
	[tilespmem:$0x12800] =	vst v63  }
0x393: {  	v56 =	vperm.xlane v31, v23;
	v55 =	vadd.s32 v16, v54;
	s20 =	sadd.s32 $0x7700, s18  }
0x394: {  	[tilespmem:s20], [sflag:$0x1] =	stream.indirect_vreg.gather [hbm4b:s9+s3], $0x80, v51, vm0, $0xb8;
	[tilespmem:$0x12800] =	vst v63  }
0x395: {  	v58 =	vperm.xlane v31, v24;
	v57 =	vadd.s32 v16, v56;
	s21 =	sadd.s32 $0x7780, s18  }
0x396: {  	[tilespmem:s21], [sflag:$0x1] =	stream.indirect_vreg.gather [hbm4b:s9+s3], $0x80, v53, vm0, $0xb8;
	[tilespmem:$0x12800] =	vst v63  }
0x397: {  	v60 =	vperm.xlane v31, v25;
	v59 =	vadd.s32 v16, v58;
	s20 =	sadd.s32 $0x7800, s18  }
0x398: {  	[tilespmem:s20], [sflag:$0x1] =	stream.indirect_vreg.gather [hbm4b:s9+s3], $0x80, v55, vm0, $0xb8;
	[tilespmem:$0x12800] =	vst v63  }
0x399: {  	v62 =	vperm.xlane v31, v26;
	v61 =	vadd.s32 v16, v60;
	s21 =	sadd.s32 $0x7880, s18  }
0x39a: {  	[tilespmem:s21], [sflag:$0x1] =	stream.indirect_vreg.gather [hbm4b:s9+s3], $0x80, v57, vm0, $0xb8;
	[tilespmem:$0x12800] =	vst v63  }
0x39b: {  	v36 =	vperm.xlane v31, v27;
	v63 =	vadd.s32 v16, v62;
	s20 =	sadd.s32 $0x7900, s18  }
0x39c: {  	[tilespmem:s20], [sflag:$0x1] =	stream.indirect_vreg.gather [hbm4b:s9+s3], $0x80, v59, vm0, $0xb8;
	[tilespmem:$0x12800] =	vst v63  }
0x39d: {  	v38 =	vperm.xlane v31, v28;
	v37 =	vadd.s32 v16, v36;
	s21 =	sadd.s32 $0x7980, s18  }
0x39e: {  	[tilespmem:s21], [sflag:$0x1] =	stream.indirect_vreg.gather [hbm4b:s9+s3], $0x80, v61, vm0, $0xb8;
	[tilespmem:$0x12800] =	vst v63  }
0x39f: {  	v31 =	vperm.xlane v31, v29;
	v39 =	vadd.s32 v16, v38;
	s20 =	sadd.s32 $0x7A00, s18  }
0x3a0: {  	[tilespmem:s20], [sflag:$0x1] =	stream.indirect_vreg.gather [hbm4b:s9+s3], $0x80, v63, vm0, $0xb8;
	[tilespmem:$0x12800] =	vst v63  }
0x3a1: {  	v31 =	vadd.s32 v16, v31;
	s21 =	sadd.s32 $0x7A80, s18  }
0x3a2: {  	[tilespmem:s21], [sflag:$0x1] =	stream.indirect_vreg.gather [hbm4b:s9+s3], $0x80, v37, vm0, $0xb8;
	[tilespmem:$0x12800] =	vst v63  }
0x3a3: {  	s20 =	sadd.s32 $0x7B00, s18  }
0x3a4: {  	[tilespmem:s20], [sflag:$0x1] =	stream.indirect_vreg.gather [hbm4b:s9+s3], $0x80, v39, vm0, $0xb8;
	[tilespmem:$0x12800] =	vst v63  }
0x3a5: {  	s21 =	sadd.s32 $0x7B80, s18  }
0x3a6: {  	[tilespmem:s21], [sflag:$0x1] =	stream.indirect_vreg.gather [hbm4b:s9+s3], $0x80, v31, vm0, $0xb8;
	[tilespmem:$0x12800] =	vst v63  }
0x3a7: {  	v31 =	vld [tilespmem:s17+$0x3600];
	_ =	sdelay $0x4  }
0x3a8: {  	v40 =	vshrl.u32 v31, $0x3  }
0x3a9: {  	v32 =	vmul.u32 $0x38, v40  }
0x3aa: {  	v31 =	vand.u32 $0x7, v31  }
0x3ab: {  	v31 =	vor.u32 v31, v32  }
0x3ac: {  	v32 =	vperm.xlane v31, v15;
	_ =	sdelay $0x1  }
0x3ad: {  	v41 =	vperm.xlane v31, v17;
	v32 =	vadd.s32 v16, v32;
	_ =	sdelay $0x1  }
0x3ae: {  	v42 =	vperm.xlane v31, v18;
	v33 =	vadd.s32 v16, v41;
	_ =	sdelay $0x1  }
0x3af: {  	s20 =	sadd.s32 $0x7C00, s18;
	v43 =	vperm.xlane v31, v13;
	v34 =	vadd.s32 v16, v42  }
0x3b0: {  	[tilespmem:s20], [sflag:$0x1] =	stream.indirect_vreg.gather [hbm4b:s10+s3], $0x80, v32, vm0, $0xb8;
	[tilespmem:$0x12800] =	vst v63  }
0x3b1: {  	s21 =	sadd.s32 $0x7C80, s18;
	v45 =	vperm.xlane v31, v19;
	v44 =	vadd.s32 v16, v43  }
0x3b2: {  	[tilespmem:s21], [sflag:$0x1] =	stream.indirect_vreg.gather [hbm4b:s10+s3], $0x80, v33, vm0, $0xb8;
	[tilespmem:$0x12800] =	vst v63  }
0x3b3: {  	v47 =	vperm.xlane v31, v20;
	v46 =	vadd.s32 v16, v45;
	s20 =	sadd.s32 $0x7D00, s18  }
0x3b4: {  	[tilespmem:s20], [sflag:$0x1] =	stream.indirect_vreg.gather [hbm4b:s10+s3], $0x80, v34, vm0, $0xb8;
	[tilespmem:$0x12800] =	vst v63  }
0x3b5: {  	v49 =	vperm.xlane v31, v21;
	v48 =	vadd.s32 v16, v47;
	s21 =	sadd.s32 $0x7D80, s18  }
0x3b6: {  	[tilespmem:s21], [sflag:$0x1] =	stream.indirect_vreg.gather [hbm4b:s10+s3], $0x80, v44, vm0, $0xb8;
	[tilespmem:$0x12800] =	vst v63  }
0x3b7: {  	v51 =	vperm.xlane v31, v14;
	v50 =	vadd.s32 v16, v49;
	s20 =	sadd.s32 $0x7E00, s18  }
0x3b8: {  	[tilespmem:s20], [sflag:$0x1] =	stream.indirect_vreg.gather [hbm4b:s10+s3], $0x80, v46, vm0, $0xb8;
	[tilespmem:$0x12800] =	vst v63  }
0x3b9: {  	v53 =	vperm.xlane v31, v22;
	v52 =	vadd.s32 v16, v51;
	s21 =	sadd.s32 $0x7E80, s18  }
0x3ba: {  	[tilespmem:s21], [sflag:$0x1] =	stream.indirect_vreg.gather [hbm4b:s10+s3], $0x80, v48, vm0, $0xb8;
	[tilespmem:$0x12800] =	vst v63  }
0x3bb: {  	v55 =	vperm.xlane v31, v23;
	v54 =	vadd.s32 v16, v53;
	s20 =	sadd.s32 $0x7F00, s18  }
0x3bc: {  	[tilespmem:s20], [sflag:$0x1] =	stream.indirect_vreg.gather [hbm4b:s10+s3], $0x80, v50, vm0, $0xb8;
	[tilespmem:$0x12800] =	vst v63  }
0x3bd: {  	v57 =	vperm.xlane v31, v24;
	v56 =	vadd.s32 v16, v55;
	s21 =	sadd.s32 $0x7F80, s18  }
0x3be: {  	[tilespmem:s21], [sflag:$0x1] =	stream.indirect_vreg.gather [hbm4b:s10+s3], $0x80, v52, vm0, $0xb8;
	[tilespmem:$0x12800] =	vst v63  }
0x3bf: {  	v59 =	vperm.xlane v31, v25;
	v58 =	vadd.s32 v16, v57;
	s20 =	sor.u32 $0x8000, s18  }
0x3c0: {  	[tilespmem:s20], [sflag:$0x1] =	stream.indirect_vreg.gather [hbm4b:s10+s3], $0x80, v54, vm0, $0xb8;
	[tilespmem:$0x12800] =	vst v63  }
0x3c1: {  	v61 =	vperm.xlane v31, v26;
	v60 =	vadd.s32 v16, v59;
	s21 =	sor.u32 $0x8080, s18  }
0x3c2: {  	[tilespmem:s21], [sflag:$0x1] =	stream.indirect_vreg.gather [hbm4b:s10+s3], $0x80, v56, vm0, $0xb8;
	[tilespmem:$0x12800] =	vst v63  }
0x3c3: {  	v63 =	vperm.xlane v31, v27;
	v62 =	vadd.s32 v16, v61;
	s20 =	sor.u32 $0x8100, s18  }
0x3c4: {  	[tilespmem:s20], [sflag:$0x1] =	stream.indirect_vreg.gather [hbm4b:s10+s3], $0x80, v58, vm0, $0xb8;
	[tilespmem:$0x12800] =	vst v63  }
0x3c5: {  	v37 =	vperm.xlane v31, v28;
	v36 =	vadd.s32 v16, v63;
	s21 =	sor.u32 $0x8180, s18  }
0x3c6: {  	[tilespmem:s21], [sflag:$0x1] =	stream.indirect_vreg.gather [hbm4b:s10+s3], $0x80, v60, vm0, $0xb8;
	[tilespmem:$0x12800] =	vst v63  }
0x3c7: {  	v31 =	vperm.xlane v31, v29;
	v38 =	vadd.s32 v16, v37;
	s20 =	sor.u32 $0x8200, s18  }
0x3c8: {  	[tilespmem:s20], [sflag:$0x1] =	stream.indirect_vreg.gather [hbm4b:s10+s3], $0x80, v62, vm0, $0xb8;
	[tilespmem:$0x12800] =	vst v63  }
0x3c9: {  	v31 =	vadd.s32 v16, v31;
	s21 =	sor.u32 $0x8280, s18  }
0x3ca: {  	[tilespmem:s21], [sflag:$0x1] =	stream.indirect_vreg.gather [hbm4b:s10+s3], $0x80, v36, vm0, $0xb8;
	[tilespmem:$0x12800] =	vst v63  }
0x3cb: {  	s20 =	sor.u32 $0x8300, s18  }
0x3cc: {  	[tilespmem:s20], [sflag:$0x1] =	stream.indirect_vreg.gather [hbm4b:s10+s3], $0x80, v38, vm0, $0xb8;
	[tilespmem:$0x12800] =	vst v63  }
0x3cd: {  	s21 =	sor.u32 $0x8380, s18  }
0x3ce: {  	[tilespmem:s21], [sflag:$0x1] =	stream.indirect_vreg.gather [hbm4b:s10+s3], $0x80, v31, vm0, $0xb8;
	[tilespmem:$0x12800] =	vst v63  }
0x3cf: {  	v31 =	vld [tilespmem:s17+$0x3610];
	_ =	sdelay $0x4  }
0x3d0: {  	v39 =	vshrl.u32 v31, $0x3  }
0x3d1: {  	v32 =	vmul.u32 $0x38, v39  }
0x3d2: {  	v31 =	vand.u32 $0x7, v31  }
0x3d3: {  	v31 =	vor.u32 v31, v32  }
0x3d4: {  	v32 =	vperm.xlane v31, v15;
	_ =	sdelay $0x1  }
0x3d5: {  	v40 =	vperm.xlane v31, v17;
	v32 =	vadd.s32 v16, v32;
	_ =	sdelay $0x1  }
0x3d6: {  	v41 =	vperm.xlane v31, v18;
	v33 =	vadd.s32 v16, v40;
	_ =	sdelay $0x1  }
0x3d7: {  	s20 =	sor.u32 $0x8400, s18;
	v42 =	vperm.xlane v31, v13;
	v34 =	vadd.s32 v16, v41  }
0x3d8: {  	[tilespmem:s20], [sflag:$0x1] =	stream.indirect_vreg.gather [hbm4b:s10+s3], $0x80, v32, vm0, $0xb8;
	[tilespmem:$0x12800] =	vst v63  }
0x3d9: {  	s21 =	sor.u32 $0x8480, s18;
	v44 =	vperm.xlane v31, v19;
	v43 =	vadd.s32 v16, v42  }
0x3da: {  	[tilespmem:s21], [sflag:$0x1] =	stream.indirect_vreg.gather [hbm4b:s10+s3], $0x80, v33, vm0, $0xb8;
	[tilespmem:$0x12800] =	vst v63  }
0x3db: {  	v46 =	vperm.xlane v31, v20;
	v45 =	vadd.s32 v16, v44;
	s20 =	sor.u32 $0x8500, s18  }
0x3dc: {  	[tilespmem:s20], [sflag:$0x1] =	stream.indirect_vreg.gather [hbm4b:s10+s3], $0x80, v34, vm0, $0xb8;
	[tilespmem:$0x12800] =	vst v63  }
0x3dd: {  	v48 =	vperm.xlane v31, v21;
	v47 =	vadd.s32 v16, v46;
	s21 =	sor.u32 $0x8580, s18  }
0x3de: {  	[tilespmem:s21], [sflag:$0x1] =	stream.indirect_vreg.gather [hbm4b:s10+s3], $0x80, v43, vm0, $0xb8;
	[tilespmem:$0x12800] =	vst v63  }
0x3df: {  	v50 =	vperm.xlane v31, v14;
	v49 =	vadd.s32 v16, v48;
	s20 =	sor.u32 $0x8600, s18  }
0x3e0: {  	[tilespmem:s20], [sflag:$0x1] =	stream.indirect_vreg.gather [hbm4b:s10+s3], $0x80, v45, vm0, $0xb8;
	[tilespmem:$0x12800] =	vst v63  }
0x3e1: {  	v52 =	vperm.xlane v31, v22;
	v51 =	vadd.s32 v16, v50;
	s21 =	sor.u32 $0x8680, s18  }
0x3e2: {  	[tilespmem:s21], [sflag:$0x1] =	stream.indirect_vreg.gather [hbm4b:s10+s3], $0x80, v47, vm0, $0xb8;
	[tilespmem:$0x12800] =	vst v63  }
0x3e3: {  	v54 =	vperm.xlane v31, v23;
	v53 =	vadd.s32 v16, v52;
	s20 =	sor.u32 $0x8700, s18  }
0x3e4: {  	[tilespmem:s20], [sflag:$0x1] =	stream.indirect_vreg.gather [hbm4b:s10+s3], $0x80, v49, vm0, $0xb8;
	[tilespmem:$0x12800] =	vst v63  }
0x3e5: {  	v56 =	vperm.xlane v31, v24;
	v55 =	vadd.s32 v16, v54;
	s21 =	sor.u32 $0x8780, s18  }
0x3e6: {  	[tilespmem:s21], [sflag:$0x1] =	stream.indirect_vreg.gather [hbm4b:s10+s3], $0x80, v51, vm0, $0xb8;
	[tilespmem:$0x12800] =	vst v63  }
0x3e7: {  	v58 =	vperm.xlane v31, v25;
	v57 =	vadd.s32 v16, v56;
	s20 =	sadd.s32 $0x8800, s18  }
0x3e8: {  	[tilespmem:s20], [sflag:$0x1] =	stream.indirect_vreg.gather [hbm4b:s10+s3], $0x80, v53, vm0, $0xb8;
	[tilespmem:$0x12800] =	vst v63  }
0x3e9: {  	v60 =	vperm.xlane v31, v26;
	v59 =	vadd.s32 v16, v58;
	s21 =	sadd.s32 $0x8880, s18  }
0x3ea: {  	[tilespmem:s21], [sflag:$0x1] =	stream.indirect_vreg.gather [hbm4b:s10+s3], $0x80, v55, vm0, $0xb8;
	[tilespmem:$0x12800] =	vst v63  }
0x3eb: {  	v62 =	vperm.xlane v31, v27;
	v61 =	vadd.s32 v16, v60;
	s20 =	sadd.s32 $0x8900, s18  }
0x3ec: {  	[tilespmem:s20], [sflag:$0x1] =	stream.indirect_vreg.gather [hbm4b:s10+s3], $0x80, v57, vm0, $0xb8;
	[tilespmem:$0x12800] =	vst v63  }
0x3ed: {  	v36 =	vperm.xlane v31, v28;
	v63 =	vadd.s32 v16, v62;
	s21 =	sadd.s32 $0x8980, s18  }
0x3ee: {  	[tilespmem:s21], [sflag:$0x1] =	stream.indirect_vreg.gather [hbm4b:s10+s3], $0x80, v59, vm0, $0xb8;
	[tilespmem:$0x12800] =	vst v63  }
0x3ef: {  	v31 =	vperm.xlane v31, v29;
	v37 =	vadd.s32 v16, v36;
	s20 =	sadd.s32 $0x8A00, s18  }
0x3f0: {  	[tilespmem:s20], [sflag:$0x1] =	stream.indirect_vreg.gather [hbm4b:s10+s3], $0x80, v61, vm0, $0xb8;
	[tilespmem:$0x12800] =	vst v63  }
0x3f1: {  	v31 =	vadd.s32 v16, v31;
	s21 =	sadd.s32 $0x8A80, s18  }
0x3f2: {  	[tilespmem:s21], [sflag:$0x1] =	stream.indirect_vreg.gather [hbm4b:s10+s3], $0x80, v63, vm0, $0xb8;
	[tilespmem:$0x12800] =	vst v63  }
0x3f3: {  	s20 =	sadd.s32 $0x8B00, s18  }
0x3f4: {  	[tilespmem:s20], [sflag:$0x1] =	stream.indirect_vreg.gather [hbm4b:s10+s3], $0x80, v37, vm0, $0xb8;
	[tilespmem:$0x12800] =	vst v63  }
0x3f5: {  	s21 =	sadd.s32 $0x8B80, s18  }
0x3f6: {  	[tilespmem:s21], [sflag:$0x1] =	stream.indirect_vreg.gather [hbm4b:s10+s3], $0x80, v31, vm0, $0xb8;
	[tilespmem:$0x12800] =	vst v63  }
0x3f7: {  	v31 =	vld [tilespmem:s17+$0x3680];
	_ =	sdelay $0x4  }
0x3f8: {  	v38 =	vshrl.u32 v31, $0x3  }
0x3f9: {  	v32 =	vmul.u32 $0x38, v38  }
0x3fa: {  	v31 =	vand.u32 $0x7, v31  }
0x3fb: {  	v31 =	vor.u32 v31, v32  }
0x3fc: {  	v32 =	vperm.xlane v31, v15;
	_ =	sdelay $0x1  }
0x3fd: {  	v39 =	vperm.xlane v31, v17;
	v32 =	vadd.s32 v16, v32;
	_ =	sdelay $0x1  }
0x3fe: {  	v40 =	vperm.xlane v31, v18;
	v33 =	vadd.s32 v16, v39;
	_ =	sdelay $0x1  }
0x3ff: {  	s20 =	sadd.s32 $0x8C00, s18;
	v41 =	vperm.xlane v31, v13;
	v34 =	vadd.s32 v16, v40  }
0x400: {  	[tilespmem:s20], [sflag:$0x1] =	stream.indirect_vreg.gather [hbm4b:s11+s3], $0x80, v32, vm0, $0xb8;
	[tilespmem:$0x12800] =	vst v63  }
0x401: {  	s21 =	sadd.s32 $0x8C80, s18;
	v43 =	vperm.xlane v31, v19;
	v42 =	vadd.s32 v16, v41  }
0x402: {  	[tilespmem:s21], [sflag:$0x1] =	stream.indirect_vreg.gather [hbm4b:s11+s3], $0x80, v33, vm0, $0xb8;
	[tilespmem:$0x12800] =	vst v63  }
0x403: {  	v45 =	vperm.xlane v31, v20;
	v44 =	vadd.s32 v16, v43;
	s20 =	sadd.s32 $0x8D00, s18  }
0x404: {  	[tilespmem:s20], [sflag:$0x1] =	stream.indirect_vreg.gather [hbm4b:s11+s3], $0x80, v34, vm0, $0xb8;
	[tilespmem:$0x12800] =	vst v63  }
0x405: {  	v47 =	vperm.xlane v31, v21;
	v46 =	vadd.s32 v16, v45;
	s21 =	sadd.s32 $0x8D80, s18  }
0x406: {  	[tilespmem:s21], [sflag:$0x1] =	stream.indirect_vreg.gather [hbm4b:s11+s3], $0x80, v42, vm0, $0xb8;
	[tilespmem:$0x12800] =	vst v63  }
0x407: {  	v49 =	vperm.xlane v31, v14;
	v48 =	vadd.s32 v16, v47;
	s20 =	sadd.s32 $0x8E00, s18  }
0x408: {  	[tilespmem:s20], [sflag:$0x1] =	stream.indirect_vreg.gather [hbm4b:s11+s3], $0x80, v44, vm0, $0xb8;
	[tilespmem:$0x12800] =	vst v63  }
0x409: {  	v51 =	vperm.xlane v31, v22;
	v50 =	vadd.s32 v16, v49;
	s21 =	sadd.s32 $0x8E80, s18  }
0x40a: {  	[tilespmem:s21], [sflag:$0x1] =	stream.indirect_vreg.gather [hbm4b:s11+s3], $0x80, v46, vm0, $0xb8;
	[tilespmem:$0x12800] =	vst v63  }
0x40b: {  	v53 =	vperm.xlane v31, v23;
	v52 =	vadd.s32 v16, v51;
	s20 =	sadd.s32 $0x8F00, s18  }
0x40c: {  	[tilespmem:s20], [sflag:$0x1] =	stream.indirect_vreg.gather [hbm4b:s11+s3], $0x80, v48, vm0, $0xb8;
	[tilespmem:$0x12800] =	vst v63  }
0x40d: {  	v55 =	vperm.xlane v31, v24;
	v54 =	vadd.s32 v16, v53;
	s21 =	sadd.s32 $0x8F80, s18  }
0x40e: {  	[tilespmem:s21], [sflag:$0x1] =	stream.indirect_vreg.gather [hbm4b:s11+s3], $0x80, v50, vm0, $0xb8;
	[tilespmem:$0x12800] =	vst v63  }
0x40f: {  	v57 =	vperm.xlane v31, v25;
	v56 =	vadd.s32 v16, v55;
	s20 =	sadd.s32 $0x9000, s18  }
0x410: {  	[tilespmem:s20], [sflag:$0x1] =	stream.indirect_vreg.gather [hbm4b:s11+s3], $0x80, v52, vm0, $0xb8;
	[tilespmem:$0x12800] =	vst v63  }
0x411: {  	v59 =	vperm.xlane v31, v26;
	v58 =	vadd.s32 v16, v57;
	s21 =	sadd.s32 $0x9080, s18  }
0x412: {  	[tilespmem:s21], [sflag:$0x1] =	stream.indirect_vreg.gather [hbm4b:s11+s3], $0x80, v54, vm0, $0xb8;
	[tilespmem:$0x12800] =	vst v63  }
0x413: {  	v61 =	vperm.xlane v31, v27;
	v60 =	vadd.s32 v16, v59;
	s20 =	sadd.s32 $0x9100, s18  }
0x414: {  	[tilespmem:s20], [sflag:$0x1] =	stream.indirect_vreg.gather [hbm4b:s11+s3], $0x80, v56, vm0, $0xb8;
	[tilespmem:$0x12800] =	vst v63  }
0x415: {  	v63 =	vperm.xlane v31, v28;
	v62 =	vadd.s32 v16, v61;
	s21 =	sadd.s32 $0x9180, s18  }
0x416: {  	[tilespmem:s21], [sflag:$0x1] =	stream.indirect_vreg.gather [hbm4b:s11+s3], $0x80, v58, vm0, $0xb8;
	[tilespmem:$0x12800] =	vst v63  }
0x417: {  	v31 =	vperm.xlane v31, v29;
	v36 =	vadd.s32 v16, v63;
	s20 =	sadd.s32 $0x9200, s18  }
0x418: {  	[tilespmem:s20], [sflag:$0x1] =	stream.indirect_vreg.gather [hbm4b:s11+s3], $0x80, v60, vm0, $0xb8;
	[tilespmem:$0x12800] =	vst v63  }
0x419: {  	v31 =	vadd.s32 v16, v31;
	s21 =	sadd.s32 $0x9280, s18  }
0x41a: {  	[tilespmem:s21], [sflag:$0x1] =	stream.indirect_vreg.gather [hbm4b:s11+s3], $0x80, v62, vm0, $0xb8;
	[tilespmem:$0x12800] =	vst v63  }
0x41b: {  	s20 =	sadd.s32 $0x9300, s18  }
0x41c: {  	[tilespmem:s20], [sflag:$0x1] =	stream.indirect_vreg.gather [hbm4b:s11+s3], $0x80, v36, vm0, $0xb8;
	[tilespmem:$0x12800] =	vst v63  }
0x41d: {  	s21 =	sadd.s32 $0x9380, s18  }
0x41e: {  	[tilespmem:s21], [sflag:$0x1] =	stream.indirect_vreg.gather [hbm4b:s11+s3], $0x80, v31, vm0, $0xb8;
	[tilespmem:$0x12800] =	vst v63  }
0x41f: {  	v31 =	vld [tilespmem:s17+$0x3690];
	_ =	sdelay $0x4  }
0x420: {  	v37 =	vshrl.u32 v31, $0x3  }
0x421: {  	v32 =	vmul.u32 $0x38, v37  }
0x422: {  	v31 =	vand.u32 $0x7, v31  }
0x423: {  	v31 =	vor.u32 v31, v32  }
0x424: {  	v32 =	vperm.xlane v31, v15;
	_ =	sdelay $0x1  }
0x425: {  	v38 =	vperm.xlane v31, v17;
	v32 =	vadd.s32 v16, v32;
	_ =	sdelay $0x1  }
0x426: {  	v39 =	vperm.xlane v31, v18;
	v33 =	vadd.s32 v16, v38;
	_ =	sdelay $0x1  }
0x427: {  	s20 =	sadd.s32 $0x9400, s18;
	v40 =	vperm.xlane v31, v13;
	v34 =	vadd.s32 v16, v39  }
0x428: {  	[tilespmem:s20], [sflag:$0x1] =	stream.indirect_vreg.gather [hbm4b:s11+s3], $0x80, v32, vm0, $0xb8;
	[tilespmem:$0x12800] =	vst v63  }
0x429: {  	s21 =	sadd.s32 $0x9480, s18;
	v42 =	vperm.xlane v31, v19;
	v41 =	vadd.s32 v16, v40  }
0x42a: {  	[tilespmem:s21], [sflag:$0x1] =	stream.indirect_vreg.gather [hbm4b:s11+s3], $0x80, v33, vm0, $0xb8;
	[tilespmem:$0x12800] =	vst v63  }
0x42b: {  	v44 =	vperm.xlane v31, v20;
	v43 =	vadd.s32 v16, v42;
	s20 =	sadd.s32 $0x9500, s18  }
0x42c: {  	[tilespmem:s20], [sflag:$0x1] =	stream.indirect_vreg.gather [hbm4b:s11+s3], $0x80, v34, vm0, $0xb8;
	[tilespmem:$0x12800] =	vst v63  }
0x42d: {  	v46 =	vperm.xlane v31, v21;
	v45 =	vadd.s32 v16, v44;
	s21 =	sadd.s32 $0x9580, s18  }
0x42e: {  	[tilespmem:s21], [sflag:$0x1] =	stream.indirect_vreg.gather [hbm4b:s11+s3], $0x80, v41, vm0, $0xb8;
	[tilespmem:$0x12800] =	vst v63  }
0x42f: {  	v48 =	vperm.xlane v31, v14;
	v47 =	vadd.s32 v16, v46;
	s20 =	sadd.s32 $0x9600, s18  }
0x430: {  	[tilespmem:s20], [sflag:$0x1] =	stream.indirect_vreg.gather [hbm4b:s11+s3], $0x80, v43, vm0, $0xb8;
	[tilespmem:$0x12800] =	vst v63  }
0x431: {  	v50 =	vperm.xlane v31, v22;
	v49 =	vadd.s32 v16, v48;
	s21 =	sadd.s32 $0x9680, s18  }
0x432: {  	[tilespmem:s21], [sflag:$0x1] =	stream.indirect_vreg.gather [hbm4b:s11+s3], $0x80, v45, vm0, $0xb8;
	[tilespmem:$0x12800] =	vst v63  }
0x433: {  	v52 =	vperm.xlane v31, v23;
	v51 =	vadd.s32 v16, v50;
	s20 =	sadd.s32 $0x9700, s18  }
0x434: {  	[tilespmem:s20], [sflag:$0x1] =	stream.indirect_vreg.gather [hbm4b:s11+s3], $0x80, v47, vm0, $0xb8;
	[tilespmem:$0x12800] =	vst v63  }
0x435: {  	v54 =	vperm.xlane v31, v24;
	v53 =	vadd.s32 v16, v52;
	s21 =	sadd.s32 $0x9780, s18  }
0x436: {  	[tilespmem:s21], [sflag:$0x1] =	stream.indirect_vreg.gather [hbm4b:s11+s3], $0x80, v49, vm0, $0xb8;
	[tilespmem:$0x12800] =	vst v63  }
0x437: {  	v56 =	vperm.xlane v31, v25;
	v55 =	vadd.s32 v16, v54;
	s20 =	sadd.s32 $0x9800, s18  }
0x438: {  	[tilespmem:s20], [sflag:$0x1] =	stream.indirect_vreg.gather [hbm4b:s11+s3], $0x80, v51, vm0, $0xb8;
	[tilespmem:$0x12800] =	vst v63  }
0x439: {  	v58 =	vperm.xlane v31, v26;
	v57 =	vadd.s32 v16, v56;
	s21 =	sadd.s32 $0x9880, s18  }
0x43a: {  	[tilespmem:s21], [sflag:$0x1] =	stream.indirect_vreg.gather [hbm4b:s11+s3], $0x80, v53, vm0, $0xb8;
	[tilespmem:$0x12800] =	vst v63  }
0x43b: {  	v60 =	vperm.xlane v31, v27;
	v59 =	vadd.s32 v16, v58;
	s20 =	sadd.s32 $0x9900, s18  }
0x43c: {  	[tilespmem:s20], [sflag:$0x1] =	stream.indirect_vreg.gather [hbm4b:s11+s3], $0x80, v55, vm0, $0xb8;
	[tilespmem:$0x12800] =	vst v63  }
0x43d: {  	v62 =	vperm.xlane v31, v28;
	v61 =	vadd.s32 v16, v60;
	s21 =	sadd.s32 $0x9980, s18  }
0x43e: {  	[tilespmem:s21], [sflag:$0x1] =	stream.indirect_vreg.gather [hbm4b:s11+s3], $0x80, v57, vm0, $0xb8;
	[tilespmem:$0x12800] =	vst v63  }
0x43f: {  	v31 =	vperm.xlane v31, v29;
	v63 =	vadd.s32 v16, v62;
	s20 =	sadd.s32 $0x9A00, s18  }
0x440: {  	[tilespmem:s20], [sflag:$0x1] =	stream.indirect_vreg.gather [hbm4b:s11+s3], $0x80, v59, vm0, $0xb8;
	[tilespmem:$0x12800] =	vst v63  }
0x441: {  	v31 =	vadd.s32 v16, v31;
	s21 =	sadd.s32 $0x9A80, s18  }
0x442: {  	[tilespmem:s21], [sflag:$0x1] =	stream.indirect_vreg.gather [hbm4b:s11+s3], $0x80, v61, vm0, $0xb8;
	[tilespmem:$0x12800] =	vst v63  }
0x443: {  	s20 =	sadd.s32 $0x9B00, s18  }
0x444: {  	[tilespmem:s20], [sflag:$0x1] =	stream.indirect_vreg.gather [hbm4b:s11+s3], $0x80, v63, vm0, $0xb8;
	[tilespmem:$0x12800] =	vst v63  }
0x445: {  	s21 =	sadd.s32 $0x9B80, s18  }
0x446: {  	[tilespmem:s21], [sflag:$0x1] =	stream.indirect_vreg.gather [hbm4b:s11+s3], $0x80, v31, vm0, $0xb8;
	[tilespmem:$0x12800] =	vst v63  }
0x447: {  	s17 =	sadd.s32 $0x3700, s17;
	s18 =	sadd.s32 $0x9C00, s18  }
0x448: {  	[tilespmem:s18], [sflag:$0x1] =	stream.indirect.gather [hbm4b:s2+s28], $0x80, s17, s28, $0xb8;
	[tilespmem:$0x12800] =	vst v63  }
.LBB2_4:
0x449: {  	s17 =	sand.u32 $0x1, s15  }
0x44a: {  	p0 =	seq.s32 s17, $0x1;
	s17 =	simm.s32 $0x1A000  }
0x44b: {  	s17 =	simm.s32 @!p0 $0x0  }
0x44c: {  	s17 =	sshrl.u32 s17, $0x2  }
0x44d: {  	v31 =	vmov s17;
	_ =	sdelay $0x1  }
0x44e: {  	_ =	swait.ge [sflag:s31], $0x6800  }
0x44f: {  	[sflag:s31] =	ssyncset.done $0x0  }
0x450: {  	[sflag:s31] =	ssyncadd.s32 $0xFFFF9800;
	s17 =	simm.s32 $0x3C00  }
0x451: {  	v32 =	vld.idx.msk [tilespmem:v31+s17+$0x0 ss:$0x1], $0xffff;
	_ =	sdelay $0x3  }
0x452: {  	s18 =	simm.s32 $0xFFFFFC00  }
0x453: {  	[tilespmem:s18+$0x11000] =	vst v32  }
0x454: {  	v32 =	vld.idx.msk [tilespmem:v31+s17+$0x10 ss:$0x1], $0xffff;
	_ =	sdelay $0x4  }
0x455: {  	[tilespmem:s18+$0x11010] =	vst v32  }
0x456: {  	v32 =	vld.idx.msk [tilespmem:v31+s17+$0xA0 ss:$0x1], $0xffff;
	_ =	sdelay $0x4  }
0x457: {  	[tilespmem:s18+$0x11020] =	vst v32  }
0x458: {  	v32 =	vld.idx.msk [tilespmem:v31+s17+$0xB0 ss:$0x1], $0xffff;
	_ =	sdelay $0x4  }
0x459: {  	[tilespmem:s18+$0x11030] =	vst v32  }
0x45a: {  	v32 =	vld.idx.msk [tilespmem:v31+s17+$0x140 ss:$0x1], $0xffff;
	_ =	sdelay $0x4  }
0x45b: {  	[tilespmem:s18+$0x11040] =	vst v32  }
0x45c: {  	v32 =	vld.idx.msk [tilespmem:v31+s17+$0x150 ss:$0x1], $0xffff;
	_ =	sdelay $0x4  }
0x45d: {  	[tilespmem:s18+$0x11050] =	vst v32  }
0x45e: {  	v32 =	vld.idx.msk [tilespmem:v31+s17+$0x1E0 ss:$0x1], $0xffff;
	_ =	sdelay $0x4  }
0x45f: {  	[tilespmem:s18+$0x11060] =	vst v32  }
0x460: {  	v32 =	vld.idx.msk [tilespmem:v31+s17+$0x1F0 ss:$0x1], $0xffff;
	_ =	sdelay $0x4  }
0x461: {  	[tilespmem:s18+$0x11070] =	vst v32  }
0x462: {  	v32 =	vld.idx.msk [tilespmem:v31+s17+$0x1000 ss:$0x1], $0xffff;
	_ =	sdelay $0x4  }
0x463: {  	[tilespmem:s18+$0x11400] =	vst v32  }
0x464: {  	v32 =	vld.idx.msk [tilespmem:v31+s17+$0x1010 ss:$0x1], $0xffff;
	_ =	sdelay $0x4  }
0x465: {  	[tilespmem:s18+$0x11410] =	vst v32  }
0x466: {  	v32 =	vld.idx.msk [tilespmem:v31+s17+$0x10A0 ss:$0x1], $0xffff;
	_ =	sdelay $0x4  }
0x467: {  	[tilespmem:s18+$0x11420] =	vst v32  }
0x468: {  	v32 =	vld.idx.msk [tilespmem:v31+s17+$0x10B0 ss:$0x1], $0xffff;
	_ =	sdelay $0x4  }
0x469: {  	[tilespmem:s18+$0x11430] =	vst v32  }
0x46a: {  	v32 =	vld.idx.msk [tilespmem:v31+s17+$0x1140 ss:$0x1], $0xffff;
	_ =	sdelay $0x4  }
0x46b: {  	[tilespmem:s18+$0x11440] =	vst v32  }
0x46c: {  	v32 =	vld.idx.msk [tilespmem:v31+s17+$0x1150 ss:$0x1], $0xffff;
	_ =	sdelay $0x4  }
0x46d: {  	[tilespmem:s18+$0x11450] =	vst v32  }
0x46e: {  	v32 =	vld.idx.msk [tilespmem:v31+s17+$0x11E0 ss:$0x1], $0xffff;
	_ =	sdelay $0x4  }
0x46f: {  	[tilespmem:s18+$0x11460] =	vst v32  }
0x470: {  	v32 =	vld.idx.msk [tilespmem:v31+s17+$0x11F0 ss:$0x1], $0xffff;
	_ =	sdelay $0x4  }
0x471: {  	[tilespmem:s18+$0x11470] =	vst v32  }
0x472: {  	v32 =	vld.idx.msk [tilespmem:v31+s17+$0x2000 ss:$0x1], $0xffff;
	_ =	sdelay $0x4  }
0x473: {  	[tilespmem:s18+$0x11800] =	vst v32  }
0x474: {  	v32 =	vld.idx.msk [tilespmem:v31+s17+$0x2010 ss:$0x1], $0xffff;
	_ =	sdelay $0x4  }
0x475: {  	[tilespmem:s18+$0x11810] =	vst v32  }
0x476: {  	v32 =	vld.idx.msk [tilespmem:v31+s17+$0x20A0 ss:$0x1], $0xffff;
	_ =	sdelay $0x4  }
0x477: {  	[tilespmem:s18+$0x11820] =	vst v32  }
0x478: {  	v32 =	vld.idx.msk [tilespmem:v31+s17+$0x20B0 ss:$0x1], $0xffff;
	_ =	sdelay $0x4  }
0x479: {  	[tilespmem:s18+$0x11830] =	vst v32  }
0x47a: {  	v32 =	vld.idx.msk [tilespmem:v31+s17+$0x2140 ss:$0x1], $0xffff;
	_ =	sdelay $0x4  }
0x47b: {  	[tilespmem:s18+$0x11840] =	vst v32  }
0x47c: {  	v32 =	vld.idx.msk [tilespmem:v31+s17+$0x2150 ss:$0x1], $0xffff;
	_ =	sdelay $0x4  }
0x47d: {  	[tilespmem:s18+$0x11850] =	vst v32  }
0x47e: {  	v32 =	vld.idx.msk [tilespmem:v31+s17+$0x21E0 ss:$0x1], $0xffff;
	_ =	sdelay $0x4  }
0x47f: {  	[tilespmem:s18+$0x11860] =	vst v32  }
0x480: {  	v32 =	vld.idx.msk [tilespmem:v31+s17+$0x21F0 ss:$0x1], $0xffff;
	_ =	sdelay $0x4  }
0x481: {  	[tilespmem:s18+$0x11870] =	vst v32  }
0x482: {  	v32 =	vld.idx.msk [tilespmem:v31+s17+$0x3000 ss:$0x1], $0xffff;
	_ =	sdelay $0x4  }
0x483: {  	[tilespmem:s18+$0x11C00] =	vst v32  }
0x484: {  	v32 =	vld.idx.msk [tilespmem:v31+s17+$0x3010 ss:$0x1], $0xffff;
	_ =	sdelay $0x4  }
0x485: {  	[tilespmem:s18+$0x11C10] =	vst v32  }
0x486: {  	v32 =	vld.idx.msk [tilespmem:v31+s17+$0x30A0 ss:$0x1], $0xffff;
	_ =	sdelay $0x4  }
0x487: {  	[tilespmem:s18+$0x11C20] =	vst v32  }
0x488: {  	v32 =	vld.idx.msk [tilespmem:v31+s17+$0x30B0 ss:$0x1], $0xffff;
	_ =	sdelay $0x4  }
0x489: {  	[tilespmem:s18+$0x11C30] =	vst v32  }
0x48a: {  	v32 =	vld.idx.msk [tilespmem:v31+s17+$0x3140 ss:$0x1], $0xffff;
	_ =	sdelay $0x4  }
0x48b: {  	[tilespmem:s18+$0x11C40] =	vst v32  }
0x48c: {  	v32 =	vld.idx.msk [tilespmem:v31+s17+$0x3150 ss:$0x1], $0xffff;
	_ =	sdelay $0x4  }
0x48d: {  	[tilespmem:s18+$0x11C50] =	vst v32  }
0x48e: {  	v32 =	vld.idx.msk [tilespmem:v31+s17+$0x31E0 ss:$0x1], $0xffff;
	_ =	sdelay $0x4  }
0x48f: {  	[tilespmem:s18+$0x11C60] =	vst v32  }
0x490: {  	v32 =	vld.idx.msk [tilespmem:v31+s17+$0x31F0 ss:$0x1], $0xffff;
	_ =	sdelay $0x4  }
0x491: {  	[tilespmem:s18+$0x11C70] =	vst v32  }
0x492: {  	v32 =	vld.idx.msk [tilespmem:v31+s17+$0x4000 ss:$0x1], $0xffff;
	_ =	sdelay $0x4  }
0x493: {  	[tilespmem:s18+$0x12000] =	vst v32  }
0x494: {  	v32 =	vld.idx.msk [tilespmem:v31+s17+$0x4010 ss:$0x1], $0xffff;
	_ =	sdelay $0x4  }
0x495: {  	[tilespmem:s18+$0x12010] =	vst v32  }
0x496: {  	v32 =	vld.idx.msk [tilespmem:v31+s17+$0x40A0 ss:$0x1], $0xffff;
	_ =	sdelay $0x4  }
0x497: {  	[tilespmem:s18+$0x12020] =	vst v32  }
0x498: {  	v32 =	vld.idx.msk [tilespmem:v31+s17+$0x40B0 ss:$0x1], $0xffff;
	_ =	sdelay $0x4  }
0x499: {  	[tilespmem:s18+$0x12030] =	vst v32  }
0x49a: {  	v32 =	vld.idx.msk [tilespmem:v31+s17+$0x4140 ss:$0x1], $0xffff;
	_ =	sdelay $0x4  }
0x49b: {  	[tilespmem:s18+$0x12040] =	vst v32  }
0x49c: {  	v32 =	vld.idx.msk [tilespmem:v31+s17+$0x4150 ss:$0x1], $0xffff;
	_ =	sdelay $0x4  }
0x49d: {  	[tilespmem:s18+$0x12050] =	vst v32  }
0x49e: {  	v32 =	vld.idx.msk [tilespmem:v31+s17+$0x41E0 ss:$0x1], $0xffff;
	_ =	sdelay $0x4  }
0x49f: {  	[tilespmem:s18+$0x12060] =	vst v32  }
0x4a0: {  	v32 =	vld.idx.msk [tilespmem:v31+s17+$0x41F0 ss:$0x1], $0xffff;
	_ =	sdelay $0x4  }
0x4a1: {  	[tilespmem:s18+$0x12070] =	vst v32  }
0x4a2: {  	v32 =	vld.idx.msk [tilespmem:v31+s17+$0x5000 ss:$0x1], $0xffff;
	_ =	sdelay $0x4  }
0x4a3: {  	[tilespmem:s18+$0x12400] =	vst v32  }
0x4a4: {  	v32 =	vld.idx.msk [tilespmem:v31+s17+$0x5010 ss:$0x1], $0xffff;
	_ =	sdelay $0x4  }
0x4a5: {  	[tilespmem:s18+$0x12410] =	vst v32  }
0x4a6: {  	v32 =	vld.idx.msk [tilespmem:v31+s17+$0x50A0 ss:$0x1], $0xffff;
	_ =	sdelay $0x4  }
0x4a7: {  	[tilespmem:s18+$0x12420] =	vst v32  }
0x4a8: {  	v32 =	vld.idx.msk [tilespmem:v31+s17+$0x50B0 ss:$0x1], $0xffff;
	_ =	sdelay $0x4  }
0x4a9: {  	[tilespmem:s18+$0x12430] =	vst v32  }
0x4aa: {  	v32 =	vld.idx.msk [tilespmem:v31+s17+$0x5140 ss:$0x1], $0xffff;
	_ =	sdelay $0x4  }
0x4ab: {  	[tilespmem:s18+$0x12440] =	vst v32  }
0x4ac: {  	v32 =	vld.idx.msk [tilespmem:v31+s17+$0x5150 ss:$0x1], $0xffff;
	_ =	sdelay $0x4  }
0x4ad: {  	[tilespmem:s18+$0x12450] =	vst v32  }
0x4ae: {  	v32 =	vld.idx.msk [tilespmem:v31+s17+$0x51E0 ss:$0x1], $0xffff;
	_ =	sdelay $0x4  }
0x4af: {  	[tilespmem:s18+$0x12460] =	vst v32  }
0x4b0: {  	v32 =	vld.idx.msk [tilespmem:v31+s17+$0x51F0 ss:$0x1], $0xffff;
	_ =	sdelay $0x4  }
0x4b1: {  	[tilespmem:s18+$0x12470] =	vst v32  }
0x4b2: {  	v32 =	vld.idx.msk [tilespmem:v31+s17+$0x6040 ss:$0x1], $0xffff;
	_ =	sdelay $0x4  }
0x4b3: {  	[tilespmem:s18+$0x12800] =	vst v32  }
0x4b4: {  	v32 =	vld.idx.msk [tilespmem:v31+s17+$0x6050 ss:$0x1], $0xffff;
	_ =	sdelay $0x4  }
0x4b5: {  	[tilespmem:s18+$0x12810] =	vst v32  }
0x4b6: {  	v32 =	vld.idx.msk [tilespmem:v31+s17+$0x60E0 ss:$0x1], $0xffff;
	_ =	sdelay $0x4  }
0x4b7: {  	[tilespmem:s18+$0x12820] =	vst v32  }
0x4b8: {  	v32 =	vld.idx.msk [tilespmem:v31+s17+$0x60F0 ss:$0x1], $0xffff;
	_ =	sdelay $0x4  }
0x4b9: {  	[tilespmem:s18+$0x12830] =	vst v32;
	s18 =	simm.s32 $0x3E00  }
0x4ba: {  	s19 =	simm.s32 $0xFFFFF200;
	s20 =	simm.s32 $0xFFFFF400;
	v32 =	vld.idx.msk [tilespmem:v31+s18+$0x0 ss:$0x1], $0xffff  }
.LBB2_5:
0x4bb: {  	p0 =	sne.s32 s20, $0xFFFFFE00;
	_ =	sdelay $0x3  }
0x4bc: {  	s21 =	sshra.s32 s19, $0x2;
	s19 =	smov.u32 s20  }
0x4bd: {  	[tilespmem:s21+$0x11000] =	vst v32  }
0x4be: {  	v32 =	vld.idx.msk [tilespmem:v31+s18+$0x10 ss:$0x1], $0xffff;
	_ =	sdelay $0x5  }
0x4bf: {  	[tilespmem:s21+$0x11010] =	vst v32  }
0x4c0: {  	v32 =	vld.idx.msk [tilespmem:v31+s18+$0xA0 ss:$0x1], $0xffff;
	_ =	sdelay $0x5  }
0x4c1: {  	[tilespmem:s21+$0x11020] =	vst v32  }
0x4c2: {  	v32 =	vld.idx.msk [tilespmem:v31+s18+$0xB0 ss:$0x1], $0xffff;
	_ =	sdelay $0x5  }
0x4c3: {  	[tilespmem:s21+$0x11030] =	vst v32  }
0x4c4: {  	v32 =	vld.idx.msk [tilespmem:v31+s18+$0x140 ss:$0x1], $0xffff;
	_ =	sdelay $0x5  }
0x4c5: {  	[tilespmem:s21+$0x11040] =	vst v32  }
0x4c6: {  	v32 =	vld.idx.msk [tilespmem:v31+s18+$0x150 ss:$0x1], $0xffff;
	_ =	sdelay $0x5  }
0x4c7: {  	[tilespmem:s21+$0x11050] =	vst v32  }
0x4c8: {  	v32 =	vld.idx.msk [tilespmem:v31+s18+$0x1E0 ss:$0x1], $0xffff;
	_ =	sdelay $0x5  }
0x4c9: {  	[tilespmem:s21+$0x11060] =	vst v32  }
0x4ca: {  	v32 =	vld.idx.msk [tilespmem:v31+s18+$0x1F0 ss:$0x1], $0xffff;
	_ =	sdelay $0x5  }
0x4cb: {  	[tilespmem:s21+$0x11070] =	vst v32  }
0x4cc: {  	v32 =	vld.idx.msk [tilespmem:v31+s18+$0x1000 ss:$0x1], $0xffff;
	_ =	sdelay $0x5  }
0x4cd: {  	[tilespmem:s21+$0x11400] =	vst v32  }
0x4ce: {  	v32 =	vld.idx.msk [tilespmem:v31+s18+$0x1010 ss:$0x1], $0xffff;
	_ =	sdelay $0x5  }
0x4cf: {  	[tilespmem:s21+$0x11410] =	vst v32  }
0x4d0: {  	v32 =	vld.idx.msk [tilespmem:v31+s18+$0x10A0 ss:$0x1], $0xffff;
	_ =	sdelay $0x5  }
0x4d1: {  	[tilespmem:s21+$0x11420] =	vst v32  }
0x4d2: {  	v32 =	vld.idx.msk [tilespmem:v31+s18+$0x10B0 ss:$0x1], $0xffff;
	_ =	sdelay $0x5  }
0x4d3: {  	[tilespmem:s21+$0x11430] =	vst v32  }
0x4d4: {  	v32 =	vld.idx.msk [tilespmem:v31+s18+$0x1140 ss:$0x1], $0xffff;
	_ =	sdelay $0x5  }
0x4d5: {  	[tilespmem:s21+$0x11440] =	vst v32  }
0x4d6: {  	v32 =	vld.idx.msk [tilespmem:v31+s18+$0x1150 ss:$0x1], $0xffff;
	_ =	sdelay $0x5  }
0x4d7: {  	[tilespmem:s21+$0x11450] =	vst v32  }
0x4d8: {  	v32 =	vld.idx.msk [tilespmem:v31+s18+$0x11E0 ss:$0x1], $0xffff;
	_ =	sdelay $0x5  }
0x4d9: {  	[tilespmem:s21+$0x11460] =	vst v32  }
0x4da: {  	v32 =	vld.idx.msk [tilespmem:v31+s18+$0x11F0 ss:$0x1], $0xffff;
	_ =	sdelay $0x5  }
0x4db: {  	[tilespmem:s21+$0x11470] =	vst v32  }
0x4dc: {  	v32 =	vld.idx.msk [tilespmem:v31+s18+$0x2000 ss:$0x1], $0xffff;
	_ =	sdelay $0x5  }
0x4dd: {  	[tilespmem:s21+$0x11800] =	vst v32  }
0x4de: {  	v32 =	vld.idx.msk [tilespmem:v31+s18+$0x2010 ss:$0x1], $0xffff;
	_ =	sdelay $0x5  }
0x4df: {  	[tilespmem:s21+$0x11810] =	vst v32  }
0x4e0: {  	v32 =	vld.idx.msk [tilespmem:v31+s18+$0x20A0 ss:$0x1], $0xffff;
	_ =	sdelay $0x5  }
0x4e1: {  	[tilespmem:s21+$0x11820] =	vst v32  }
0x4e2: {  	v32 =	vld.idx.msk [tilespmem:v31+s18+$0x20B0 ss:$0x1], $0xffff;
	_ =	sdelay $0x5  }
0x4e3: {  	[tilespmem:s21+$0x11830] =	vst v32  }
0x4e4: {  	v32 =	vld.idx.msk [tilespmem:v31+s18+$0x2140 ss:$0x1], $0xffff;
	_ =	sdelay $0x5  }
0x4e5: {  	[tilespmem:s21+$0x11840] =	vst v32  }
0x4e6: {  	v32 =	vld.idx.msk [tilespmem:v31+s18+$0x2150 ss:$0x1], $0xffff;
	_ =	sdelay $0x5  }
0x4e7: {  	[tilespmem:s21+$0x11850] =	vst v32  }
0x4e8: {  	v32 =	vld.idx.msk [tilespmem:v31+s18+$0x21E0 ss:$0x1], $0xffff;
	_ =	sdelay $0x5  }
0x4e9: {  	[tilespmem:s21+$0x11860] =	vst v32  }
0x4ea: {  	v32 =	vld.idx.msk [tilespmem:v31+s18+$0x21F0 ss:$0x1], $0xffff;
	_ =	sdelay $0x5  }
0x4eb: {  	[tilespmem:s21+$0x11870] =	vst v32  }
0x4ec: {  	v32 =	vld.idx.msk [tilespmem:v31+s18+$0x3000 ss:$0x1], $0xffff;
	_ =	sdelay $0x5  }
0x4ed: {  	[tilespmem:s21+$0x11C00] =	vst v32  }
0x4ee: {  	v32 =	vld.idx.msk [tilespmem:v31+s18+$0x3010 ss:$0x1], $0xffff;
	_ =	sdelay $0x5  }
0x4ef: {  	[tilespmem:s21+$0x11C10] =	vst v32  }
0x4f0: {  	v32 =	vld.idx.msk [tilespmem:v31+s18+$0x30A0 ss:$0x1], $0xffff;
	_ =	sdelay $0x5  }
0x4f1: {  	[tilespmem:s21+$0x11C20] =	vst v32  }
0x4f2: {  	v32 =	vld.idx.msk [tilespmem:v31+s18+$0x30B0 ss:$0x1], $0xffff;
	_ =	sdelay $0x5  }
0x4f3: {  	[tilespmem:s21+$0x11C30] =	vst v32  }
0x4f4: {  	v32 =	vld.idx.msk [tilespmem:v31+s18+$0x3140 ss:$0x1], $0xffff;
	_ =	sdelay $0x5  }
0x4f5: {  	[tilespmem:s21+$0x11C40] =	vst v32  }
0x4f6: {  	v32 =	vld.idx.msk [tilespmem:v31+s18+$0x3150 ss:$0x1], $0xffff;
	_ =	sdelay $0x5  }
0x4f7: {  	[tilespmem:s21+$0x11C50] =	vst v32  }
0x4f8: {  	v32 =	vld.idx.msk [tilespmem:v31+s18+$0x31E0 ss:$0x1], $0xffff;
	_ =	sdelay $0x5  }
0x4f9: {  	[tilespmem:s21+$0x11C60] =	vst v32  }
0x4fa: {  	v32 =	vld.idx.msk [tilespmem:v31+s18+$0x31F0 ss:$0x1], $0xffff;
	_ =	sdelay $0x5  }
0x4fb: {  	[tilespmem:s21+$0x11C70] =	vst v32  }
0x4fc: {  	v32 =	vld.idx.msk [tilespmem:v31+s18+$0x4000 ss:$0x1], $0xffff;
	_ =	sdelay $0x5  }
0x4fd: {  	[tilespmem:s21+$0x12000] =	vst v32  }
0x4fe: {  	v32 =	vld.idx.msk [tilespmem:v31+s18+$0x4010 ss:$0x1], $0xffff;
	_ =	sdelay $0x5  }
0x4ff: {  	[tilespmem:s21+$0x12010] =	vst v32  }
0x500: {  	v32 =	vld.idx.msk [tilespmem:v31+s18+$0x40A0 ss:$0x1], $0xffff;
	_ =	sdelay $0x5  }
0x501: {  	[tilespmem:s21+$0x12020] =	vst v32  }
0x502: {  	v32 =	vld.idx.msk [tilespmem:v31+s18+$0x40B0 ss:$0x1], $0xffff;
	_ =	sdelay $0x5  }
0x503: {  	[tilespmem:s21+$0x12030] =	vst v32  }
0x504: {  	v32 =	vld.idx.msk [tilespmem:v31+s18+$0x4140 ss:$0x1], $0xffff;
	_ =	sdelay $0x5  }
0x505: {  	[tilespmem:s21+$0x12040] =	vst v32  }
0x506: {  	v32 =	vld.idx.msk [tilespmem:v31+s18+$0x4150 ss:$0x1], $0xffff;
	_ =	sdelay $0x5  }
0x507: {  	[tilespmem:s21+$0x12050] =	vst v32  }
0x508: {  	v32 =	vld.idx.msk [tilespmem:v31+s18+$0x41E0 ss:$0x1], $0xffff;
	_ =	sdelay $0x5  }
0x509: {  	[tilespmem:s21+$0x12060] =	vst v32  }
0x50a: {  	v32 =	vld.idx.msk [tilespmem:v31+s18+$0x41F0 ss:$0x1], $0xffff;
	_ =	sdelay $0x5  }
0x50b: {  	[tilespmem:s21+$0x12070] =	vst v32  }
0x50c: {  	v32 =	vld.idx.msk [tilespmem:v31+s18+$0x5000 ss:$0x1], $0xffff;
	_ =	sdelay $0x5  }
0x50d: {  	[tilespmem:s21+$0x12400] =	vst v32  }
0x50e: {  	v32 =	vld.idx.msk [tilespmem:v31+s18+$0x5010 ss:$0x1], $0xffff;
	_ =	sdelay $0x5  }
0x50f: {  	[tilespmem:s21+$0x12410] =	vst v32  }
0x510: {  	v32 =	vld.idx.msk [tilespmem:v31+s18+$0x50A0 ss:$0x1], $0xffff;
	_ =	sdelay $0x5  }
0x511: {  	[tilespmem:s21+$0x12420] =	vst v32  }
0x512: {  	v32 =	vld.idx.msk [tilespmem:v31+s18+$0x50B0 ss:$0x1], $0xffff;
	_ =	sdelay $0x5  }
0x513: {  	[tilespmem:s21+$0x12430] =	vst v32  }
0x514: {  	v32 =	vld.idx.msk [tilespmem:v31+s18+$0x5140 ss:$0x1], $0xffff;
	_ =	sdelay $0x5  }
0x515: {  	[tilespmem:s21+$0x12440] =	vst v32  }
0x516: {  	v32 =	vld.idx.msk [tilespmem:v31+s18+$0x5150 ss:$0x1], $0xffff;
	_ =	sdelay $0x5  }
0x517: {  	[tilespmem:s21+$0x12450] =	vst v32  }
0x518: {  	v32 =	vld.idx.msk [tilespmem:v31+s18+$0x51E0 ss:$0x1], $0xffff;
	_ =	sdelay $0x5  }
0x519: {  	[tilespmem:s21+$0x12460] =	vst v32  }
0x51a: {  	v32 =	vld.idx.msk [tilespmem:v31+s18+$0x51F0 ss:$0x1], $0xffff;
	_ =	sdelay $0x5  }
0x51b: {  	s17 =	sadd.s32 $0x100, s17;
	[tilespmem:s21+$0x12470] =	vst v32  }
0x51c: {  	v32 =	vld.idx.msk [tilespmem:v31+s17+$0x6040 ss:$0x1], $0xffff;
	_ =	sdelay $0x5  }
0x51d: {  	[tilespmem:s21+$0x12800] =	vst v32  }
0x51e: {  	v32 =	vld.idx.msk [tilespmem:v31+s17+$0x6050 ss:$0x1], $0xffff;
	_ =	sdelay $0x5  }
0x51f: {  	[tilespmem:s21+$0x12810] =	vst v32  }
0x520: {  	v32 =	vld.idx.msk [tilespmem:v31+s17+$0x60E0 ss:$0x1], $0xffff;
	_ =	sdelay $0x5  }
0x521: {  	[tilespmem:s21+$0x12820] =	vst v32  }
0x522: {  	v32 =	vld.idx.msk [tilespmem:v31+s17+$0x60F0 ss:$0x1], $0xffff;
	_ =	sdelay $0x2  }
.Ltmp1:
0x523: {  	(pc) =	sbr.rel @p0 .LBB2_5-.Ltmp1, $3  }
0x524: {  	_ =	sdelay $0x1  }
0x525: {  	s18 =	sadd.s32 $0x200, s18;
	[tilespmem:s21+$0x12830] =	vst v32  }
0x526: {  	s20 =	sadd.s32 $0x200, s20;
	v32 =	vld.idx.msk [tilespmem:v31+s18+$0x0 ss:$0x1], $0xffff  }
0x527: {  	_ =	sdelay $0x2  }
0x528: {  	s19 =	sshra.s32 s19, $0x2  }
0x529: {  	[tilespmem:s19+$0x11000] =	vst v32  }
0x52a: {  	v32 =	vld.idx.msk [tilespmem:v31+s18+$0x10 ss:$0x1], $0xffff;
	_ =	sdelay $0x4  }
0x52b: {  	[tilespmem:s19+$0x11010] =	vst v32  }
0x52c: {  	v32 =	vld.idx.msk [tilespmem:v31+s18+$0xA0 ss:$0x1], $0xffff;
	_ =	sdelay $0x4  }
0x52d: {  	[tilespmem:s19+$0x11020] =	vst v32  }
0x52e: {  	v32 =	vld.idx.msk [tilespmem:v31+s18+$0xB0 ss:$0x1], $0xffff;
	_ =	sdelay $0x4  }
0x52f: {  	[tilespmem:s19+$0x11030] =	vst v32  }
0x530: {  	v32 =	vld.idx.msk [tilespmem:v31+s18+$0x140 ss:$0x1], $0xffff;
	_ =	sdelay $0x4  }
0x531: {  	[tilespmem:s19+$0x11040] =	vst v32  }
0x532: {  	v32 =	vld.idx.msk [tilespmem:v31+s18+$0x150 ss:$0x1], $0xffff;
	_ =	sdelay $0x4  }
0x533: {  	[tilespmem:s19+$0x11050] =	vst v32  }
0x534: {  	v32 =	vld.idx.msk [tilespmem:v31+s18+$0x1E0 ss:$0x1], $0xffff;
	_ =	sdelay $0x4  }
0x535: {  	[tilespmem:s19+$0x11060] =	vst v32  }
0x536: {  	v32 =	vld.idx.msk [tilespmem:v31+s18+$0x1F0 ss:$0x1], $0xffff;
	_ =	sdelay $0x4  }
0x537: {  	[tilespmem:s19+$0x11070] =	vst v32  }
0x538: {  	v32 =	vld.idx.msk [tilespmem:v31+s18+$0x1000 ss:$0x1], $0xffff;
	_ =	sdelay $0x4  }
0x539: {  	[tilespmem:s19+$0x11400] =	vst v32  }
0x53a: {  	v32 =	vld.idx.msk [tilespmem:v31+s18+$0x1010 ss:$0x1], $0xffff;
	_ =	sdelay $0x4  }
0x53b: {  	[tilespmem:s19+$0x11410] =	vst v32  }
0x53c: {  	v32 =	vld.idx.msk [tilespmem:v31+s18+$0x10A0 ss:$0x1], $0xffff;
	_ =	sdelay $0x4  }
0x53d: {  	[tilespmem:s19+$0x11420] =	vst v32  }
0x53e: {  	v32 =	vld.idx.msk [tilespmem:v31+s18+$0x10B0 ss:$0x1], $0xffff;
	_ =	sdelay $0x4  }
0x53f: {  	[tilespmem:s19+$0x11430] =	vst v32  }
0x540: {  	v32 =	vld.idx.msk [tilespmem:v31+s18+$0x1140 ss:$0x1], $0xffff;
	_ =	sdelay $0x4  }
0x541: {  	[tilespmem:s19+$0x11440] =	vst v32  }
0x542: {  	v32 =	vld.idx.msk [tilespmem:v31+s18+$0x1150 ss:$0x1], $0xffff;
	_ =	sdelay $0x4  }
0x543: {  	[tilespmem:s19+$0x11450] =	vst v32  }
0x544: {  	v32 =	vld.idx.msk [tilespmem:v31+s18+$0x11E0 ss:$0x1], $0xffff;
	_ =	sdelay $0x4  }
0x545: {  	[tilespmem:s19+$0x11460] =	vst v32  }
0x546: {  	v32 =	vld.idx.msk [tilespmem:v31+s18+$0x11F0 ss:$0x1], $0xffff;
	_ =	sdelay $0x4  }
0x547: {  	[tilespmem:s19+$0x11470] =	vst v32  }
0x548: {  	v32 =	vld.idx.msk [tilespmem:v31+s18+$0x2000 ss:$0x1], $0xffff;
	_ =	sdelay $0x4  }
0x549: {  	[tilespmem:s19+$0x11800] =	vst v32  }
0x54a: {  	v32 =	vld.idx.msk [tilespmem:v31+s18+$0x2010 ss:$0x1], $0xffff;
	_ =	sdelay $0x4  }
0x54b: {  	[tilespmem:s19+$0x11810] =	vst v32  }
0x54c: {  	v32 =	vld.idx.msk [tilespmem:v31+s18+$0x20A0 ss:$0x1], $0xffff;
	_ =	sdelay $0x4  }
0x54d: {  	[tilespmem:s19+$0x11820] =	vst v32  }
0x54e: {  	v32 =	vld.idx.msk [tilespmem:v31+s18+$0x20B0 ss:$0x1], $0xffff;
	_ =	sdelay $0x4  }
0x54f: {  	[tilespmem:s19+$0x11830] =	vst v32  }
0x550: {  	v32 =	vld.idx.msk [tilespmem:v31+s18+$0x2140 ss:$0x1], $0xffff;
	_ =	sdelay $0x4  }
0x551: {  	[tilespmem:s19+$0x11840] =	vst v32  }
0x552: {  	v32 =	vld.idx.msk [tilespmem:v31+s18+$0x2150 ss:$0x1], $0xffff;
	_ =	sdelay $0x4  }
0x553: {  	[tilespmem:s19+$0x11850] =	vst v32  }
0x554: {  	v32 =	vld.idx.msk [tilespmem:v31+s18+$0x21E0 ss:$0x1], $0xffff;
	_ =	sdelay $0x4  }
0x555: {  	[tilespmem:s19+$0x11860] =	vst v32  }
0x556: {  	v32 =	vld.idx.msk [tilespmem:v31+s18+$0x21F0 ss:$0x1], $0xffff;
	_ =	sdelay $0x4  }
0x557: {  	[tilespmem:s19+$0x11870] =	vst v32  }
0x558: {  	v32 =	vld.idx.msk [tilespmem:v31+s18+$0x3000 ss:$0x1], $0xffff;
	_ =	sdelay $0x4  }
0x559: {  	[tilespmem:s19+$0x11C00] =	vst v32  }
0x55a: {  	v32 =	vld.idx.msk [tilespmem:v31+s18+$0x3010 ss:$0x1], $0xffff;
	_ =	sdelay $0x4  }
0x55b: {  	[tilespmem:s19+$0x11C10] =	vst v32  }
0x55c: {  	v32 =	vld.idx.msk [tilespmem:v31+s18+$0x30A0 ss:$0x1], $0xffff;
	_ =	sdelay $0x4  }
0x55d: {  	[tilespmem:s19+$0x11C20] =	vst v32  }
0x55e: {  	v32 =	vld.idx.msk [tilespmem:v31+s18+$0x30B0 ss:$0x1], $0xffff;
	_ =	sdelay $0x4  }
0x55f: {  	[tilespmem:s19+$0x11C30] =	vst v32  }
0x560: {  	v32 =	vld.idx.msk [tilespmem:v31+s18+$0x3140 ss:$0x1], $0xffff;
	_ =	sdelay $0x4  }
0x561: {  	[tilespmem:s19+$0x11C40] =	vst v32  }
0x562: {  	v32 =	vld.idx.msk [tilespmem:v31+s18+$0x3150 ss:$0x1], $0xffff;
	_ =	sdelay $0x4  }
0x563: {  	[tilespmem:s19+$0x11C50] =	vst v32  }
0x564: {  	v32 =	vld.idx.msk [tilespmem:v31+s18+$0x31E0 ss:$0x1], $0xffff;
	_ =	sdelay $0x4  }
0x565: {  	[tilespmem:s19+$0x11C60] =	vst v32  }
0x566: {  	v32 =	vld.idx.msk [tilespmem:v31+s18+$0x31F0 ss:$0x1], $0xffff;
	_ =	sdelay $0x4  }
0x567: {  	[tilespmem:s19+$0x11C70] =	vst v32  }
0x568: {  	v32 =	vld.idx.msk [tilespmem:v31+s18+$0x4000 ss:$0x1], $0xffff;
	_ =	sdelay $0x4  }
0x569: {  	[tilespmem:s19+$0x12000] =	vst v32  }
0x56a: {  	v32 =	vld.idx.msk [tilespmem:v31+s18+$0x4010 ss:$0x1], $0xffff;
	_ =	sdelay $0x4  }
0x56b: {  	[tilespmem:s19+$0x12010] =	vst v32  }
0x56c: {  	v32 =	vld.idx.msk [tilespmem:v31+s18+$0x40A0 ss:$0x1], $0xffff;
	_ =	sdelay $0x4  }
0x56d: {  	[tilespmem:s19+$0x12020] =	vst v32  }
0x56e: {  	v32 =	vld.idx.msk [tilespmem:v31+s18+$0x40B0 ss:$0x1], $0xffff;
	_ =	sdelay $0x4  }
0x56f: {  	[tilespmem:s19+$0x12030] =	vst v32  }
0x570: {  	v32 =	vld.idx.msk [tilespmem:v31+s18+$0x4140 ss:$0x1], $0xffff;
	_ =	sdelay $0x4  }
0x571: {  	[tilespmem:s19+$0x12040] =	vst v32  }
0x572: {  	v32 =	vld.idx.msk [tilespmem:v31+s18+$0x4150 ss:$0x1], $0xffff;
	_ =	sdelay $0x4  }
0x573: {  	[tilespmem:s19+$0x12050] =	vst v32  }
0x574: {  	v32 =	vld.idx.msk [tilespmem:v31+s18+$0x41E0 ss:$0x1], $0xffff;
	_ =	sdelay $0x4  }
0x575: {  	[tilespmem:s19+$0x12060] =	vst v32  }
0x576: {  	v32 =	vld.idx.msk [tilespmem:v31+s18+$0x41F0 ss:$0x1], $0xffff;
	_ =	sdelay $0x4  }
0x577: {  	[tilespmem:s19+$0x12070] =	vst v32  }
0x578: {  	v32 =	vld.idx.msk [tilespmem:v31+s18+$0x5000 ss:$0x1], $0xffff;
	_ =	sdelay $0x4  }
0x579: {  	[tilespmem:s19+$0x12400] =	vst v32  }
0x57a: {  	v32 =	vld.idx.msk [tilespmem:v31+s18+$0x5010 ss:$0x1], $0xffff;
	_ =	sdelay $0x4  }
0x57b: {  	[tilespmem:s19+$0x12410] =	vst v32  }
0x57c: {  	v32 =	vld.idx.msk [tilespmem:v31+s18+$0x50A0 ss:$0x1], $0xffff;
	_ =	sdelay $0x4  }
0x57d: {  	[tilespmem:s19+$0x12420] =	vst v32  }
0x57e: {  	v32 =	vld.idx.msk [tilespmem:v31+s18+$0x50B0 ss:$0x1], $0xffff;
	_ =	sdelay $0x4  }
0x57f: {  	[tilespmem:s19+$0x12430] =	vst v32  }
0x580: {  	v32 =	vld.idx.msk [tilespmem:v31+s18+$0x5140 ss:$0x1], $0xffff;
	_ =	sdelay $0x4  }
0x581: {  	[tilespmem:s19+$0x12440] =	vst v32  }
0x582: {  	v32 =	vld.idx.msk [tilespmem:v31+s18+$0x5150 ss:$0x1], $0xffff;
	_ =	sdelay $0x4  }
0x583: {  	[tilespmem:s19+$0x12450] =	vst v32  }
0x584: {  	v32 =	vld.idx.msk [tilespmem:v31+s18+$0x51E0 ss:$0x1], $0xffff;
	_ =	sdelay $0x4  }
0x585: {  	[tilespmem:s19+$0x12460] =	vst v32  }
0x586: {  	v32 =	vld.idx.msk [tilespmem:v31+s18+$0x51F0 ss:$0x1], $0xffff;
	_ =	sdelay $0x4  }
0x587: {  	s17 =	sadd.s32 $0x100, s17;
	[tilespmem:s19+$0x12470] =	vst v32  }
0x588: {  	v32 =	vld.idx.msk [tilespmem:v31+s17+$0x6040 ss:$0x1], $0xffff;
	_ =	sdelay $0x4  }
0x589: {  	[tilespmem:s19+$0x12800] =	vst v32  }
0x58a: {  	v32 =	vld.idx.msk [tilespmem:v31+s17+$0x6050 ss:$0x1], $0xffff;
	_ =	sdelay $0x4  }
0x58b: {  	[tilespmem:s19+$0x12810] =	vst v32  }
0x58c: {  	v32 =	vld.idx.msk [tilespmem:v31+s17+$0x60E0 ss:$0x1], $0xffff;
	_ =	sdelay $0x4  }
0x58d: {  	[tilespmem:s19+$0x12820] =	vst v32  }
0x58e: {  	v31 =	vld.idx.msk [tilespmem:v31+s17+$0x60F0 ss:$0x1], $0xffff;
	_ =	sdelay $0x1  }
0x58f: {  	s15 =	sadd.s32 s12, s15  }
0x590: {  	s15 =	smul.u32 $0x380, s15  }
0x591: {  	p0 =	sne.s32 s16, $0x40  }
.Ltmp2:
0x592: {  	s15 =	sadd.s32 s5, s15;
	[tilespmem:s19+$0x12830] =	vst v31;
	(pc) =	sbr.rel @p0 .LBB2_2-.Ltmp2, $4  }
0x593: {  	[hbm4b:s15+s3] =	stream.linear.scatter [tilespmem:s1], [sflag:$0x2], $0x1C00, $0x38;
	[tilespmem:$0x12800] =	vst v63  }
0x594: {  	_ =	swait.ge [sflag:s14], $0x1C00  }
0x595: {  	[sflag:s14] =	ssyncset.done $0x0  }
0x596: {  	s15 =	smov.u32 s16;
	[sflag:s14] =	ssyncadd.s32 $0xFFFFE400  }
0x597: {  	s0 =	sadd.s32 $0x1, s0  }
0x598: {  	p0 =	sne.s32 s0, s13  }
.Ltmp3:
0x599: {  	_ = 	snop;
	(pc) =	sbr.rel @p0 .LBB2_1-.Ltmp3, $1  }
0x59a: {  	_ =	sdelay $0x3  }
0x59b: {  	_ =	sfence.sel $0x180000  }
0x59c: {  	[bflag:$0x0] =	sbarrier.arrive $0xFFFF  }
0x59d: {  	_ =	strace $0x90000047  }
0x59e: {  	s0 =	stileid.u32;
	[bflag:$0x2] =	sbarrier.arrive $0xFFFF  }
0x59f: {  	p0 =	sne.s32 s0, $0x0;
	s0 =	rddreg [dreg:$0x2]  }
0x5a0: {  	s0 =	sadd.s32 @!p0 $0x100000, s0  }
0x5a1: {  	[sflag:s0] =	ssyncadd.tile.s32 @!p0 $0x1;
	_ =	shalt  }
.Lfunc_end2:
_tile_overlayer_lowered:
.L_overlay_start_2:
0x5a2: {  	(tag) =	ssettag $0x2  }
0x5a3: {  	s0 =	rddreg [dreg:$0x0];
	s2 =	stileid.u32  }
0x5a4: {  	s1 =	rddreg [dreg:$0x1];
	p0 =	sne.s32 s2, $0x0  }
0x5a5: {  	s3 =	rddreg [dreg:$0x2];
	[bflag:$0x3] =	sbarrier.arrive $0xFFFF;
	s2 =	simm.s32 @!p0 $0x1C02  }
0x5a6: {  	[timem:s3], [sflag:s2] =	dma.local @!p0 [hbm:s0], s1  }
0x5a7: {  	s0 =	simm.s32 @!p0 $0x2  }
0x5a8: {  	_ =	swait.ge @!p0 [sflag:s0], s1  }
0x5a9: {  	s1 =	ssub.s32 @!p0 $0x0, s1;
	[sflag:s0] =	ssyncset.done @!p0 $0x0  }
0x5aa: {  	[sflag:s0] =	ssyncadd.s32 @!p0 s1  }
0x5ab: {  	[bflag:$0x3] =	sbarrier.arrive $0xFFFF  }
0x5ac: {  	_ =	shalt  }

</sc_bundles>
